<compile_context>
chip_gen: v7x
topology: tpu7x:2x2x1
jax: 0.10.2.dev20260603
libtpu: 0.0.44.dev20260713+nightly
codegen_flags: <defaults>
</compile_context>

<pallas_src>
import functools

import jax
import jax.numpy as jnp
from jax import lax
from jax.experimental import pallas as pl
from jax.experimental.pallas import tpu as pltpu
from jax.experimental.pallas import tpu_sc as plsc

B = 50000
S = 10
N = 50000
D = 128
L = 16
NC = 2
NS = 16
NW = NC * NS

C = 40
G = 4
IPC = C * S // G
NCHUNK = B // C
NJ_BASE = NCHUNK // NW
NJ_REM = NCHUNK % NW

_mesh = plsc.VectorSubcoreMesh(core_axis_name="c", subcore_axis_name="s")


@functools.partial(
    pl.kernel,
    out_type=jax.ShapeDtypeStruct((B, D), jnp.float32),
    mesh=_mesh,
    scratch_types=[
        pltpu.VMEM((2, G, IPC), jnp.int32),
        pltpu.VMEM((2, C, L), jnp.float32),
        pltpu.VMEM((2, C * S, D), jnp.float32),
        pltpu.VMEM((2, C, D), jnp.float32),
        pltpu.SemaphoreType.DMA,
        pltpu.SemaphoreType.DMA,
        pltpu.SemaphoreType.DMA,
    ],
    compiler_params=pltpu.CompilerParams(needs_layout_passes=False),
)
def _agg_kernel(idx_hbm, w_hbm, feat_hbm, out_hbm,
                idx_v, w_v, rows_v, out_v, sem_s, sem_g, sem_o):
    wid = lax.axis_index("s") * NC + lax.axis_index("c")
    nj = NJ_BASE + jnp.where(wid < NJ_REM, 1, 0)

    def stage(j):
        g = j * NW + wid
        p = j & 1
        pltpu.make_async_copy(idx_hbm.at[g], idx_v.at[p], sem_s).start()
        pltpu.make_async_copy(w_hbm.at[g], w_v.at[p], sem_s).start()

    def wait_stage(p):
        pltpu.make_async_copy(idx_hbm.at[0], idx_v.at[p], sem_s).wait()
        pltpu.make_async_copy(w_hbm.at[0], w_v.at[p], sem_s).wait()

    def gather_copies(j):
        p = j & 1
        return [
            pltpu.make_async_copy(
                feat_hbm.at[idx_v.at[p, c]],
                rows_v.at[p, pl.ds(c * IPC, IPC)],
                sem_g,
            )
            for c in range(G)
        ]

    def fire(j):
        for cp in gather_copies(j):
            cp.start()

    def wait_gathers(j):
        for cp in gather_copies(j):
            cp.wait()

    def out_copy(j):
        g = j * NW + wid
        p = j & 1
        return pltpu.make_async_copy(
            out_v.at[p], out_hbm.at[pl.ds(g * C, C)], sem_o)

    stage(0)
    wait_stage(0)
    fire(0)
    stage(1)

    def chunk_body(j, carry):
        p = j & 1
        wait_gathers(j)

        @pl.when(j + 1 < nj)
        def _():
            wait_stage(1 - p)
            fire(j + 1)

        @pl.when(j >= 2)
        def _():
            out_copy(j - 2).wait()

        @plsc.parallel_loop(0, C, unroll=4)
        def row_body(r):
            accs = [None] * (D // L)
            wsum = None
            for s in range(S):
                m = plsc.load_gather(
                    w_v,
                    [jnp.full((L,), p, jnp.int32),
                     jnp.full((L,), r, jnp.int32),
                     jnp.full((L,), s, jnp.int32)],
                )
                wsum = m if wsum is None else wsum + m
                base = r * S + s
                for dc in range(D // L):
                    row = rows_v[p, base, pl.ds(dc * L, L)]
                    accs[dc] = m * row if accs[dc] is None else accs[dc] + m * row
            inv = jnp.full((L,), 1.0, jnp.float32) / wsum
            for dc in range(D // L):
                out_v[p, r, pl.ds(dc * L, L)] = accs[dc] * inv

        @pl.when(j + 2 < nj)
        def _():
            stage(j + 2)

        out_copy(j).start()
        return carry

    lax.fori_loop(0, nj, chunk_body, 0)

    out_copy(nj - 2).wait()
    out_copy(nj - 1).wait()


def kernel(nodes, neigh_idx, neigh_weight, features):
    del nodes
    idx = neigh_idx.astype(jnp.int32).reshape(NCHUNK, G, IPC)
    w16 = jnp.pad(neigh_weight.astype(jnp.float32),
                  ((0, 0), (0, L - S))).reshape(NCHUNK, C, L)
    return _agg_kernel(idx, w16, features.astype(jnp.float32))

# --- scband reference (transcript-rebuilt; emitter-appended) ---
"""Pipeline reference for scband-weighted-aggregator-89489938580183 (READ-ONLY COPY).

The authoritative reference and input builder live on the scoring server;
editing this copy changes nothing except your own understanding.
"""

import jax, jax.numpy as jnp
import numpy as np

B = 50000   # batch of nodes
S = 10      # num_sample neighbors per node
N = 50000   # total nodes in graph (feature table rows)
D = 128     # d_feat
BETA = 1.0  # aggregator beta exponent


def setup_inputs(seed: int = 0) -> dict:
    key = jax.random.key(seed)
    k1, k2, k3, k4 = jax.random.split(key, 4)
    # batch node ids (unused by the math after tensorization, kept for fidelity)
    nodes = jax.random.randint(k1, (B,), 0, N, dtype=jnp.int64)
    # sampled neighbor ids per batch node (emulates random.sample over to_neighs)
    neigh_idx = jax.random.randint(k2, (B, S), 0, N, dtype=jnp.int64)
    # per-neighbor weights = degree values stored in (node, degree) tuples
    neigh_weight = jax.random.uniform(k3, (B, S), dtype=jnp.float32, minval=1.0, maxval=64.0)
    # features(...) lookup table
    features = jax.random.normal(k4, (N, D), dtype=jnp.float32)
    return {"nodes": nodes, "neigh_idx": neigh_idx, "neigh_weight": neigh_weight, "features": features}


def reference(nodes, neigh_idx, neigh_weight, features):
    # mask[i, unique_nodes[n]] = pow(degree(n), beta); here stored densely per
    # (batch-row, sampled-neighbor) instead of per unique node -- mathematically
    # identical to mask.mm(embed_matrix) since duplicate columns just sum.
    w = jnp.power(neigh_weight, BETA)                 # pow(node[1], self.beta)
    num_neigh = jnp.sum(w, axis=1, keepdims=True)     # mask.sum(1, keepdim=True)
    mask = w / num_neigh                              # mask.div(num_neigh)
    # embed_matrix = self.features(LongTensor(unique_nodes_list)) -> row gather
    feats = jnp.take(features, neigh_idx, axis=0)     # [B, S, D] gather (SparseCore)
    # to_feats = mask.mm(embed_matrix), restricted to each row's sampled columns
    to_feats = jnp.einsum('bs,bsd->bd', mask, feats)
    return to_feats

if __name__ == "__main__":
    import jax
    _d = setup_inputs()
    print(jax.jit(kernel)(*tuple(_d.values())))

</pallas_src>

<mosaic_0001>
#map = affine_map<(d0, d1) -> (0, 0, 0)>
#map1 = affine_map<(d0, d1) -> (0, 0)>
module attributes {stable_mosaic.version = 14 : i64} {
  func.func @_agg_kernel(%arg0: i32, %arg1: i32, %arg2: memref<1250x4x100xi32, #tpu.memory_space<hbm>>, %arg3: memref<1250x40x16xf32, #tpu.memory_space<hbm>>, %arg4: memref<50000x128xf32, #tpu.memory_space<hbm>>, %arg5: memref<50000x128xf32, #tpu.memory_space<hbm>>, %arg6: memref<2x4x100xi32, #tpu.memory_space<vmem>>, %arg7: memref<2x40x16xf32, #tpu.memory_space<vmem>>, %arg8: memref<2x400x128xf32, #tpu.memory_space<vmem>>, %arg9: memref<2x40x128xf32, #tpu.memory_space<vmem>>, %arg10: memref<!tpu.dma_semaphore, #tpu.memory_space<semaphore_mem>>, %arg11: memref<!tpu.dma_semaphore, #tpu.memory_space<semaphore_mem>>, %arg12: memref<!tpu.dma_semaphore, #tpu.memory_space<semaphore_mem>>) attributes {dimension_semantics = [#tpu.dimension_semantics<core_parallel>, #tpu.dimension_semantics<subcore_parallel>], iteration_bounds = array<i64: 2, 16>, scalar_prefetch = 0 : i64, scratch_operands = 7 : i64, tpu.core_type = #tpu.core_type<sc_vector_subcore>, window_params = [{transform_indices = #map}, {transform_indices = #map}, {transform_indices = #map1}, {transform_indices = #map1}]} {
    %mul3A = arith.constant 2 : i32
    %mul3A_0 = arith.muli %arg1, %mul3A : i32
    %add3A = arith.addi %mul3A_0, %arg0 : i32
    %lt3A = arith.constant 2 : i32
    %lt3A_1 = arith.cmpi slt, %add3A, %lt3A : i32
    %jit3A = arith.constant 1 : i32
    %jit3A_2 = arith.constant 0 : i32
    %select_n3A = arith.select %lt3A_1, %jit3A, %jit3A_2 : i32
    %add3A_3 = arith.constant 39 : i32
    %add3A_4 = arith.addi %add3A_3, %select_n3A : i32
    %add3A_5 = arith.constant 0 : i32
    %add3A_6 = arith.addi %add3A_5, %add3A : i32
    %dma_start3A = arith.constant 0 : i32
    %dma_start3A_7 = arith.constant 0 : i32
    %dma_start3A_8 = arith.constant 0 : i32
    %dma_start3A_9 = tpu.memref_slice %arg6[%dma_start3A, %dma_start3A_7, %dma_start3A_8] : memref<2x4x100xi32, #tpu.memory_space<vmem>> -> memref<1x4x100xi32, #tpu.memory_space<vmem>>
    %dma_start3A_10 = tpu.memref_squeeze %dma_start3A_9 : memref<1x4x100xi32, #tpu.memory_space<vmem>> -> memref<4x100xi32, #tpu.memory_space<vmem>>
    %dma_start3A_11 = arith.constant 0 : i32
    %dma_start3A_12 = arith.constant 0 : i32
    %dma_start3A_13 = tpu.memref_slice %arg2[%add3A_6, %dma_start3A_11, %dma_start3A_12] : memref<1250x4x100xi32, #tpu.memory_space<hbm>> -> memref<1x4x100xi32, #tpu.memory_space<hbm>>
    %dma_start3A_14 = tpu.memref_squeeze %dma_start3A_13 : memref<1x4x100xi32, #tpu.memory_space<hbm>> -> memref<4x100xi32, #tpu.memory_space<hbm>>
    %dma_start3A_15 = arith.constant 0 : i32
    %dma_start3A_16 = arith.constant 0 : i32
    %dma_start3A_17 = tpu.memref_slice %arg6[%dma_start3A, %dma_start3A_15, %dma_start3A_16] : memref<2x4x100xi32, #tpu.memory_space<vmem>> -> memref<1x4x100xi32, #tpu.memory_space<vmem>>
    %dma_start3A_18 = tpu.memref_squeeze %dma_start3A_17 : memref<1x4x100xi32, #tpu.memory_space<vmem>> -> memref<4x100xi32, #tpu.memory_space<vmem>>
    %dma_start3A_19 = arith.constant 0 : i32
    %dma_start3A_20 = arith.constant 0 : i32
    %dma_start3A_21 = tpu.memref_slice %arg2[%add3A_6, %dma_start3A_19, %dma_start3A_20] : memref<1250x4x100xi32, #tpu.memory_space<hbm>> -> memref<1x4x100xi32, #tpu.memory_space<hbm>>
    %dma_start3A_22 = tpu.memref_squeeze %dma_start3A_21 : memref<1x4x100xi32, #tpu.memory_space<hbm>> -> memref<4x100xi32, #tpu.memory_space<hbm>>
    tpu.enqueue_dma source(%dma_start3A_22 : memref<4x100xi32, #tpu.memory_space<hbm>>) target(%dma_start3A_18 : memref<4x100xi32, #tpu.memory_space<vmem>>) target_semaphore(%arg10 : memref<!tpu.dma_semaphore, #tpu.memory_space<semaphore_mem>>)
    %dma_start3A_23 = arith.constant 0 : i32
    %dma_start3A_24 = arith.constant 0 : i32
    %dma_start3A_25 = arith.constant 0 : i32
    %dma_start3A_26 = tpu.memref_slice %arg7[%dma_start3A_23, %dma_start3A_24, %dma_start3A_25] : memref<2x40x16xf32, #tpu.memory_space<vmem>> -> memref<1x40x16xf32, #tpu.memory_space<vmem>>
    %dma_start3A_27 = tpu.memref_squeeze %dma_start3A_26 : memref<1x40x16xf32, #tpu.memory_space<vmem>> -> memref<40x16xf32, #tpu.memory_space<vmem>>
    %dma_start3A_28 = arith.constant 0 : i32
    %dma_start3A_29 = arith.constant 0 : i32
    %dma_start3A_30 = tpu.memref_slice %arg3[%add3A_6, %dma_start3A_28, %dma_start3A_29] : memref<1250x40x16xf32, #tpu.memory_space<hbm>> -> memref<1x40x16xf32, #tpu.memory_space<hbm>>
    %dma_start3A_31 = tpu.memref_squeeze %dma_start3A_30 : memref<1x40x16xf32, #tpu.memory_space<hbm>> -> memref<40x16xf32, #tpu.memory_space<hbm>>
    %dma_start3A_32 = arith.constant 0 : i32
    %dma_start3A_33 = arith.constant 0 : i32
    %dma_start3A_34 = tpu.memref_slice %arg7[%dma_start3A_23, %dma_start3A_32, %dma_start3A_33] : memref<2x40x16xf32, #tpu.memory_space<vmem>> -> memref<1x40x16xf32, #tpu.memory_space<vmem>>
    %dma_start3A_35 = tpu.memref_squeeze %dma_start3A_34 : memref<1x40x16xf32, #tpu.memory_space<vmem>> -> memref<40x16xf32, #tpu.memory_space<vmem>>
    %dma_start3A_36 = arith.constant 0 : i32
    %dma_start3A_37 = arith.constant 0 : i32
    %dma_start3A_38 = tpu.memref_slice %arg3[%add3A_6, %dma_start3A_36, %dma_start3A_37] : memref<1250x40x16xf32, #tpu.memory_space<hbm>> -> memref<1x40x16xf32, #tpu.memory_space<hbm>>
    %dma_start3A_39 = tpu.memref_squeeze %dma_start3A_38 : memref<1x40x16xf32, #tpu.memory_space<hbm>> -> memref<40x16xf32, #tpu.memory_space<hbm>>
    tpu.enqueue_dma source(%dma_start3A_39 : memref<40x16xf32, #tpu.memory_space<hbm>>) target(%dma_start3A_35 : memref<40x16xf32, #tpu.memory_space<vmem>>) target_semaphore(%arg10 : memref<!tpu.dma_semaphore, #tpu.memory_space<semaphore_mem>>)
    %dma_wait3A = arith.constant 0 : i32
    %dma_wait3A_40 = arith.constant 0 : i32
    %dma_wait3A_41 = arith.constant 0 : i32
    %dma_wait3A_42 = arith.constant 0 : i32
    %dma_wait3A_43 = tpu.memref_slice %arg6[%dma_wait3A_40, %dma_wait3A_41, %dma_wait3A_42] : memref<2x4x100xi32, #tpu.memory_space<vmem>> -> memref<1x4x100xi32, #tpu.memory_space<vmem>>
    %dma_wait3A_44 = tpu.memref_squeeze %dma_wait3A_43 : memref<1x4x100xi32, #tpu.memory_space<vmem>> -> memref<4x100xi32, #tpu.memory_space<vmem>>
    %dma_wait3A_45 = arith.constant 0 : i32
    %dma_wait3A_46 = arith.constant 0 : i32
    %dma_wait3A_47 = tpu.memref_slice %arg2[%dma_wait3A, %dma_wait3A_45, %dma_wait3A_46] : memref<1250x4x100xi32, #tpu.memory_space<hbm>> -> memref<1x4x100xi32, #tpu.memory_space<hbm>>
    %dma_wait3A_48 = tpu.memref_squeeze %dma_wait3A_47 : memref<1x4x100xi32, #tpu.memory_space<hbm>> -> memref<4x100xi32, #tpu.memory_space<hbm>>
    %dma_wait3A_49 = arith.constant 0 : i32
    %dma_wait3A_50 = arith.constant 0 : i32
    %dma_wait3A_51 = tpu.memref_slice %arg6[%dma_wait3A_40, %dma_wait3A_49, %dma_wait3A_50] : memref<2x4x100xi32, #tpu.memory_space<vmem>> -> memref<1x4x100xi32, #tpu.memory_space<vmem>>
    %dma_wait3A_52 = tpu.memref_squeeze %dma_wait3A_51 : memref<1x4x100xi32, #tpu.memory_space<vmem>> -> memref<4x100xi32, #tpu.memory_space<vmem>>
    %dma_wait3A_53 = arith.constant 0 : i32
    %dma_wait3A_54 = arith.constant 0 : i32
    %dma_wait3A_55 = tpu.memref_slice %arg2[%dma_wait3A, %dma_wait3A_53, %dma_wait3A_54] : memref<1250x4x100xi32, #tpu.memory_space<hbm>> -> memref<1x4x100xi32, #tpu.memory_space<hbm>>
    %dma_wait3A_56 = tpu.memref_squeeze %dma_wait3A_55 : memref<1x4x100xi32, #tpu.memory_space<hbm>> -> memref<4x100xi32, #tpu.memory_space<hbm>>
    tpu.wait_dma2 semaphore(%arg10 : memref<!tpu.dma_semaphore, #tpu.memory_space<semaphore_mem>>) src(%dma_wait3A_56 : memref<4x100xi32, #tpu.memory_space<hbm>>) dst(%dma_wait3A_52 : memref<4x100xi32, #tpu.memory_space<vmem>>)
    %dma_wait3A_57 = arith.constant 0 : i32
    %dma_wait3A_58 = arith.constant 0 : i32
    %dma_wait3A_59 = arith.constant 0 : i32
    %dma_wait3A_60 = arith.constant 0 : i32
    %dma_wait3A_61 = tpu.memref_slice %arg7[%dma_wait3A_58, %dma_wait3A_59, %dma_wait3A_60] : memref<2x40x16xf32, #tpu.memory_space<vmem>> -> memref<1x40x16xf32, #tpu.memory_space<vmem>>
    %dma_wait3A_62 = tpu.memref_squeeze %dma_wait3A_61 : memref<1x40x16xf32, #tpu.memory_space<vmem>> -> memref<40x16xf32, #tpu.memory_space<vmem>>
    %dma_wait3A_63 = arith.constant 0 : i32
    %dma_wait3A_64 = arith.constant 0 : i32
    %dma_wait3A_65 = tpu.memref_slice %arg3[%dma_wait3A_57, %dma_wait3A_63, %dma_wait3A_64] : memref<1250x40x16xf32, #tpu.memory_space<hbm>> -> memref<1x40x16xf32, #tpu.memory_space<hbm>>
    %dma_wait3A_66 = tpu.memref_squeeze %dma_wait3A_65 : memref<1x40x16xf32, #tpu.memory_space<hbm>> -> memref<40x16xf32, #tpu.memory_space<hbm>>
    %dma_wait3A_67 = arith.constant 0 : i32
    %dma_wait3A_68 = arith.constant 0 : i32
    %dma_wait3A_69 = tpu.memref_slice %arg7[%dma_wait3A_58, %dma_wait3A_67, %dma_wait3A_68] : memref<2x40x16xf32, #tpu.memory_space<vmem>> -> memref<1x40x16xf32, #tpu.memory_space<vmem>>
    %dma_wait3A_70 = tpu.memref_squeeze %dma_wait3A_69 : memref<1x40x16xf32, #tpu.memory_space<vmem>> -> memref<40x16xf32, #tpu.memory_space<vmem>>
    %dma_wait3A_71 = arith.constant 0 : i32
    %dma_wait3A_72 = arith.constant 0 : i32
    %dma_wait3A_73 = tpu.memref_slice %arg3[%dma_wait3A_57, %dma_wait3A_71, %dma_wait3A_72] : memref<1250x40x16xf32, #tpu.memory_space<hbm>> -> memref<1x40x16xf32, #tpu.memory_space<hbm>>
    %dma_wait3A_74 = tpu.memref_squeeze %dma_wait3A_73 : memref<1x40x16xf32, #tpu.memory_space<hbm>> -> memref<40x16xf32, #tpu.memory_space<hbm>>
    tpu.wait_dma2 semaphore(%arg10 : memref<!tpu.dma_semaphore, #tpu.memory_space<semaphore_mem>>) src(%dma_wait3A_74 : memref<40x16xf32, #tpu.memory_space<hbm>>) dst(%dma_wait3A_70 : memref<40x16xf32, #tpu.memory_space<vmem>>)
    %dma_start3A_75 = arith.constant 0 : i32
    %dma_start3A_76 = arith.constant 0 : i32
    %dma_start3A_77 = arith.constant 0 : i32
    %dma_start3A_78 = arith.constant 0 : i32
    %dma_start3A_79 = arith.constant 0 : i32
    %dma_start3A_80 = tpu.memref_slice %arg8[%dma_start3A_77, %dma_start3A_78, %dma_start3A_79] : memref<2x400x128xf32, #tpu.memory_space<vmem>> -> memref<1x100x128xf32, #tpu.memory_space<vmem>>
    %dma_start3A_81 = tpu.memref_squeeze %dma_start3A_80 : memref<1x100x128xf32, #tpu.memory_space<vmem>> -> memref<100x128xf32, #tpu.memory_space<vmem>>
    %dma_start3A_82 = arith.constant 0 : i32
    %dma_start3A_83 = tpu.memref_slice %arg6[%dma_start3A_75, %dma_start3A_76, %dma_start3A_82] : memref<2x4x100xi32, #tpu.memory_space<vmem>> -> memref<1x1x100xi32, #tpu.memory_space<vmem>>
    %dma_start3A_84 = tpu.memref_squeeze %dma_start3A_83 : memref<1x1x100xi32, #tpu.memory_space<vmem>> -> memref<100xi32, #tpu.memory_space<vmem>>
    %dma_start3A_85 = arith.constant 0 : i32
    %dma_start3A_86 = arith.constant 0 : i32
    %dma_start3A_87 = tpu.memref_slice %arg4[%dma_start3A_85, %dma_start3A_86] : memref<50000x128xf32, #tpu.memory_space<hbm>> -> memref<50000x128xf32, #tpu.memory_space<hbm>>
    tpu.enqueue_indirect_dma source(%dma_start3A_87 : memref<50000x128xf32, #tpu.memory_space<hbm>>) target(%dma_start3A_81 : memref<100x128xf32, #tpu.memory_space<vmem>>) offsets(%dma_start3A_84 : memref<100xi32, #tpu.memory_space<vmem>>) semaphore(%arg11 : memref<!tpu.dma_semaphore, #tpu.memory_space<semaphore_mem>>)
    %dma_start3A_88 = arith.constant 0 : i32
    %dma_start3A_89 = arith.constant 1 : i32
    %dma_start3A_90 = arith.constant 0 : i32
    %dma_start3A_91 = arith.constant 100 : i32
    %dma_start3A_92 = arith.constant 0 : i32
    %dma_start3A_93 = tpu.memref_slice %arg8[%dma_start3A_90, %dma_start3A_91, %dma_start3A_92] : memref<2x400x128xf32, #tpu.memory_space<vmem>> -> memref<1x100x128xf32, #tpu.memory_space<vmem>>
    %dma_start3A_94 = tpu.memref_squeeze %dma_start3A_93 : memref<1x100x128xf32, #tpu.memory_space<vmem>> -> memref<100x128xf32, #tpu.memory_space<vmem>>
    %dma_start3A_95 = arith.constant 0 : i32
    %dma_start3A_96 = tpu.memref_slice %arg6[%dma_start3A_88, %dma_start3A_89, %dma_start3A_95] : memref<2x4x100xi32, #tpu.memory_space<vmem>> -> memref<1x1x100xi32, #tpu.memory_space<vmem>>
    %dma_start3A_97 = tpu.memref_squeeze %dma_start3A_96 : memref<1x1x100xi32, #tpu.memory_space<vmem>> -> memref<100xi32, #tpu.memory_space<vmem>>
    %dma_start3A_98 = arith.constant 0 : i32
    %dma_start3A_99 = arith.constant 0 : i32
    %dma_start3A_100 = tpu.memref_slice %arg4[%dma_start3A_98, %dma_start3A_99] : memref<50000x128xf32, #tpu.memory_space<hbm>> -> memref<50000x128xf32, #tpu.memory_space<hbm>>
    tpu.enqueue_indirect_dma source(%dma_start3A_100 : memref<50000x128xf32, #tpu.memory_space<hbm>>) target(%dma_start3A_94 : memref<100x128xf32, #tpu.memory_space<vmem>>) offsets(%dma_start3A_97 : memref<100xi32, #tpu.memory_space<vmem>>) semaphore(%arg11 : memref<!tpu.dma_semaphore, #tpu.memory_space<semaphore_mem>>)
    %dma_start3A_101 = arith.constant 0 : i32
    %dma_start3A_102 = arith.constant 2 : i32
    %dma_start3A_103 = arith.constant 0 : i32
    %dma_start3A_104 = arith.constant 200 : i32
    %dma_start3A_105 = arith.constant 0 : i32
    %dma_start3A_106 = tpu.memref_slice %arg8[%dma_start3A_103, %dma_start3A_104, %dma_start3A_105] : memref<2x400x128xf32, #tpu.memory_space<vmem>> -> memref<1x100x128xf32, #tpu.memory_space<vmem>>
    %dma_start3A_107 = tpu.memref_squeeze %dma_start3A_106 : memref<1x100x128xf32, #tpu.memory_space<vmem>> -> memref<100x128xf32, #tpu.memory_space<vmem>>
    %dma_start3A_108 = arith.constant 0 : i32
    %dma_start3A_109 = tpu.memref_slice %arg6[%dma_start3A_101, %dma_start3A_102, %dma_start3A_108] : memref<2x4x100xi32, #tpu.memory_space<vmem>> -> memref<1x1x100xi32, #tpu.memory_space<vmem>>
    %dma_start3A_110 = tpu.memref_squeeze %dma_start3A_109 : memref<1x1x100xi32, #tpu.memory_space<vmem>> -> memref<100xi32, #tpu.memory_space<vmem>>
    %dma_start3A_111 = arith.constant 0 : i32
    %dma_start3A_112 = arith.constant 0 : i32
    %dma_start3A_113 = tpu.memref_slice %arg4[%dma_start3A_111, %dma_start3A_112] : memref<50000x128xf32, #tpu.memory_space<hbm>> -> memref<50000x128xf32, #tpu.memory_space<hbm>>
    tpu.enqueue_indirect_dma source(%dma_start3A_113 : memref<50000x128xf32, #tpu.memory_space<hbm>>) target(%dma_start3A_107 : memref<100x128xf32, #tpu.memory_space<vmem>>) offsets(%dma_start3A_110 : memref<100xi32, #tpu.memory_space<vmem>>) semaphore(%arg11 : memref<!tpu.dma_semaphore, #tpu.memory_space<semaphore_mem>>)
    %dma_start3A_114 = arith.constant 0 : i32
    %dma_start3A_115 = arith.constant 3 : i32
    %dma_start3A_116 = arith.constant 0 : i32
    %dma_start3A_117 = arith.constant 300 : i32
    %dma_start3A_118 = arith.constant 0 : i32
    %dma_start3A_119 = tpu.memref_slice %arg8[%dma_start3A_116, %dma_start3A_117, %dma_start3A_118] : memref<2x400x128xf32, #tpu.memory_space<vmem>> -> memref<1x100x128xf32, #tpu.memory_space<vmem>>
    %dma_start3A_120 = tpu.memref_squeeze %dma_start3A_119 : memref<1x100x128xf32, #tpu.memory_space<vmem>> -> memref<100x128xf32, #tpu.memory_space<vmem>>
    %dma_start3A_121 = arith.constant 0 : i32
    %dma_start3A_122 = tpu.memref_slice %arg6[%dma_start3A_114, %dma_start3A_115, %dma_start3A_121] : memref<2x4x100xi32, #tpu.memory_space<vmem>> -> memref<1x1x100xi32, #tpu.memory_space<vmem>>
    %dma_start3A_123 = tpu.memref_squeeze %dma_start3A_122 : memref<1x1x100xi32, #tpu.memory_space<vmem>> -> memref<100xi32, #tpu.memory_space<vmem>>
    %dma_start3A_124 = arith.constant 0 : i32
    %dma_start3A_125 = arith.constant 0 : i32
    %dma_start3A_126 = tpu.memref_slice %arg4[%dma_start3A_124, %dma_start3A_125] : memref<50000x128xf32, #tpu.memory_space<hbm>> -> memref<50000x128xf32, #tpu.memory_space<hbm>>
    tpu.enqueue_indirect_dma source(%dma_start3A_126 : memref<50000x128xf32, #tpu.memory_space<hbm>>) target(%dma_start3A_120 : memref<100x128xf32, #tpu.memory_space<vmem>>) offsets(%dma_start3A_123 : memref<100xi32, #tpu.memory_space<vmem>>) semaphore(%arg11 : memref<!tpu.dma_semaphore, #tpu.memory_space<semaphore_mem>>)
    %add3A_127 = arith.constant 32 : i32
    %add3A_128 = arith.addi %add3A_127, %add3A : i32
    %dma_start3A_129 = arith.constant 1 : i32
    %dma_start3A_130 = arith.constant 0 : i32
    %dma_start3A_131 = arith.constant 0 : i32
    %dma_start3A_132 = tpu.memref_slice %arg6[%dma_start3A_129, %dma_start3A_130, %dma_start3A_131] : memref<2x4x100xi32, #tpu.memory_space<vmem>> -> memref<1x4x100xi32, #tpu.memory_space<vmem>>
    %dma_start3A_133 = tpu.memref_squeeze %dma_start3A_132 : memref<1x4x100xi32, #tpu.memory_space<vmem>> -> memref<4x100xi32, #tpu.memory_space<vmem>>
    %dma_start3A_134 = arith.constant 0 : i32
    %dma_start3A_135 = arith.constant 0 : i32
    %dma_start3A_136 = tpu.memref_slice %arg2[%add3A_128, %dma_start3A_134, %dma_start3A_135] : memref<1250x4x100xi32, #tpu.memory_space<hbm>> -> memref<1x4x100xi32, #tpu.memory_space<hbm>>
    %dma_start3A_137 = tpu.memref_squeeze %dma_start3A_136 : memref<1x4x100xi32, #tpu.memory_space<hbm>> -> memref<4x100xi32, #tpu.memory_space<hbm>>
    %dma_start3A_138 = arith.constant 0 : i32
    %dma_start3A_139 = arith.constant 0 : i32
    %dma_start3A_140 = tpu.memref_slice %arg6[%dma_start3A_129, %dma_start3A_138, %dma_start3A_139] : memref<2x4x100xi32, #tpu.memory_space<vmem>> -> memref<1x4x100xi32, #tpu.memory_space<vmem>>
    %dma_start3A_141 = tpu.memref_squeeze %dma_start3A_140 : memref<1x4x100xi32, #tpu.memory_space<vmem>> -> memref<4x100xi32, #tpu.memory_space<vmem>>
    %dma_start3A_142 = arith.constant 0 : i32
    %dma_start3A_143 = arith.constant 0 : i32
    %dma_start3A_144 = tpu.memref_slice %arg2[%add3A_128, %dma_start3A_142, %dma_start3A_143] : memref<1250x4x100xi32, #tpu.memory_space<hbm>> -> memref<1x4x100xi32, #tpu.memory_space<hbm>>
    %dma_start3A_145 = tpu.memref_squeeze %dma_start3A_144 : memref<1x4x100xi32, #tpu.memory_space<hbm>> -> memref<4x100xi32, #tpu.memory_space<hbm>>
    tpu.enqueue_dma source(%dma_start3A_145 : memref<4x100xi32, #tpu.memory_space<hbm>>) target(%dma_start3A_141 : memref<4x100xi32, #tpu.memory_space<vmem>>) target_semaphore(%arg10 : memref<!tpu.dma_semaphore, #tpu.memory_space<semaphore_mem>>)
    %dma_start3A_146 = arith.constant 1 : i32
    %dma_start3A_147 = arith.constant 0 : i32
    %dma_start3A_148 = arith.constant 0 : i32
    %dma_start3A_149 = tpu.memref_slice %arg7[%dma_start3A_146, %dma_start3A_147, %dma_start3A_148] : memref<2x40x16xf32, #tpu.memory_space<vmem>> -> memref<1x40x16xf32, #tpu.memory_space<vmem>>
    %dma_start3A_150 = tpu.memref_squeeze %dma_start3A_149 : memref<1x40x16xf32, #tpu.memory_space<vmem>> -> memref<40x16xf32, #tpu.memory_space<vmem>>
    %dma_start3A_151 = arith.constant 0 : i32
    %dma_start3A_152 = arith.constant 0 : i32
    %dma_start3A_153 = tpu.memref_slice %arg3[%add3A_128, %dma_start3A_151, %dma_start3A_152] : memref<1250x40x16xf32, #tpu.memory_space<hbm>> -> memref<1x40x16xf32, #tpu.memory_space<hbm>>
    %dma_start3A_154 = tpu.memref_squeeze %dma_start3A_153 : memref<1x40x16xf32, #tpu.memory_space<hbm>> -> memref<40x16xf32, #tpu.memory_space<hbm>>
    %dma_start3A_155 = arith.constant 0 : i32
    %dma_start3A_156 = arith.constant 0 : i32
    %dma_start3A_157 = tpu.memref_slice %arg7[%dma_start3A_146, %dma_start3A_155, %dma_start3A_156] : memref<2x40x16xf32, #tpu.memory_space<vmem>> -> memref<1x40x16xf32, #tpu.memory_space<vmem>>
    %dma_start3A_158 = tpu.memref_squeeze %dma_start3A_157 : memref<1x40x16xf32, #tpu.memory_space<vmem>> -> memref<40x16xf32, #tpu.memory_space<vmem>>
    %dma_start3A_159 = arith.constant 0 : i32
    %dma_start3A_160 = arith.constant 0 : i32
    %dma_start3A_161 = tpu.memref_slice %arg3[%add3A_128, %dma_start3A_159, %dma_start3A_160] : memref<1250x40x16xf32, #tpu.memory_space<hbm>> -> memref<1x40x16xf32, #tpu.memory_space<hbm>>
    %dma_start3A_162 = tpu.memref_squeeze %dma_start3A_161 : memref<1x40x16xf32, #tpu.memory_space<hbm>> -> memref<40x16xf32, #tpu.memory_space<hbm>>
    tpu.enqueue_dma source(%dma_start3A_162 : memref<40x16xf32, #tpu.memory_space<hbm>>) target(%dma_start3A_158 : memref<40x16xf32, #tpu.memory_space<vmem>>) target_semaphore(%arg10 : memref<!tpu.dma_semaphore, #tpu.memory_space<semaphore_mem>>)
    %while3A = arith.constant 0 : i32
    %while3A_163 = arith.constant 0 : i32
    %while3A_164 = arith.subi %add3A_4, %while3A_163 : i32
    %while3A_165 = arith.addi %while3A_163, %while3A_164 : i32
    %while3A_166 = arith.constant 1 : i32
    %while3A_167 = arith.divsi %while3A_164, %while3A_166 : i32
    %while3A_168 = arith.muli %while3A_167, %while3A_166 : i32
    %while3A_169 = arith.addi %while3A_163, %while3A_168 : i32
    %while3A_170 = arith.constant 1 : i32
    scf.for %while3A_212 = %while3A_163 to %while3A_169 step %while3A_170  : i32 {
      %and3A_213 = arith.constant 1 : i32
      %and3A_214 = arith.andi %while3A_212, %and3A_213 : i32
      %and3A_215 = arith.constant 1 : i32
      %and3A_216 = arith.andi %while3A_212, %and3A_215 : i32
      %dma_wait3A_217 = arith.constant 0 : i32
      %dma_wait3A_218 = arith.constant 0 : i32
      %dma_wait3A_219 = arith.constant 0 : i32
      %dma_wait3A_220 = tpu.memref_slice %arg8[%and3A_216, %dma_wait3A_218, %dma_wait3A_219] : memref<2x400x128xf32, #tpu.memory_space<vmem>> -> memref<1x100x128xf32, #tpu.memory_space<vmem>>
      %dma_wait3A_221 = tpu.memref_squeeze %dma_wait3A_220 : memref<1x100x128xf32, #tpu.memory_space<vmem>> -> memref<100x128xf32, #tpu.memory_space<vmem>>
      %dma_wait3A_222 = arith.constant 0 : i32
      %dma_wait3A_223 = tpu.memref_slice %arg6[%and3A_216, %dma_wait3A_217, %dma_wait3A_222] : memref<2x4x100xi32, #tpu.memory_space<vmem>> -> memref<1x1x100xi32, #tpu.memory_space<vmem>>
      %dma_wait3A_224 = tpu.memref_squeeze %dma_wait3A_223 : memref<1x1x100xi32, #tpu.memory_space<vmem>> -> memref<100xi32, #tpu.memory_space<vmem>>
      %dma_wait3A_225 = arith.constant 0 : i32
      %dma_wait3A_226 = arith.constant 0 : i32
      %dma_wait3A_227 = tpu.memref_slice %arg4[%dma_wait3A_225, %dma_wait3A_226] : memref<50000x128xf32, #tpu.memory_space<hbm>> -> memref<50000x128xf32, #tpu.memory_space<hbm>>
      tpu.wait_indirect_dma semaphore(%arg11 : memref<!tpu.dma_semaphore, #tpu.memory_space<semaphore_mem>>) src(%dma_wait3A_227 : memref<50000x128xf32, #tpu.memory_space<hbm>>) dst(%dma_wait3A_221 : memref<100x128xf32, #tpu.memory_space<vmem>>)
      %dma_wait3A_228 = arith.constant 1 : i32
      %dma_wait3A_229 = arith.constant 100 : i32
      %dma_wait3A_230 = arith.constant 0 : i32
      %dma_wait3A_231 = tpu.memref_slice %arg8[%and3A_216, %dma_wait3A_229, %dma_wait3A_230] : memref<2x400x128xf32, #tpu.memory_space<vmem>> -> memref<1x100x128xf32, #tpu.memory_space<vmem>>
      %dma_wait3A_232 = tpu.memref_squeeze %dma_wait3A_231 : memref<1x100x128xf32, #tpu.memory_space<vmem>> -> memref<100x128xf32, #tpu.memory_space<vmem>>
      %dma_wait3A_233 = arith.constant 0 : i32
      %dma_wait3A_234 = tpu.memref_slice %arg6[%and3A_216, %dma_wait3A_228, %dma_wait3A_233] : memref<2x4x100xi32, #tpu.memory_space<vmem>> -> memref<1x1x100xi32, #tpu.memory_space<vmem>>
      %dma_wait3A_235 = tpu.memref_squeeze %dma_wait3A_234 : memref<1x1x100xi32, #tpu.memory_space<vmem>> -> memref<100xi32, #tpu.memory_space<vmem>>
      %dma_wait3A_236 = arith.constant 0 : i32
      %dma_wait3A_237 = arith.constant 0 : i32
      %dma_wait3A_238 = tpu.memref_slice %arg4[%dma_wait3A_236, %dma_wait3A_237] : memref<50000x128xf32, #tpu.memory_space<hbm>> -> memref<50000x128xf32, #tpu.memory_space<hbm>>
      tpu.wait_indirect_dma semaphore(%arg11 : memref<!tpu.dma_semaphore, #tpu.memory_space<semaphore_mem>>) src(%dma_wait3A_238 : memref<50000x128xf32, #tpu.memory_space<hbm>>) dst(%dma_wait3A_232 : memref<100x128xf32, #tpu.memory_space<vmem>>)
      %dma_wait3A_239 = arith.constant 2 : i32
      %dma_wait3A_240 = arith.constant 200 : i32
      %dma_wait3A_241 = arith.constant 0 : i32
      %dma_wait3A_242 = tpu.memref_slice %arg8[%and3A_216, %dma_wait3A_240, %dma_wait3A_241] : memref<2x400x128xf32, #tpu.memory_space<vmem>> -> memref<1x100x128xf32, #tpu.memory_space<vmem>>
      %dma_wait3A_243 = tpu.memref_squeeze %dma_wait3A_242 : memref<1x100x128xf32, #tpu.memory_space<vmem>> -> memref<100x128xf32, #tpu.memory_space<vmem>>
      %dma_wait3A_244 = arith.constant 0 : i32
      %dma_wait3A_245 = tpu.memref_slice %arg6[%and3A_216, %dma_wait3A_239, %dma_wait3A_244] : memref<2x4x100xi32, #tpu.memory_space<vmem>> -> memref<1x1x100xi32, #tpu.memory_space<vmem>>
      %dma_wait3A_246 = tpu.memref_squeeze %dma_wait3A_245 : memref<1x1x100xi32, #tpu.memory_space<vmem>> -> memref<100xi32, #tpu.memory_space<vmem>>
      %dma_wait3A_247 = arith.constant 0 : i32
      %dma_wait3A_248 = arith.constant 0 : i32
      %dma_wait3A_249 = tpu.memref_slice %arg4[%dma_wait3A_247, %dma_wait3A_248] : memref<50000x128xf32, #tpu.memory_space<hbm>> -> memref<50000x128xf32, #tpu.memory_space<hbm>>
      tpu.wait_indirect_dma semaphore(%arg11 : memref<!tpu.dma_semaphore, #tpu.memory_space<semaphore_mem>>) src(%dma_wait3A_249 : memref<50000x128xf32, #tpu.memory_space<hbm>>) dst(%dma_wait3A_243 : memref<100x128xf32, #tpu.memory_space<vmem>>)
      %dma_wait3A_250 = arith.constant 3 : i32
      %dma_wait3A_251 = arith.constant 300 : i32
      %dma_wait3A_252 = arith.constant 0 : i32
      %dma_wait3A_253 = tpu.memref_slice %arg8[%and3A_216, %dma_wait3A_251, %dma_wait3A_252] : memref<2x400x128xf32, #tpu.memory_space<vmem>> -> memref<1x100x128xf32, #tpu.memory_space<vmem>>
      %dma_wait3A_254 = tpu.memref_squeeze %dma_wait3A_253 : memref<1x100x128xf32, #tpu.memory_space<vmem>> -> memref<100x128xf32, #tpu.memory_space<vmem>>
      %dma_wait3A_255 = arith.constant 0 : i32
      %dma_wait3A_256 = tpu.memref_slice %arg6[%and3A_216, %dma_wait3A_250, %dma_wait3A_255] : memref<2x4x100xi32, #tpu.memory_space<vmem>> -> memref<1x1x100xi32, #tpu.memory_space<vmem>>
      %dma_wait3A_257 = tpu.memref_squeeze %dma_wait3A_256 : memref<1x1x100xi32, #tpu.memory_space<vmem>> -> memref<100xi32, #tpu.memory_space<vmem>>
      %dma_wait3A_258 = arith.constant 0 : i32
      %dma_wait3A_259 = arith.constant 0 : i32
      %dma_wait3A_260 = tpu.memref_slice %arg4[%dma_wait3A_258, %dma_wait3A_259] : memref<50000x128xf32, #tpu.memory_space<hbm>> -> memref<50000x128xf32, #tpu.memory_space<hbm>>
      tpu.wait_indirect_dma semaphore(%arg11 : memref<!tpu.dma_semaphore, #tpu.memory_space<semaphore_mem>>) src(%dma_wait3A_260 : memref<50000x128xf32, #tpu.memory_space<hbm>>) dst(%dma_wait3A_254 : memref<100x128xf32, #tpu.memory_space<vmem>>)
      %add3A_261 = arith.constant 1 : i32
      %add3A_262 = arith.addi %while3A_212, %add3A_261 : i32
      %lt3A_263 = arith.cmpi slt, %add3A_262, %add3A_4 : i32
      %convert_element_type3A = arith.extui %lt3A_263 : i1 to i32
      %cond3A = arith.constant 0 : i32
      %cond3A_264 = arith.cmpi ne, %convert_element_type3A, %cond3A : i32
      scf.if %cond3A_264 {
        %sub3A_296 = arith.constant 1 : i32
        %sub3A_297 = arith.subi %sub3A_296, %and3A_214 : i32
        %dma_wait3A_298 = arith.constant 0 : i32
        %dma_wait3A_299 = arith.constant 0 : i32
        %dma_wait3A_300 = arith.constant 0 : i32
        %dma_wait3A_301 = tpu.memref_slice %arg6[%sub3A_297, %dma_wait3A_299, %dma_wait3A_300] : memref<2x4x100xi32, #tpu.memory_space<vmem>> -> memref<1x4x100xi32, #tpu.memory_space<vmem>>
        %dma_wait3A_302 = tpu.memref_squeeze %dma_wait3A_301 : memref<1x4x100xi32, #tpu.memory_space<vmem>> -> memref<4x100xi32, #tpu.memory_space<vmem>>
        %dma_wait3A_303 = arith.constant 0 : i32
        %dma_wait3A_304 = arith.constant 0 : i32
        %dma_wait3A_305 = tpu.memref_slice %arg2[%dma_wait3A_298, %dma_wait3A_303, %dma_wait3A_304] : memref<1250x4x100xi32, #tpu.memory_space<hbm>> -> memref<1x4x100xi32, #tpu.memory_space<hbm>>
        %dma_wait3A_306 = tpu.memref_squeeze %dma_wait3A_305 : memref<1x4x100xi32, #tpu.memory_space<hbm>> -> memref<4x100xi32, #tpu.memory_space<hbm>>
        %dma_wait3A_307 = arith.constant 0 : i32
        %dma_wait3A_308 = arith.constant 0 : i32
        %dma_wait3A_309 = tpu.memref_slice %arg6[%sub3A_297, %dma_wait3A_307, %dma_wait3A_308] : memref<2x4x100xi32, #tpu.memory_space<vmem>> -> memref<1x4x100xi32, #tpu.memory_space<vmem>>
        %dma_wait3A_310 = tpu.memref_squeeze %dma_wait3A_309 : memref<1x4x100xi32, #tpu.memory_space<vmem>> -> memref<4x100xi32, #tpu.memory_space<vmem>>
        %dma_wait3A_311 = arith.constant 0 : i32
        %dma_wait3A_312 = arith.constant 0 : i32
        %dma_wait3A_313 = tpu.memref_slice %arg2[%dma_wait3A_298, %dma_wait3A_311, %dma_wait3A_312] : memref<1250x4x100xi32, #tpu.memory_space<hbm>> -> memref<1x4x100xi32, #tpu.memory_space<hbm>>
        %dma_wait3A_314 = tpu.memref_squeeze %dma_wait3A_313 : memref<1x4x100xi32, #tpu.memory_space<hbm>> -> memref<4x100xi32, #tpu.memory_space<hbm>>
        tpu.wait_dma2 semaphore(%arg10 : memref<!tpu.dma_semaphore, #tpu.memory_space<semaphore_mem>>) src(%dma_wait3A_314 : memref<4x100xi32, #tpu.memory_space<hbm>>) dst(%dma_wait3A_310 : memref<4x100xi32, #tpu.memory_space<vmem>>)
        %dma_wait3A_315 = arith.constant 0 : i32
        %dma_wait3A_316 = arith.constant 0 : i32
        %dma_wait3A_317 = arith.constant 0 : i32
        %dma_wait3A_318 = tpu.memref_slice %arg7[%sub3A_297, %dma_wait3A_316, %dma_wait3A_317] : memref<2x40x16xf32, #tpu.memory_space<vmem>> -> memref<1x40x16xf32, #tpu.memory_space<vmem>>
        %dma_wait3A_319 = tpu.memref_squeeze %dma_wait3A_318 : memref<1x40x16xf32, #tpu.memory_space<vmem>> -> memref<40x16xf32, #tpu.memory_space<vmem>>
        %dma_wait3A_320 = arith.constant 0 : i32
        %dma_wait3A_321 = arith.constant 0 : i32
        %dma_wait3A_322 = tpu.memref_slice %arg3[%dma_wait3A_315, %dma_wait3A_320, %dma_wait3A_321] : memref<1250x40x16xf32, #tpu.memory_space<hbm>> -> memref<1x40x16xf32, #tpu.memory_space<hbm>>
        %dma_wait3A_323 = tpu.memref_squeeze %dma_wait3A_322 : memref<1x40x16xf32, #tpu.memory_space<hbm>> -> memref<40x16xf32, #tpu.memory_space<hbm>>
        %dma_wait3A_324 = arith.constant 0 : i32
        %dma_wait3A_325 = arith.constant 0 : i32
        %dma_wait3A_326 = tpu.memref_slice %arg7[%sub3A_297, %dma_wait3A_324, %dma_wait3A_325] : memref<2x40x16xf32, #tpu.memory_space<vmem>> -> memref<1x40x16xf32, #tpu.memory_space<vmem>>
        %dma_wait3A_327 = tpu.memref_squeeze %dma_wait3A_326 : memref<1x40x16xf32, #tpu.memory_space<vmem>> -> memref<40x16xf32, #tpu.memory_space<vmem>>
        %dma_wait3A_328 = arith.constant 0 : i32
        %dma_wait3A_329 = arith.constant 0 : i32
        %dma_wait3A_330 = tpu.memref_slice %arg3[%dma_wait3A_315, %dma_wait3A_328, %dma_wait3A_329] : memref<1250x40x16xf32, #tpu.memory_space<hbm>> -> memref<1x40x16xf32, #tpu.memory_space<hbm>>
        %dma_wait3A_331 = tpu.memref_squeeze %dma_wait3A_330 : memref<1x40x16xf32, #tpu.memory_space<hbm>> -> memref<40x16xf32, #tpu.memory_space<hbm>>
        tpu.wait_dma2 semaphore(%arg10 : memref<!tpu.dma_semaphore, #tpu.memory_space<semaphore_mem>>) src(%dma_wait3A_331 : memref<40x16xf32, #tpu.memory_space<hbm>>) dst(%dma_wait3A_327 : memref<40x16xf32, #tpu.memory_space<vmem>>)
        %add3A_332 = arith.constant 1 : i32
        %add3A_333 = arith.addi %while3A_212, %add3A_332 : i32
        %and3A_334 = arith.constant 1 : i32
        %and3A_335 = arith.andi %add3A_333, %and3A_334 : i32
        %dma_start3A_336 = arith.constant 0 : i32
        %dma_start3A_337 = arith.constant 0 : i32
        %dma_start3A_338 = arith.constant 0 : i32
        %dma_start3A_339 = tpu.memref_slice %arg8[%and3A_335, %dma_start3A_337, %dma_start3A_338] : memref<2x400x128xf32, #tpu.memory_space<vmem>> -> memref<1x100x128xf32, #tpu.memory_space<vmem>>
        %dma_start3A_340 = tpu.memref_squeeze %dma_start3A_339 : memref<1x100x128xf32, #tpu.memory_space<vmem>> -> memref<100x128xf32, #tpu.memory_space<vmem>>
        %dma_start3A_341 = arith.constant 0 : i32
        %dma_start3A_342 = tpu.memref_slice %arg6[%and3A_335, %dma_start3A_336, %dma_start3A_341] : memref<2x4x100xi32, #tpu.memory_space<vmem>> -> memref<1x1x100xi32, #tpu.memory_space<vmem>>
        %dma_start3A_343 = tpu.memref_squeeze %dma_start3A_342 : memref<1x1x100xi32, #tpu.memory_space<vmem>> -> memref<100xi32, #tpu.memory_space<vmem>>
        %dma_start3A_344 = arith.constant 0 : i32
        %dma_start3A_345 = arith.constant 0 : i32
        %dma_start3A_346 = tpu.memref_slice %arg4[%dma_start3A_344, %dma_start3A_345] : memref<50000x128xf32, #tpu.memory_space<hbm>> -> memref<50000x128xf32, #tpu.memory_space<hbm>>
        tpu.enqueue_indirect_dma source(%dma_start3A_346 : memref<50000x128xf32, #tpu.memory_space<hbm>>) target(%dma_start3A_340 : memref<100x128xf32, #tpu.memory_space<vmem>>) offsets(%dma_start3A_343 : memref<100xi32, #tpu.memory_space<vmem>>) semaphore(%arg11 : memref<!tpu.dma_semaphore, #tpu.memory_space<semaphore_mem>>)
        %dma_start3A_347 = arith.constant 1 : i32
        %dma_start3A_348 = arith.constant 100 : i32
        %dma_start3A_349 = arith.constant 0 : i32
        %dma_start3A_350 = tpu.memref_slice %arg8[%and3A_335, %dma_start3A_348, %dma_start3A_349] : memref<2x400x128xf32, #tpu.memory_space<vmem>> -> memref<1x100x128xf32, #tpu.memory_space<vmem>>
        %dma_start3A_351 = tpu.memref_squeeze %dma_start3A_350 : memref<1x100x128xf32, #tpu.memory_space<vmem>> -> memref<100x128xf32, #tpu.memory_space<vmem>>
        %dma_start3A_352 = arith.constant 0 : i32
        %dma_start3A_353 = tpu.memref_slice %arg6[%and3A_335, %dma_start3A_347, %dma_start3A_352] : memref<2x4x100xi32, #tpu.memory_space<vmem>> -> memref<1x1x100xi32, #tpu.memory_space<vmem>>
        %dma_start3A_354 = tpu.memref_squeeze %dma_start3A_353 : memref<1x1x100xi32, #tpu.memory_space<vmem>> -> memref<100xi32, #tpu.memory_space<vmem>>
        %dma_start3A_355 = arith.constant 0 : i32
        %dma_start3A_356 = arith.constant 0 : i32
        %dma_start3A_357 = tpu.memref_slice %arg4[%dma_start3A_355, %dma_start3A_356] : memref<50000x128xf32, #tpu.memory_space<hbm>> -> memref<50000x128xf32, #tpu.memory_space<hbm>>
        tpu.enqueue_indirect_dma source(%dma_start3A_357 : memref<50000x128xf32, #tpu.memory_space<hbm>>) target(%dma_start3A_351 : memref<100x128xf32, #tpu.memory_space<vmem>>) offsets(%dma_start3A_354 : memref<100xi32, #tpu.memory_space<vmem>>) semaphore(%arg11 : memref<!tpu.dma_semaphore, #tpu.memory_space<semaphore_mem>>)
        %dma_start3A_358 = arith.constant 2 : i32
        %dma_start3A_359 = arith.constant 200 : i32
        %dma_start3A_360 = arith.constant 0 : i32
        %dma_start3A_361 = tpu.memref_slice %arg8[%and3A_335, %dma_start3A_359, %dma_start3A_360] : memref<2x400x128xf32, #tpu.memory_space<vmem>> -> memref<1x100x128xf32, #tpu.memory_space<vmem>>
        %dma_start3A_362 = tpu.memref_squeeze %dma_start3A_361 : memref<1x100x128xf32, #tpu.memory_space<vmem>> -> memref<100x128xf32, #tpu.memory_space<vmem>>
        %dma_start3A_363 = arith.constant 0 : i32
        %dma_start3A_364 = tpu.memref_slice %arg6[%and3A_335, %dma_start3A_358, %dma_start3A_363] : memref<2x4x100xi32, #tpu.memory_space<vmem>> -> memref<1x1x100xi32, #tpu.memory_space<vmem>>
        %dma_start3A_365 = tpu.memref_squeeze %dma_start3A_364 : memref<1x1x100xi32, #tpu.memory_space<vmem>> -> memref<100xi32, #tpu.memory_space<vmem>>
        %dma_start3A_366 = arith.constant 0 : i32
        %dma_start3A_367 = arith.constant 0 : i32
        %dma_start3A_368 = tpu.memref_slice %arg4[%dma_start3A_366, %dma_start3A_367] : memref<50000x128xf32, #tpu.memory_space<hbm>> -> memref<50000x128xf32, #tpu.memory_space<hbm>>
        tpu.enqueue_indirect_dma source(%dma_start3A_368 : memref<50000x128xf32, #tpu.memory_space<hbm>>) target(%dma_start3A_362 : memref<100x128xf32, #tpu.memory_space<vmem>>) offsets(%dma_start3A_365 : memref<100xi32, #tpu.memory_space<vmem>>) semaphore(%arg11 : memref<!tpu.dma_semaphore, #tpu.memory_space<semaphore_mem>>)
        %dma_start3A_369 = arith.constant 3 : i32
        %dma_start3A_370 = arith.constant 300 : i32
        %dma_start3A_371 = arith.constant 0 : i32
        %dma_start3A_372 = tpu.memref_slice %arg8[%and3A_335, %dma_start3A_370, %dma_start3A_371] : memref<2x400x128xf32, #tpu.memory_space<vmem>> -> memref<1x100x128xf32, #tpu.memory_space<vmem>>
        %dma_start3A_373 = tpu.memref_squeeze %dma_start3A_372 : memref<1x100x128xf32, #tpu.memory_space<vmem>> -> memref<100x128xf32, #tpu.memory_space<vmem>>
        %dma_start3A_374 = arith.constant 0 : i32
        %dma_start3A_375 = tpu.memref_slice %arg6[%and3A_335, %dma_start3A_369, %dma_start3A_374] : memref<2x4x100xi32, #tpu.memory_space<vmem>> -> memref<1x1x100xi32, #tpu.memory_space<vmem>>
        %dma_start3A_376 = tpu.memref_squeeze %dma_start3A_375 : memref<1x1x100xi32, #tpu.memory_space<vmem>> -> memref<100xi32, #tpu.memory_space<vmem>>
        %dma_start3A_377 = arith.constant 0 : i32
        %dma_start3A_378 = arith.constant 0 : i32
        %dma_start3A_379 = tpu.memref_slice %arg4[%dma_start3A_377, %dma_start3A_378] : memref<50000x128xf32, #tpu.memory_space<hbm>> -> memref<50000x128xf32, #tpu.memory_space<hbm>>
        tpu.enqueue_indirect_dma source(%dma_start3A_379 : memref<50000x128xf32, #tpu.memory_space<hbm>>) target(%dma_start3A_373 : memref<100x128xf32, #tpu.memory_space<vmem>>) offsets(%dma_start3A_376 : memref<100xi32, #tpu.memory_space<vmem>>) semaphore(%arg11 : memref<!tpu.dma_semaphore, #tpu.memory_space<semaphore_mem>>)
      } else {
      }
      %ge3A = arith.constant 2 : i32
      %ge3A_265 = arith.cmpi sge, %while3A_212, %ge3A : i32
      %convert_element_type3A_266 = arith.extui %ge3A_265 : i1 to i32
      %cond3A_267 = arith.constant 0 : i32
      %cond3A_268 = arith.cmpi ne, %convert_element_type3A_266, %cond3A_267 : i32
      scf.if %cond3A_268 {
        %sub3A_296 = arith.constant 2 : i32
        %sub3A_297 = arith.subi %while3A_212, %sub3A_296 : i32
        %mul3A_298 = arith.constant 32 : i32
        %mul3A_299 = arith.muli %sub3A_297, %mul3A_298 : i32
        %add3A_300 = arith.addi %mul3A_299, %add3A : i32
        %and3A_301 = arith.constant 1 : i32
        %and3A_302 = arith.andi %sub3A_297, %and3A_301 : i32
        %mul3A_303 = arith.constant 40 : i32
        %mul3A_304 = arith.muli %add3A_300, %mul3A_303 : i32
        %dma_wait3A_305 = arith.constant 0 : i32
        %dma_wait3A_306 = arith.constant 0 : i32
        %dma_wait3A_307 = tpu.memref_slice %arg9[%and3A_302, %dma_wait3A_305, %dma_wait3A_306] : memref<2x40x128xf32, #tpu.memory_space<vmem>> -> memref<1x40x128xf32, #tpu.memory_space<vmem>>
        %dma_wait3A_308 = tpu.memref_squeeze %dma_wait3A_307 : memref<1x40x128xf32, #tpu.memory_space<vmem>> -> memref<40x128xf32, #tpu.memory_space<vmem>>
        %dma_wait3A_309 = arith.constant 0 : i32
        %dma_wait3A_310 = tpu.memref_slice %arg5[%mul3A_304, %dma_wait3A_309] : memref<50000x128xf32, #tpu.memory_space<hbm>> -> memref<40x128xf32, #tpu.memory_space<hbm>>
        %dma_wait3A_311 = arith.constant 0 : i32
        %dma_wait3A_312 = tpu.memref_slice %arg5[%mul3A_304, %dma_wait3A_311] : memref<50000x128xf32, #tpu.memory_space<hbm>> -> memref<40x128xf32, #tpu.memory_space<hbm>>
        %dma_wait3A_313 = arith.constant 0 : i32
        %dma_wait3A_314 = arith.constant 0 : i32
        %dma_wait3A_315 = tpu.memref_slice %arg9[%and3A_302, %dma_wait3A_313, %dma_wait3A_314] : memref<2x40x128xf32, #tpu.memory_space<vmem>> -> memref<1x40x128xf32, #tpu.memory_space<vmem>>
        %dma_wait3A_316 = tpu.memref_squeeze %dma_wait3A_315 : memref<1x40x128xf32, #tpu.memory_space<vmem>> -> memref<40x128xf32, #tpu.memory_space<vmem>>
        tpu.wait_dma2 semaphore(%arg12 : memref<!tpu.dma_semaphore, #tpu.memory_space<semaphore_mem>>) src(%dma_wait3A_316 : memref<40x128xf32, #tpu.memory_space<vmem>>) dst(%dma_wait3A_312 : memref<40x128xf32, #tpu.memory_space<hbm>>)
      } else {
      }
      %parallel_loop3A = arith.constant 0 : i32
      %parallel_loop3A_269 = arith.constant 40 : i32
      %parallel_loop3A_270 = arith.constant 1 : i32
      scf.for %parallel_loop3A_296 = %parallel_loop3A to %parallel_loop3A_269 step %parallel_loop3A_270  : i32 {
        %parallel_loop3A_297 = vector.broadcast %and3A_214 : i32 to vector<16xi32>
        %parallel_loop3A_298 = vector.broadcast %parallel_loop3A_296 : i32 to vector<16xi32>
        %parallel_loop3A_299 = arith.constant 0 : i32
        %parallel_loop3A_300 = vector.broadcast %parallel_loop3A_299 : i32 to vector<16xi32>
        %parallel_loop3A_301 = tpu.vector_load_idx %arg7[%parallel_loop3A_297, %parallel_loop3A_298, %parallel_loop3A_300] : memref<2x40x16xf32, #tpu.memory_space<vmem>>[vector<16xi32>, vector<16xi32>, vector<16xi32>], vector<16xf32>,
        %parallel_loop3A_302 = arith.constant 10 : i32
        %parallel_loop3A_303 = arith.muli %parallel_loop3A_296, %parallel_loop3A_302 : i32
        %parallel_loop3A_304 = arith.constant 0 : i32
        %parallel_loop3A_305 = arith.addi %parallel_loop3A_303, %parallel_loop3A_304 : i32
        %parallel_loop3A_306 = arith.index_cast %and3A_214 : i32 to index
        %parallel_loop3A_307 = arith.index_cast %parallel_loop3A_305 : i32 to index
        %parallel_loop3A_308 = arith.constant 0 : index
        %parallel_loop3A_309 = tpu.vector_load %arg8[%parallel_loop3A_306, %parallel_loop3A_307, %parallel_loop3A_308] {strides = array<i32>} : memref<2x400x128xf32, #tpu.memory_space<vmem>>, vector<16xf32>,
        %parallel_loop3A_310 = arith.mulf %parallel_loop3A_301, %parallel_loop3A_309 : vector<16xf32>
        %parallel_loop3A_311 = arith.index_cast %and3A_214 : i32 to index
        %parallel_loop3A_312 = arith.index_cast %parallel_loop3A_305 : i32 to index
        %parallel_loop3A_313 = arith.constant 16 : index
        %parallel_loop3A_314 = tpu.vector_load %arg8[%parallel_loop3A_311, %parallel_loop3A_312, %parallel_loop3A_313] {strides = array<i32>} : memref<2x400x128xf32, #tpu.memory_space<vmem>>, vector<16xf32>,
        %parallel_loop3A_315 = arith.mulf %parallel_loop3A_301, %parallel_loop3A_314 : vector<16xf32>
        %parallel_loop3A_316 = arith.index_cast %and3A_214 : i32 to index
        %parallel_loop3A_317 = arith.index_cast %parallel_loop3A_305 : i32 to index
        %parallel_loop3A_318 = arith.constant 32 : index
        %parallel_loop3A_319 = tpu.vector_load %arg8[%parallel_loop3A_316, %parallel_loop3A_317, %parallel_loop3A_318] {strides = array<i32>} : memref<2x400x128xf32, #tpu.memory_space<vmem>>, vector<16xf32>,
        %parallel_loop3A_320 = arith.mulf %parallel_loop3A_301, %parallel_loop3A_319 : vector<16xf32>
        %parallel_loop3A_321 = arith.index_cast %and3A_214 : i32 to index
        %parallel_loop3A_322 = arith.index_cast %parallel_loop3A_305 : i32 to index
        %parallel_loop3A_323 = arith.constant 48 : index
        %parallel_loop3A_324 = tpu.vector_load %arg8[%parallel_loop3A_321, %parallel_loop3A_322, %parallel_loop3A_323] {strides = array<i32>} : memref<2x400x128xf32, #tpu.memory_space<vmem>>, vector<16xf32>,
        %parallel_loop3A_325 = arith.mulf %parallel_loop3A_301, %parallel_loop3A_324 : vector<16xf32>
        %parallel_loop3A_326 = arith.index_cast %and3A_214 : i32 to index
        %parallel_loop3A_327 = arith.index_cast %parallel_loop3A_305 : i32 to index
        %parallel_loop3A_328 = arith.constant 64 : index
        %parallel_loop3A_329 = tpu.vector_load %arg8[%parallel_loop3A_326, %parallel_loop3A_327, %parallel_loop3A_328] {strides = array<i32>} : memref<2x400x128xf32, #tpu.memory_space<vmem>>, vector<16xf32>,
        %parallel_loop3A_330 = arith.mulf %parallel_loop3A_301, %parallel_loop3A_329 : vector<16xf32>
        %parallel_loop3A_331 = arith.index_cast %and3A_214 : i32 to index
        %parallel_loop3A_332 = arith.index_cast %parallel_loop3A_305 : i32 to index
        %parallel_loop3A_333 = arith.constant 80 : index
        %parallel_loop3A_334 = tpu.vector_load %arg8[%parallel_loop3A_331, %parallel_loop3A_332, %parallel_loop3A_333] {strides = array<i32>} : memref<2x400x128xf32, #tpu.memory_space<vmem>>, vector<16xf32>,
        %parallel_loop3A_335 = arith.mulf %parallel_loop3A_301, %parallel_loop3A_334 : vector<16xf32>
        %parallel_loop3A_336 = arith.index_cast %and3A_214 : i32 to index
        %parallel_loop3A_337 = arith.index_cast %parallel_loop3A_305 : i32 to index
        %parallel_loop3A_338 = arith.constant 96 : index
        %parallel_loop3A_339 = tpu.vector_load %arg8[%parallel_loop3A_336, %parallel_loop3A_337, %parallel_loop3A_338] {strides = array<i32>} : memref<2x400x128xf32, #tpu.memory_space<vmem>>, vector<16xf32>,
        %parallel_loop3A_340 = arith.mulf %parallel_loop3A_301, %parallel_loop3A_339 : vector<16xf32>
        %parallel_loop3A_341 = arith.index_cast %and3A_214 : i32 to index
        %parallel_loop3A_342 = arith.index_cast %parallel_loop3A_305 : i32 to index
        %parallel_loop3A_343 = arith.constant 112 : index
        %parallel_loop3A_344 = tpu.vector_load %arg8[%parallel_loop3A_341, %parallel_loop3A_342, %parallel_loop3A_343] {strides = array<i32>} : memref<2x400x128xf32, #tpu.memory_space<vmem>>, vector<16xf32>,
        %parallel_loop3A_345 = arith.mulf %parallel_loop3A_301, %parallel_loop3A_344 : vector<16xf32>
        %parallel_loop3A_346 = vector.broadcast %and3A_214 : i32 to vector<16xi32>
        %parallel_loop3A_347 = vector.broadcast %parallel_loop3A_296 : i32 to vector<16xi32>
        %parallel_loop3A_348 = arith.constant 1 : i32
        %parallel_loop3A_349 = vector.broadcast %parallel_loop3A_348 : i32 to vector<16xi32>
        %parallel_loop3A_350 = tpu.vector_load_idx %arg7[%parallel_loop3A_346, %parallel_loop3A_347, %parallel_loop3A_349] : memref<2x40x16xf32, #tpu.memory_space<vmem>>[vector<16xi32>, vector<16xi32>, vector<16xi32>], vector<16xf32>,
        %parallel_loop3A_351 = arith.addf %parallel_loop3A_301, %parallel_loop3A_350 : vector<16xf32>
        %parallel_loop3A_352 = arith.constant 10 : i32
        %parallel_loop3A_353 = arith.muli %parallel_loop3A_296, %parallel_loop3A_352 : i32
        %parallel_loop3A_354 = arith.constant 1 : i32
        %parallel_loop3A_355 = arith.addi %parallel_loop3A_353, %parallel_loop3A_354 : i32
        %parallel_loop3A_356 = arith.index_cast %and3A_214 : i32 to index
        %parallel_loop3A_357 = arith.index_cast %parallel_loop3A_355 : i32 to index
        %parallel_loop3A_358 = arith.constant 0 : index
        %parallel_loop3A_359 = tpu.vector_load %arg8[%parallel_loop3A_356, %parallel_loop3A_357, %parallel_loop3A_358] {strides = array<i32>} : memref<2x400x128xf32, #tpu.memory_space<vmem>>, vector<16xf32>,
        %parallel_loop3A_360 = arith.mulf %parallel_loop3A_350, %parallel_loop3A_359 : vector<16xf32>
        %parallel_loop3A_361 = arith.addf %parallel_loop3A_310, %parallel_loop3A_360 : vector<16xf32>
        %parallel_loop3A_362 = arith.index_cast %and3A_214 : i32 to index
        %parallel_loop3A_363 = arith.index_cast %parallel_loop3A_355 : i32 to index
        %parallel_loop3A_364 = arith.constant 16 : index
        %parallel_loop3A_365 = tpu.vector_load %arg8[%parallel_loop3A_362, %parallel_loop3A_363, %parallel_loop3A_364] {strides = array<i32>} : memref<2x400x128xf32, #tpu.memory_space<vmem>>, vector<16xf32>,
        %parallel_loop3A_366 = arith.mulf %parallel_loop3A_350, %parallel_loop3A_365 : vector<16xf32>
        %parallel_loop3A_367 = arith.addf %parallel_loop3A_315, %parallel_loop3A_366 : vector<16xf32>
        %parallel_loop3A_368 = arith.index_cast %and3A_214 : i32 to index
        %parallel_loop3A_369 = arith.index_cast %parallel_loop3A_355 : i32 to index
        %parallel_loop3A_370 = arith.constant 32 : index
        %parallel_loop3A_371 = tpu.vector_load %arg8[%parallel_loop3A_368, %parallel_loop3A_369, %parallel_loop3A_370] {strides = array<i32>} : memref<2x400x128xf32, #tpu.memory_space<vmem>>, vector<16xf32>,
        %parallel_loop3A_372 = arith.mulf %parallel_loop3A_350, %parallel_loop3A_371 : vector<16xf32>
        %parallel_loop3A_373 = arith.addf %parallel_loop3A_320, %parallel_loop3A_372 : vector<16xf32>
        %parallel_loop3A_374 = arith.index_cast %and3A_214 : i32 to index
        %parallel_loop3A_375 = arith.index_cast %parallel_loop3A_355 : i32 to index
        %parallel_loop3A_376 = arith.constant 48 : index
        %parallel_loop3A_377 = tpu.vector_load %arg8[%parallel_loop3A_374, %parallel_loop3A_375, %parallel_loop3A_376] {strides = array<i32>} : memref<2x400x128xf32, #tpu.memory_space<vmem>>, vector<16xf32>,
        %parallel_loop3A_378 = arith.mulf %parallel_loop3A_350, %parallel_loop3A_377 : vector<16xf32>
        %parallel_loop3A_379 = arith.addf %parallel_loop3A_325, %parallel_loop3A_378 : vector<16xf32>
        %parallel_loop3A_380 = arith.index_cast %and3A_214 : i32 to index
        %parallel_loop3A_381 = arith.index_cast %parallel_loop3A_355 : i32 to index
        %parallel_loop3A_382 = arith.constant 64 : index
        %parallel_loop3A_383 = tpu.vector_load %arg8[%parallel_loop3A_380, %parallel_loop3A_381, %parallel_loop3A_382] {strides = array<i32>} : memref<2x400x128xf32, #tpu.memory_space<vmem>>, vector<16xf32>,
        %parallel_loop3A_384 = arith.mulf %parallel_loop3A_350, %parallel_loop3A_383 : vector<16xf32>
        %parallel_loop3A_385 = arith.addf %parallel_loop3A_330, %parallel_loop3A_384 : vector<16xf32>
        %parallel_loop3A_386 = arith.index_cast %and3A_214 : i32 to index
        %parallel_loop3A_387 = arith.index_cast %parallel_loop3A_355 : i32 to index
        %parallel_loop3A_388 = arith.constant 80 : index
        %parallel_loop3A_389 = tpu.vector_load %arg8[%parallel_loop3A_386, %parallel_loop3A_387, %parallel_loop3A_388] {strides = array<i32>} : memref<2x400x128xf32, #tpu.memory_space<vmem>>, vector<16xf32>,
        %parallel_loop3A_390 = arith.mulf %parallel_loop3A_350, %parallel_loop3A_389 : vector<16xf32>
        %parallel_loop3A_391 = arith.addf %parallel_loop3A_335, %parallel_loop3A_390 : vector<16xf32>
        %parallel_loop3A_392 = arith.index_cast %and3A_214 : i32 to index
        %parallel_loop3A_393 = arith.index_cast %parallel_loop3A_355 : i32 to index
        %parallel_loop3A_394 = arith.constant 96 : index
        %parallel_loop3A_395 = tpu.vector_load %arg8[%parallel_loop3A_392, %parallel_loop3A_393, %parallel_loop3A_394] {strides = array<i32>} : memref<2x400x128xf32, #tpu.memory_space<vmem>>, vector<16xf32>,
        %parallel_loop3A_396 = arith.mulf %parallel_loop3A_350, %parallel_loop3A_395 : vector<16xf32>
        %parallel_loop3A_397 = arith.addf %parallel_loop3A_340, %parallel_loop3A_396 : vector<16xf32>
        %parallel_loop3A_398 = arith.index_cast %and3A_214 : i32 to index
        %parallel_loop3A_399 = arith.index_cast %parallel_loop3A_355 : i32 to index
        %parallel_loop3A_400 = arith.constant 112 : index
        %parallel_loop3A_401 = tpu.vector_load %arg8[%parallel_loop3A_398, %parallel_loop3A_399, %parallel_loop3A_400] {strides = array<i32>} : memref<2x400x128xf32, #tpu.memory_space<vmem>>, vector<16xf32>,
        %parallel_loop3A_402 = arith.mulf %parallel_loop3A_350, %parallel_loop3A_401 : vector<16xf32>
        %parallel_loop3A_403 = arith.addf %parallel_loop3A_345, %parallel_loop3A_402 : vector<16xf32>
        %parallel_loop3A_404 = vector.broadcast %and3A_214 : i32 to vector<16xi32>
        %parallel_loop3A_405 = vector.broadcast %parallel_loop3A_296 : i32 to vector<16xi32>
        %parallel_loop3A_406 = arith.constant 2 : i32
        %parallel_loop3A_407 = vector.broadcast %parallel_loop3A_406 : i32 to vector<16xi32>
        %parallel_loop3A_408 = tpu.vector_load_idx %arg7[%parallel_loop3A_404, %parallel_loop3A_405, %parallel_loop3A_407] : memref<2x40x16xf32, #tpu.memory_space<vmem>>[vector<16xi32>, vector<16xi32>, vector<16xi32>], vector<16xf32>,
        %parallel_loop3A_409 = arith.addf %parallel_loop3A_351, %parallel_loop3A_408 : vector<16xf32>
        %parallel_loop3A_410 = arith.constant 10 : i32
        %parallel_loop3A_411 = arith.muli %parallel_loop3A_296, %parallel_loop3A_410 : i32
        %parallel_loop3A_412 = arith.constant 2 : i32
        %parallel_loop3A_413 = arith.addi %parallel_loop3A_411, %parallel_loop3A_412 : i32
        %parallel_loop3A_414 = arith.index_cast %and3A_214 : i32 to index
        %parallel_loop3A_415 = arith.index_cast %parallel_loop3A_413 : i32 to index
        %parallel_loop3A_416 = arith.constant 0 : index
        %parallel_loop3A_417 = tpu.vector_load %arg8[%parallel_loop3A_414, %parallel_loop3A_415, %parallel_loop3A_416] {strides = array<i32>} : memref<2x400x128xf32, #tpu.memory_space<vmem>>, vector<16xf32>,
        %parallel_loop3A_418 = arith.mulf %parallel_loop3A_408, %parallel_loop3A_417 : vector<16xf32>
        %parallel_loop3A_419 = arith.addf %parallel_loop3A_361, %parallel_loop3A_418 : vector<16xf32>
        %parallel_loop3A_420 = arith.index_cast %and3A_214 : i32 to index
        %parallel_loop3A_421 = arith.index_cast %parallel_loop3A_413 : i32 to index
        %parallel_loop3A_422 = arith.constant 16 : index
        %parallel_loop3A_423 = tpu.vector_load %arg8[%parallel_loop3A_420, %parallel_loop3A_421, %parallel_loop3A_422] {strides = array<i32>} : memref<2x400x128xf32, #tpu.memory_space<vmem>>, vector<16xf32>,
        %parallel_loop3A_424 = arith.mulf %parallel_loop3A_408, %parallel_loop3A_423 : vector<16xf32>
        %parallel_loop3A_425 = arith.addf %parallel_loop3A_367, %parallel_loop3A_424 : vector<16xf32>
        %parallel_loop3A_426 = arith.index_cast %and3A_214 : i32 to index
        %parallel_loop3A_427 = arith.index_cast %parallel_loop3A_413 : i32 to index
        %parallel_loop3A_428 = arith.constant 32 : index
        %parallel_loop3A_429 = tpu.vector_load %arg8[%parallel_loop3A_426, %parallel_loop3A_427, %parallel_loop3A_428] {strides = array<i32>} : memref<2x400x128xf32, #tpu.memory_space<vmem>>, vector<16xf32>,
        %parallel_loop3A_430 = arith.mulf %parallel_loop3A_408, %parallel_loop3A_429 : vector<16xf32>
        %parallel_loop3A_431 = arith.addf %parallel_loop3A_373, %parallel_loop3A_430 : vector<16xf32>
        %parallel_loop3A_432 = arith.index_cast %and3A_214 : i32 to index
        %parallel_loop3A_433 = arith.index_cast %parallel_loop3A_413 : i32 to index
        %parallel_loop3A_434 = arith.constant 48 : index
        %parallel_loop3A_435 = tpu.vector_load %arg8[%parallel_loop3A_432, %parallel_loop3A_433, %parallel_loop3A_434] {strides = array<i32>} : memref<2x400x128xf32, #tpu.memory_space<vmem>>, vector<16xf32>,
        %parallel_loop3A_436 = arith.mulf %parallel_loop3A_408, %parallel_loop3A_435 : vector<16xf32>
        %parallel_loop3A_437 = arith.addf %parallel_loop3A_379, %parallel_loop3A_436 : vector<16xf32>
        %parallel_loop3A_438 = arith.index_cast %and3A_214 : i32 to index
        %parallel_loop3A_439 = arith.index_cast %parallel_loop3A_413 : i32 to index
        %parallel_loop3A_440 = arith.constant 64 : index
        %parallel_loop3A_441 = tpu.vector_load %arg8[%parallel_loop3A_438, %parallel_loop3A_439, %parallel_loop3A_440] {strides = array<i32>} : memref<2x400x128xf32, #tpu.memory_space<vmem>>, vector<16xf32>,
        %parallel_loop3A_442 = arith.mulf %parallel_loop3A_408, %parallel_loop3A_441 : vector<16xf32>
        %parallel_loop3A_443 = arith.addf %parallel_loop3A_385, %parallel_loop3A_442 : vector<16xf32>
        %parallel_loop3A_444 = arith.index_cast %and3A_214 : i32 to index
        %parallel_loop3A_445 = arith.index_cast %parallel_loop3A_413 : i32 to index
        %parallel_loop3A_446 = arith.constant 80 : index
        %parallel_loop3A_447 = tpu.vector_load %arg8[%parallel_loop3A_444, %parallel_loop3A_445, %parallel_loop3A_446] {strides = array<i32>} : memref<2x400x128xf32, #tpu.memory_space<vmem>>, vector<16xf32>,
        %parallel_loop3A_448 = arith.mulf %parallel_loop3A_408, %parallel_loop3A_447 : vector<16xf32>
        %parallel_loop3A_449 = arith.addf %parallel_loop3A_391, %parallel_loop3A_448 : vector<16xf32>
        %parallel_loop3A_450 = arith.index_cast %and3A_214 : i32 to index
        %parallel_loop3A_451 = arith.index_cast %parallel_loop3A_413 : i32 to index
        %parallel_loop3A_452 = arith.constant 96 : index
        %parallel_loop3A_453 = tpu.vector_load %arg8[%parallel_loop3A_450, %parallel_loop3A_451, %parallel_loop3A_452] {strides = array<i32>} : memref<2x400x128xf32, #tpu.memory_space<vmem>>, vector<16xf32>,
        %parallel_loop3A_454 = arith.mulf %parallel_loop3A_408, %parallel_loop3A_453 : vector<16xf32>
        %parallel_loop3A_455 = arith.addf %parallel_loop3A_397, %parallel_loop3A_454 : vector<16xf32>
        %parallel_loop3A_456 = arith.index_cast %and3A_214 : i32 to index
        %parallel_loop3A_457 = arith.index_cast %parallel_loop3A_413 : i32 to index
        %parallel_loop3A_458 = arith.constant 112 : index
        %parallel_loop3A_459 = tpu.vector_load %arg8[%parallel_loop3A_456, %parallel_loop3A_457, %parallel_loop3A_458] {strides = array<i32>} : memref<2x400x128xf32, #tpu.memory_space<vmem>>, vector<16xf32>,
        %parallel_loop3A_460 = arith.mulf %parallel_loop3A_408, %parallel_loop3A_459 : vector<16xf32>
        %parallel_loop3A_461 = arith.addf %parallel_loop3A_403, %parallel_loop3A_460 : vector<16xf32>
        %parallel_loop3A_462 = vector.broadcast %and3A_214 : i32 to vector<16xi32>
        %parallel_loop3A_463 = vector.broadcast %parallel_loop3A_296 : i32 to vector<16xi32>
        %parallel_loop3A_464 = arith.constant 3 : i32
        %parallel_loop3A_465 = vector.broadcast %parallel_loop3A_464 : i32 to vector<16xi32>
        %parallel_loop3A_466 = tpu.vector_load_idx %arg7[%parallel_loop3A_462, %parallel_loop3A_463, %parallel_loop3A_465] : memref<2x40x16xf32, #tpu.memory_space<vmem>>[vector<16xi32>, vector<16xi32>, vector<16xi32>], vector<16xf32>,
        %parallel_loop3A_467 = arith.addf %parallel_loop3A_409, %parallel_loop3A_466 : vector<16xf32>
        %parallel_loop3A_468 = arith.constant 10 : i32
        %parallel_loop3A_469 = arith.muli %parallel_loop3A_296, %parallel_loop3A_468 : i32
        %parallel_loop3A_470 = arith.constant 3 : i32
        %parallel_loop3A_471 = arith.addi %parallel_loop3A_469, %parallel_loop3A_470 : i32
        %parallel_loop3A_472 = arith.index_cast %and3A_214 : i32 to index
        %parallel_loop3A_473 = arith.index_cast %parallel_loop3A_471 : i32 to index
        %parallel_loop3A_474 = arith.constant 0 : index
        %parallel_loop3A_475 = tpu.vector_load %arg8[%parallel_loop3A_472, %parallel_loop3A_473, %parallel_loop3A_474] {strides = array<i32>} : memref<2x400x128xf32, #tpu.memory_space<vmem>>, vector<16xf32>,
        %parallel_loop3A_476 = arith.mulf %parallel_loop3A_466, %parallel_loop3A_475 : vector<16xf32>
        %parallel_loop3A_477 = arith.addf %parallel_loop3A_419, %parallel_loop3A_476 : vector<16xf32>
        %parallel_loop3A_478 = arith.index_cast %and3A_214 : i32 to index
        %parallel_loop3A_479 = arith.index_cast %parallel_loop3A_471 : i32 to index
        %parallel_loop3A_480 = arith.constant 16 : index
        %parallel_loop3A_481 = tpu.vector_load %arg8[%parallel_loop3A_478, %parallel_loop3A_479, %parallel_loop3A_480] {strides = array<i32>} : memref<2x400x128xf32, #tpu.memory_space<vmem>>, vector<16xf32>,
        %parallel_loop3A_482 = arith.mulf %parallel_loop3A_466, %parallel_loop3A_481 : vector<16xf32>
        %parallel_loop3A_483 = arith.addf %parallel_loop3A_425, %parallel_loop3A_482 : vector<16xf32>
        %parallel_loop3A_484 = arith.index_cast %and3A_214 : i32 to index
        %parallel_loop3A_485 = arith.index_cast %parallel_loop3A_471 : i32 to index
        %parallel_loop3A_486 = arith.constant 32 : index
        %parallel_loop3A_487 = tpu.vector_load %arg8[%parallel_loop3A_484, %parallel_loop3A_485, %parallel_loop3A_486] {strides = array<i32>} : memref<2x400x128xf32, #tpu.memory_space<vmem>>, vector<16xf32>,
        %parallel_loop3A_488 = arith.mulf %parallel_loop3A_466, %parallel_loop3A_487 : vector<16xf32>
        %parallel_loop3A_489 = arith.addf %parallel_loop3A_431, %parallel_loop3A_488 : vector<16xf32>
        %parallel_loop3A_490 = arith.index_cast %and3A_214 : i32 to index
        %parallel_loop3A_491 = arith.index_cast %parallel_loop3A_471 : i32 to index
        %parallel_loop3A_492 = arith.constant 48 : index
        %parallel_loop3A_493 = tpu.vector_load %arg8[%parallel_loop3A_490, %parallel_loop3A_491, %parallel_loop3A_492] {strides = array<i32>} : memref<2x400x128xf32, #tpu.memory_space<vmem>>, vector<16xf32>,
        %parallel_loop3A_494 = arith.mulf %parallel_loop3A_466, %parallel_loop3A_493 : vector<16xf32>
        %parallel_loop3A_495 = arith.addf %parallel_loop3A_437, %parallel_loop3A_494 : vector<16xf32>
        %parallel_loop3A_496 = arith.index_cast %and3A_214 : i32 to index
        %parallel_loop3A_497 = arith.index_cast %parallel_loop3A_471 : i32 to index
        %parallel_loop3A_498 = arith.constant 64 : index
        %parallel_loop3A_499 = tpu.vector_load %arg8[%parallel_loop3A_496, %parallel_loop3A_497, %parallel_loop3A_498] {strides = array<i32>} : memref<2x400x128xf32, #tpu.memory_space<vmem>>, vector<16xf32>,
        %parallel_loop3A_500 = arith.mulf %parallel_loop3A_466, %parallel_loop3A_499 : vector<16xf32>
        %parallel_loop3A_501 = arith.addf %parallel_loop3A_443, %parallel_loop3A_500 : vector<16xf32>
        %parallel_loop3A_502 = arith.index_cast %and3A_214 : i32 to index
        %parallel_loop3A_503 = arith.index_cast %parallel_loop3A_471 : i32 to index
        %parallel_loop3A_504 = arith.constant 80 : index
        %parallel_loop3A_505 = tpu.vector_load %arg8[%parallel_loop3A_502, %parallel_loop3A_503, %parallel_loop3A_504] {strides = array<i32>} : memref<2x400x128xf32, #tpu.memory_space<vmem>>, vector<16xf32>,
        %parallel_loop3A_506 = arith.mulf %parallel_loop3A_466, %parallel_loop3A_505 : vector<16xf32>
        %parallel_loop3A_507 = arith.addf %parallel_loop3A_449, %parallel_loop3A_506 : vector<16xf32>
        %parallel_loop3A_508 = arith.index_cast %and3A_214 : i32 to index
        %parallel_loop3A_509 = arith.index_cast %parallel_loop3A_471 : i32 to index
        %parallel_loop3A_510 = arith.constant 96 : index
        %parallel_loop3A_511 = tpu.vector_load %arg8[%parallel_loop3A_508, %parallel_loop3A_509, %parallel_loop3A_510] {strides = array<i32>} : memref<2x400x128xf32, #tpu.memory_space<vmem>>, vector<16xf32>,
        %parallel_loop3A_512 = arith.mulf %parallel_loop3A_466, %parallel_loop3A_511 : vector<16xf32>
        %parallel_loop3A_513 = arith.addf %parallel_loop3A_455, %parallel_loop3A_512 : vector<16xf32>
        %parallel_loop3A_514 = arith.index_cast %and3A_214 : i32 to index
        %parallel_loop3A_515 = arith.index_cast %parallel_loop3A_471 : i32 to index
        %parallel_loop3A_516 = arith.constant 112 : index
        %parallel_loop3A_517 = tpu.vector_load %arg8[%parallel_loop3A_514, %parallel_loop3A_515, %parallel_loop3A_516] {strides = array<i32>} : memref<2x400x128xf32, #tpu.memory_space<vmem>>, vector<16xf32>,
        %parallel_loop3A_518 = arith.mulf %parallel_loop3A_466, %parallel_loop3A_517 : vector<16xf32>
        %parallel_loop3A_519 = arith.addf %parallel_loop3A_461, %parallel_loop3A_518 : vector<16xf32>
        %parallel_loop3A_520 = vector.broadcast %and3A_214 : i32 to vector<16xi32>
        %parallel_loop3A_521 = vector.broadcast %parallel_loop3A_296 : i32 to vector<16xi32>
        %parallel_loop3A_522 = arith.constant 4 : i32
        %parallel_loop3A_523 = vector.broadcast %parallel_loop3A_522 : i32 to vector<16xi32>
        %parallel_loop3A_524 = tpu.vector_load_idx %arg7[%parallel_loop3A_520, %parallel_loop3A_521, %parallel_loop3A_523] : memref<2x40x16xf32, #tpu.memory_space<vmem>>[vector<16xi32>, vector<16xi32>, vector<16xi32>], vector<16xf32>,
        %parallel_loop3A_525 = arith.addf %parallel_loop3A_467, %parallel_loop3A_524 : vector<16xf32>
        %parallel_loop3A_526 = arith.constant 10 : i32
        %parallel_loop3A_527 = arith.muli %parallel_loop3A_296, %parallel_loop3A_526 : i32
        %parallel_loop3A_528 = arith.constant 4 : i32
        %parallel_loop3A_529 = arith.addi %parallel_loop3A_527, %parallel_loop3A_528 : i32
        %parallel_loop3A_530 = arith.index_cast %and3A_214 : i32 to index
        %parallel_loop3A_531 = arith.index_cast %parallel_loop3A_529 : i32 to index
        %parallel_loop3A_532 = arith.constant 0 : index
        %parallel_loop3A_533 = tpu.vector_load %arg8[%parallel_loop3A_530, %parallel_loop3A_531, %parallel_loop3A_532] {strides = array<i32>} : memref<2x400x128xf32, #tpu.memory_space<vmem>>, vector<16xf32>,
        %parallel_loop3A_534 = arith.mulf %parallel_loop3A_524, %parallel_loop3A_533 : vector<16xf32>
        %parallel_loop3A_535 = arith.addf %parallel_loop3A_477, %parallel_loop3A_534 : vector<16xf32>
        %parallel_loop3A_536 = arith.index_cast %and3A_214 : i32 to index
        %parallel_loop3A_537 = arith.index_cast %parallel_loop3A_529 : i32 to index
        %parallel_loop3A_538 = arith.constant 16 : index
        %parallel_loop3A_539 = tpu.vector_load %arg8[%parallel_loop3A_536, %parallel_loop3A_537, %parallel_loop3A_538] {strides = array<i32>} : memref<2x400x128xf32, #tpu.memory_space<vmem>>, vector<16xf32>,
        %parallel_loop3A_540 = arith.mulf %parallel_loop3A_524, %parallel_loop3A_539 : vector<16xf32>
        %parallel_loop3A_541 = arith.addf %parallel_loop3A_483, %parallel_loop3A_540 : vector<16xf32>
        %parallel_loop3A_542 = arith.index_cast %and3A_214 : i32 to index
        %parallel_loop3A_543 = arith.index_cast %parallel_loop3A_529 : i32 to index
        %parallel_loop3A_544 = arith.constant 32 : index
        %parallel_loop3A_545 = tpu.vector_load %arg8[%parallel_loop3A_542, %parallel_loop3A_543, %parallel_loop3A_544] {strides = array<i32>} : memref<2x400x128xf32, #tpu.memory_space<vmem>>, vector<16xf32>,
        %parallel_loop3A_546 = arith.mulf %parallel_loop3A_524, %parallel_loop3A_545 : vector<16xf32>
        %parallel_loop3A_547 = arith.addf %parallel_loop3A_489, %parallel_loop3A_546 : vector<16xf32>
        %parallel_loop3A_548 = arith.index_cast %and3A_214 : i32 to index
        %parallel_loop3A_549 = arith.index_cast %parallel_loop3A_529 : i32 to index
        %parallel_loop3A_550 = arith.constant 48 : index
        %parallel_loop3A_551 = tpu.vector_load %arg8[%parallel_loop3A_548, %parallel_loop3A_549, %parallel_loop3A_550] {strides = array<i32>} : memref<2x400x128xf32, #tpu.memory_space<vmem>>, vector<16xf32>,
        %parallel_loop3A_552 = arith.mulf %parallel_loop3A_524, %parallel_loop3A_551 : vector<16xf32>
        %parallel_loop3A_553 = arith.addf %parallel_loop3A_495, %parallel_loop3A_552 : vector<16xf32>
        %parallel_loop3A_554 = arith.index_cast %and3A_214 : i32 to index
        %parallel_loop3A_555 = arith.index_cast %parallel_loop3A_529 : i32 to index
        %parallel_loop3A_556 = arith.constant 64 : index
        %parallel_loop3A_557 = tpu.vector_load %arg8[%parallel_loop3A_554, %parallel_loop3A_555, %parallel_loop3A_556] {strides = array<i32>} : memref<2x400x128xf32, #tpu.memory_space<vmem>>, vector<16xf32>,
        %parallel_loop3A_558 = arith.mulf %parallel_loop3A_524, %parallel_loop3A_557 : vector<16xf32>
        %parallel_loop3A_559 = arith.addf %parallel_loop3A_501, %parallel_loop3A_558 : vector<16xf32>
        %parallel_loop3A_560 = arith.index_cast %and3A_214 : i32 to index
        %parallel_loop3A_561 = arith.index_cast %parallel_loop3A_529 : i32 to index
        %parallel_loop3A_562 = arith.constant 80 : index
        %parallel_loop3A_563 = tpu.vector_load %arg8[%parallel_loop3A_560, %parallel_loop3A_561, %parallel_loop3A_562] {strides = array<i32>} : memref<2x400x128xf32, #tpu.memory_space<vmem>>, vector<16xf32>,
        %parallel_loop3A_564 = arith.mulf %parallel_loop3A_524, %parallel_loop3A_563 : vector<16xf32>
        %parallel_loop3A_565 = arith.addf %parallel_loop3A_507, %parallel_loop3A_564 : vector<16xf32>
        %parallel_loop3A_566 = arith.index_cast %and3A_214 : i32 to index
        %parallel_loop3A_567 = arith.index_cast %parallel_loop3A_529 : i32 to index
        %parallel_loop3A_568 = arith.constant 96 : index
        %parallel_loop3A_569 = tpu.vector_load %arg8[%parallel_loop3A_566, %parallel_loop3A_567, %parallel_loop3A_568] {strides = array<i32>} : memref<2x400x128xf32, #tpu.memory_space<vmem>>, vector<16xf32>,
        %parallel_loop3A_570 = arith.mulf %parallel_loop3A_524, %parallel_loop3A_569 : vector<16xf32>
        %parallel_loop3A_571 = arith.addf %parallel_loop3A_513, %parallel_loop3A_570 : vector<16xf32>
        %parallel_loop3A_572 = arith.index_cast %and3A_214 : i32 to index
        %parallel_loop3A_573 = arith.index_cast %parallel_loop3A_529 : i32 to index
        %parallel_loop3A_574 = arith.constant 112 : index
        %parallel_loop3A_575 = tpu.vector_load %arg8[%parallel_loop3A_572, %parallel_loop3A_573, %parallel_loop3A_574] {strides = array<i32>} : memref<2x400x128xf32, #tpu.memory_space<vmem>>, vector<16xf32>,
        %parallel_loop3A_576 = arith.mulf %parallel_loop3A_524, %parallel_loop3A_575 : vector<16xf32>
        %parallel_loop3A_577 = arith.addf %parallel_loop3A_519, %parallel_loop3A_576 : vector<16xf32>
        %parallel_loop3A_578 = vector.broadcast %and3A_214 : i32 to vector<16xi32>
        %parallel_loop3A_579 = vector.broadcast %parallel_loop3A_296 : i32 to vector<16xi32>
        %parallel_loop3A_580 = arith.constant 5 : i32
        %parallel_loop3A_581 = vector.broadcast %parallel_loop3A_580 : i32 to vector<16xi32>
        %parallel_loop3A_582 = tpu.vector_load_idx %arg7[%parallel_loop3A_578, %parallel_loop3A_579, %parallel_loop3A_581] : memref<2x40x16xf32, #tpu.memory_space<vmem>>[vector<16xi32>, vector<16xi32>, vector<16xi32>], vector<16xf32>,
        %parallel_loop3A_583 = arith.addf %parallel_loop3A_525, %parallel_loop3A_582 : vector<16xf32>
        %parallel_loop3A_584 = arith.constant 10 : i32
        %parallel_loop3A_585 = arith.muli %parallel_loop3A_296, %parallel_loop3A_584 : i32
        %parallel_loop3A_586 = arith.constant 5 : i32
        %parallel_loop3A_587 = arith.addi %parallel_loop3A_585, %parallel_loop3A_586 : i32
        %parallel_loop3A_588 = arith.index_cast %and3A_214 : i32 to index
        %parallel_loop3A_589 = arith.index_cast %parallel_loop3A_587 : i32 to index
        %parallel_loop3A_590 = arith.constant 0 : index
        %parallel_loop3A_591 = tpu.vector_load %arg8[%parallel_loop3A_588, %parallel_loop3A_589, %parallel_loop3A_590] {strides = array<i32>} : memref<2x400x128xf32, #tpu.memory_space<vmem>>, vector<16xf32>,
        %parallel_loop3A_592 = arith.mulf %parallel_loop3A_582, %parallel_loop3A_591 : vector<16xf32>
        %parallel_loop3A_593 = arith.addf %parallel_loop3A_535, %parallel_loop3A_592 : vector<16xf32>
        %parallel_loop3A_594 = arith.index_cast %and3A_214 : i32 to index
        %parallel_loop3A_595 = arith.index_cast %parallel_loop3A_587 : i32 to index
        %parallel_loop3A_596 = arith.constant 16 : index
        %parallel_loop3A_597 = tpu.vector_load %arg8[%parallel_loop3A_594, %parallel_loop3A_595, %parallel_loop3A_596] {strides = array<i32>} : memref<2x400x128xf32, #tpu.memory_space<vmem>>, vector<16xf32>,
        %parallel_loop3A_598 = arith.mulf %parallel_loop3A_582, %parallel_loop3A_597 : vector<16xf32>
        %parallel_loop3A_599 = arith.addf %parallel_loop3A_541, %parallel_loop3A_598 : vector<16xf32>
        %parallel_loop3A_600 = arith.index_cast %and3A_214 : i32 to index
        %parallel_loop3A_601 = arith.index_cast %parallel_loop3A_587 : i32 to index
        %parallel_loop3A_602 = arith.constant 32 : index
        %parallel_loop3A_603 = tpu.vector_load %arg8[%parallel_loop3A_600, %parallel_loop3A_601, %parallel_loop3A_602] {strides = array<i32>} : memref<2x400x128xf32, #tpu.memory_space<vmem>>, vector<16xf32>,
        %parallel_loop3A_604 = arith.mulf %parallel_loop3A_582, %parallel_loop3A_603 : vector<16xf32>
        %parallel_loop3A_605 = arith.addf %parallel_loop3A_547, %parallel_loop3A_604 : vector<16xf32>
        %parallel_loop3A_606 = arith.index_cast %and3A_214 : i32 to index
        %parallel_loop3A_607 = arith.index_cast %parallel_loop3A_587 : i32 to index
        %parallel_loop3A_608 = arith.constant 48 : index
        %parallel_loop3A_609 = tpu.vector_load %arg8[%parallel_loop3A_606, %parallel_loop3A_607, %parallel_loop3A_608] {strides = array<i32>} : memref<2x400x128xf32, #tpu.memory_space<vmem>>, vector<16xf32>,
        %parallel_loop3A_610 = arith.mulf %parallel_loop3A_582, %parallel_loop3A_609 : vector<16xf32>
        %parallel_loop3A_611 = arith.addf %parallel_loop3A_553, %parallel_loop3A_610 : vector<16xf32>
        %parallel_loop3A_612 = arith.index_cast %and3A_214 : i32 to index
        %parallel_loop3A_613 = arith.index_cast %parallel_loop3A_587 : i32 to index
        %parallel_loop3A_614 = arith.constant 64 : index
        %parallel_loop3A_615 = tpu.vector_load %arg8[%parallel_loop3A_612, %parallel_loop3A_613, %parallel_loop3A_614] {strides = array<i32>} : memref<2x400x128xf32, #tpu.memory_space<vmem>>, vector<16xf32>,
        %parallel_loop3A_616 = arith.mulf %parallel_loop3A_582, %parallel_loop3A_615 : vector<16xf32>
        %parallel_loop3A_617 = arith.addf %parallel_loop3A_559, %parallel_loop3A_616 : vector<16xf32>
        %parallel_loop3A_618 = arith.index_cast %and3A_214 : i32 to index
        %parallel_loop3A_619 = arith.index_cast %parallel_loop3A_587 : i32 to index
        %parallel_loop3A_620 = arith.constant 80 : index
        %parallel_loop3A_621 = tpu.vector_load %arg8[%parallel_loop3A_618, %parallel_loop3A_619, %parallel_loop3A_620] {strides = array<i32>} : memref<2x400x128xf32, #tpu.memory_space<vmem>>, vector<16xf32>,
        %parallel_loop3A_622 = arith.mulf %parallel_loop3A_582, %parallel_loop3A_621 : vector<16xf32>
        %parallel_loop3A_623 = arith.addf %parallel_loop3A_565, %parallel_loop3A_622 : vector<16xf32>
        %parallel_loop3A_624 = arith.index_cast %and3A_214 : i32 to index
        %parallel_loop3A_625 = arith.index_cast %parallel_loop3A_587 : i32 to index
        %parallel_loop3A_626 = arith.constant 96 : index
        %parallel_loop3A_627 = tpu.vector_load %arg8[%parallel_loop3A_624, %parallel_loop3A_625, %parallel_loop3A_626] {strides = array<i32>} : memref<2x400x128xf32, #tpu.memory_space<vmem>>, vector<16xf32>,
        %parallel_loop3A_628 = arith.mulf %parallel_loop3A_582, %parallel_loop3A_627 : vector<16xf32>
        %parallel_loop3A_629 = arith.addf %parallel_loop3A_571, %parallel_loop3A_628 : vector<16xf32>
        %parallel_loop3A_630 = arith.index_cast %and3A_214 : i32 to index
        %parallel_loop3A_631 = arith.index_cast %parallel_loop3A_587 : i32 to index
        %parallel_loop3A_632 = arith.constant 112 : index
        %parallel_loop3A_633 = tpu.vector_load %arg8[%parallel_loop3A_630, %parallel_loop3A_631, %parallel_loop3A_632] {strides = array<i32>} : memref<2x400x128xf32, #tpu.memory_space<vmem>>, vector<16xf32>,
        %parallel_loop3A_634 = arith.mulf %parallel_loop3A_582, %parallel_loop3A_633 : vector<16xf32>
        %parallel_loop3A_635 = arith.addf %parallel_loop3A_577, %parallel_loop3A_634 : vector<16xf32>
        %parallel_loop3A_636 = vector.broadcast %and3A_214 : i32 to vector<16xi32>
        %parallel_loop3A_637 = vector.broadcast %parallel_loop3A_296 : i32 to vector<16xi32>
        %parallel_loop3A_638 = arith.constant 6 : i32
        %parallel_loop3A_639 = vector.broadcast %parallel_loop3A_638 : i32 to vector<16xi32>
        %parallel_loop3A_640 = tpu.vector_load_idx %arg7[%parallel_loop3A_636, %parallel_loop3A_637, %parallel_loop3A_639] : memref<2x40x16xf32, #tpu.memory_space<vmem>>[vector<16xi32>, vector<16xi32>, vector<16xi32>], vector<16xf32>,
        %parallel_loop3A_641 = arith.addf %parallel_loop3A_583, %parallel_loop3A_640 : vector<16xf32>
        %parallel_loop3A_642 = arith.constant 10 : i32
        %parallel_loop3A_643 = arith.muli %parallel_loop3A_296, %parallel_loop3A_642 : i32
        %parallel_loop3A_644 = arith.constant 6 : i32
        %parallel_loop3A_645 = arith.addi %parallel_loop3A_643, %parallel_loop3A_644 : i32
        %parallel_loop3A_646 = arith.index_cast %and3A_214 : i32 to index
        %parallel_loop3A_647 = arith.index_cast %parallel_loop3A_645 : i32 to index
        %parallel_loop3A_648 = arith.constant 0 : index
        %parallel_loop3A_649 = tpu.vector_load %arg8[%parallel_loop3A_646, %parallel_loop3A_647, %parallel_loop3A_648] {strides = array<i32>} : memref<2x400x128xf32, #tpu.memory_space<vmem>>, vector<16xf32>,
        %parallel_loop3A_650 = arith.mulf %parallel_loop3A_640, %parallel_loop3A_649 : vector<16xf32>
        %parallel_loop3A_651 = arith.addf %parallel_loop3A_593, %parallel_loop3A_650 : vector<16xf32>
        %parallel_loop3A_652 = arith.index_cast %and3A_214 : i32 to index
        %parallel_loop3A_653 = arith.index_cast %parallel_loop3A_645 : i32 to index
        %parallel_loop3A_654 = arith.constant 16 : index
        %parallel_loop3A_655 = tpu.vector_load %arg8[%parallel_loop3A_652, %parallel_loop3A_653, %parallel_loop3A_654] {strides = array<i32>} : memref<2x400x128xf32, #tpu.memory_space<vmem>>, vector<16xf32>,
        %parallel_loop3A_656 = arith.mulf %parallel_loop3A_640, %parallel_loop3A_655 : vector<16xf32>
        %parallel_loop3A_657 = arith.addf %parallel_loop3A_599, %parallel_loop3A_656 : vector<16xf32>
        %parallel_loop3A_658 = arith.index_cast %and3A_214 : i32 to index
        %parallel_loop3A_659 = arith.index_cast %parallel_loop3A_645 : i32 to index
        %parallel_loop3A_660 = arith.constant 32 : index
        %parallel_loop3A_661 = tpu.vector_load %arg8[%parallel_loop3A_658, %parallel_loop3A_659, %parallel_loop3A_660] {strides = array<i32>} : memref<2x400x128xf32, #tpu.memory_space<vmem>>, vector<16xf32>,
        %parallel_loop3A_662 = arith.mulf %parallel_loop3A_640, %parallel_loop3A_661 : vector<16xf32>
        %parallel_loop3A_663 = arith.addf %parallel_loop3A_605, %parallel_loop3A_662 : vector<16xf32>
        %parallel_loop3A_664 = arith.index_cast %and3A_214 : i32 to index
        %parallel_loop3A_665 = arith.index_cast %parallel_loop3A_645 : i32 to index
        %parallel_loop3A_666 = arith.constant 48 : index
        %parallel_loop3A_667 = tpu.vector_load %arg8[%parallel_loop3A_664, %parallel_loop3A_665, %parallel_loop3A_666] {strides = array<i32>} : memref<2x400x128xf32, #tpu.memory_space<vmem>>, vector<16xf32>,
        %parallel_loop3A_668 = arith.mulf %parallel_loop3A_640, %parallel_loop3A_667 : vector<16xf32>
        %parallel_loop3A_669 = arith.addf %parallel_loop3A_611, %parallel_loop3A_668 : vector<16xf32>
        %parallel_loop3A_670 = arith.index_cast %and3A_214 : i32 to index
        %parallel_loop3A_671 = arith.index_cast %parallel_loop3A_645 : i32 to index
        %parallel_loop3A_672 = arith.constant 64 : index
        %parallel_loop3A_673 = tpu.vector_load %arg8[%parallel_loop3A_670, %parallel_loop3A_671, %parallel_loop3A_672] {strides = array<i32>} : memref<2x400x128xf32, #tpu.memory_space<vmem>>, vector<16xf32>,
        %parallel_loop3A_674 = arith.mulf %parallel_loop3A_640, %parallel_loop3A_673 : vector<16xf32>
        %parallel_loop3A_675 = arith.addf %parallel_loop3A_617, %parallel_loop3A_674 : vector<16xf32>
        %parallel_loop3A_676 = arith.index_cast %and3A_214 : i32 to index
        %parallel_loop3A_677 = arith.index_cast %parallel_loop3A_645 : i32 to index
        %parallel_loop3A_678 = arith.constant 80 : index
        %parallel_loop3A_679 = tpu.vector_load %arg8[%parallel_loop3A_676, %parallel_loop3A_677, %parallel_loop3A_678] {strides = array<i32>} : memref<2x400x128xf32, #tpu.memory_space<vmem>>, vector<16xf32>,
        %parallel_loop3A_680 = arith.mulf %parallel_loop3A_640, %parallel_loop3A_679 : vector<16xf32>
        %parallel_loop3A_681 = arith.addf %parallel_loop3A_623, %parallel_loop3A_680 : vector<16xf32>
        %parallel_loop3A_682 = arith.index_cast %and3A_214 : i32 to index
        %parallel_loop3A_683 = arith.index_cast %parallel_loop3A_645 : i32 to index
        %parallel_loop3A_684 = arith.constant 96 : index
        %parallel_loop3A_685 = tpu.vector_load %arg8[%parallel_loop3A_682, %parallel_loop3A_683, %parallel_loop3A_684] {strides = array<i32>} : memref<2x400x128xf32, #tpu.memory_space<vmem>>, vector<16xf32>,
        %parallel_loop3A_686 = arith.mulf %parallel_loop3A_640, %parallel_loop3A_685 : vector<16xf32>
        %parallel_loop3A_687 = arith.addf %parallel_loop3A_629, %parallel_loop3A_686 : vector<16xf32>
        %parallel_loop3A_688 = arith.index_cast %and3A_214 : i32 to index
        %parallel_loop3A_689 = arith.index_cast %parallel_loop3A_645 : i32 to index
        %parallel_loop3A_690 = arith.constant 112 : index
        %parallel_loop3A_691 = tpu.vector_load %arg8[%parallel_loop3A_688, %parallel_loop3A_689, %parallel_loop3A_690] {strides = array<i32>} : memref<2x400x128xf32, #tpu.memory_space<vmem>>, vector<16xf32>,
        %parallel_loop3A_692 = arith.mulf %parallel_loop3A_640, %parallel_loop3A_691 : vector<16xf32>
        %parallel_loop3A_693 = arith.addf %parallel_loop3A_635, %parallel_loop3A_692 : vector<16xf32>
        %parallel_loop3A_694 = vector.broadcast %and3A_214 : i32 to vector<16xi32>
        %parallel_loop3A_695 = vector.broadcast %parallel_loop3A_296 : i32 to vector<16xi32>
        %parallel_loop3A_696 = arith.constant 7 : i32
        %parallel_loop3A_697 = vector.broadcast %parallel_loop3A_696 : i32 to vector<16xi32>
        %parallel_loop3A_698 = tpu.vector_load_idx %arg7[%parallel_loop3A_694, %parallel_loop3A_695, %parallel_loop3A_697] : memref<2x40x16xf32, #tpu.memory_space<vmem>>[vector<16xi32>, vector<16xi32>, vector<16xi32>], vector<16xf32>,
        %parallel_loop3A_699 = arith.addf %parallel_loop3A_641, %parallel_loop3A_698 : vector<16xf32>
        %parallel_loop3A_700 = arith.constant 10 : i32
        %parallel_loop3A_701 = arith.muli %parallel_loop3A_296, %parallel_loop3A_700 : i32
        %parallel_loop3A_702 = arith.constant 7 : i32
        %parallel_loop3A_703 = arith.addi %parallel_loop3A_701, %parallel_loop3A_702 : i32
        %parallel_loop3A_704 = arith.index_cast %and3A_214 : i32 to index
        %parallel_loop3A_705 = arith.index_cast %parallel_loop3A_703 : i32 to index
        %parallel_loop3A_706 = arith.constant 0 : index
        %parallel_loop3A_707 = tpu.vector_load %arg8[%parallel_loop3A_704, %parallel_loop3A_705, %parallel_loop3A_706] {strides = array<i32>} : memref<2x400x128xf32, #tpu.memory_space<vmem>>, vector<16xf32>,
        %parallel_loop3A_708 = arith.mulf %parallel_loop3A_698, %parallel_loop3A_707 : vector<16xf32>
        %parallel_loop3A_709 = arith.addf %parallel_loop3A_651, %parallel_loop3A_708 : vector<16xf32>
        %parallel_loop3A_710 = arith.index_cast %and3A_214 : i32 to index
        %parallel_loop3A_711 = arith.index_cast %parallel_loop3A_703 : i32 to index
        %parallel_loop3A_712 = arith.constant 16 : index
        %parallel_loop3A_713 = tpu.vector_load %arg8[%parallel_loop3A_710, %parallel_loop3A_711, %parallel_loop3A_712] {strides = array<i32>} : memref<2x400x128xf32, #tpu.memory_space<vmem>>, vector<16xf32>,
        %parallel_loop3A_714 = arith.mulf %parallel_loop3A_698, %parallel_loop3A_713 : vector<16xf32>
        %parallel_loop3A_715 = arith.addf %parallel_loop3A_657, %parallel_loop3A_714 : vector<16xf32>
        %parallel_loop3A_716 = arith.index_cast %and3A_214 : i32 to index
        %parallel_loop3A_717 = arith.index_cast %parallel_loop3A_703 : i32 to index
        %parallel_loop3A_718 = arith.constant 32 : index
        %parallel_loop3A_719 = tpu.vector_load %arg8[%parallel_loop3A_716, %parallel_loop3A_717, %parallel_loop3A_718] {strides = array<i32>} : memref<2x400x128xf32, #tpu.memory_space<vmem>>, vector<16xf32>,
        %parallel_loop3A_720 = arith.mulf %parallel_loop3A_698, %parallel_loop3A_719 : vector<16xf32>
        %parallel_loop3A_721 = arith.addf %parallel_loop3A_663, %parallel_loop3A_720 : vector<16xf32>
        %parallel_loop3A_722 = arith.index_cast %and3A_214 : i32 to index
        %parallel_loop3A_723 = arith.index_cast %parallel_loop3A_703 : i32 to index
        %parallel_loop3A_724 = arith.constant 48 : index
        %parallel_loop3A_725 = tpu.vector_load %arg8[%parallel_loop3A_722, %parallel_loop3A_723, %parallel_loop3A_724] {strides = array<i32>} : memref<2x400x128xf32, #tpu.memory_space<vmem>>, vector<16xf32>,
        %parallel_loop3A_726 = arith.mulf %parallel_loop3A_698, %parallel_loop3A_725 : vector<16xf32>
        %parallel_loop3A_727 = arith.addf %parallel_loop3A_669, %parallel_loop3A_726 : vector<16xf32>
        %parallel_loop3A_728 = arith.index_cast %and3A_214 : i32 to index
        %parallel_loop3A_729 = arith.index_cast %parallel_loop3A_703 : i32 to index
        %parallel_loop3A_730 = arith.constant 64 : index
        %parallel_loop3A_731 = tpu.vector_load %arg8[%parallel_loop3A_728, %parallel_loop3A_729, %parallel_loop3A_730] {strides = array<i32>} : memref<2x400x128xf32, #tpu.memory_space<vmem>>, vector<16xf32>,
        %parallel_loop3A_732 = arith.mulf %parallel_loop3A_698, %parallel_loop3A_731 : vector<16xf32>
        %parallel_loop3A_733 = arith.addf %parallel_loop3A_675, %parallel_loop3A_732 : vector<16xf32>
        %parallel_loop3A_734 = arith.index_cast %and3A_214 : i32 to index
        %parallel_loop3A_735 = arith.index_cast %parallel_loop3A_703 : i32 to index
        %parallel_loop3A_736 = arith.constant 80 : index
        %parallel_loop3A_737 = tpu.vector_load %arg8[%parallel_loop3A_734, %parallel_loop3A_735, %parallel_loop3A_736] {strides = array<i32>} : memref<2x400x128xf32, #tpu.memory_space<vmem>>, vector<16xf32>,
        %parallel_loop3A_738 = arith.mulf %parallel_loop3A_698, %parallel_loop3A_737 : vector<16xf32>
        %parallel_loop3A_739 = arith.addf %parallel_loop3A_681, %parallel_loop3A_738 : vector<16xf32>
        %parallel_loop3A_740 = arith.index_cast %and3A_214 : i32 to index
        %parallel_loop3A_741 = arith.index_cast %parallel_loop3A_703 : i32 to index
        %parallel_loop3A_742 = arith.constant 96 : index
        %parallel_loop3A_743 = tpu.vector_load %arg8[%parallel_loop3A_740, %parallel_loop3A_741, %parallel_loop3A_742] {strides = array<i32>} : memref<2x400x128xf32, #tpu.memory_space<vmem>>, vector<16xf32>,
        %parallel_loop3A_744 = arith.mulf %parallel_loop3A_698, %parallel_loop3A_743 : vector<16xf32>
        %parallel_loop3A_745 = arith.addf %parallel_loop3A_687, %parallel_loop3A_744 : vector<16xf32>
        %parallel_loop3A_746 = arith.index_cast %and3A_214 : i32 to index
        %parallel_loop3A_747 = arith.index_cast %parallel_loop3A_703 : i32 to index
        %parallel_loop3A_748 = arith.constant 112 : index
        %parallel_loop3A_749 = tpu.vector_load %arg8[%parallel_loop3A_746, %parallel_loop3A_747, %parallel_loop3A_748] {strides = array<i32>} : memref<2x400x128xf32, #tpu.memory_space<vmem>>, vector<16xf32>,
        %parallel_loop3A_750 = arith.mulf %parallel_loop3A_698, %parallel_loop3A_749 : vector<16xf32>
        %parallel_loop3A_751 = arith.addf %parallel_loop3A_693, %parallel_loop3A_750 : vector<16xf32>
        %parallel_loop3A_752 = vector.broadcast %and3A_214 : i32 to vector<16xi32>
        %parallel_loop3A_753 = vector.broadcast %parallel_loop3A_296 : i32 to vector<16xi32>
        %parallel_loop3A_754 = arith.constant 8 : i32
        %parallel_loop3A_755 = vector.broadcast %parallel_loop3A_754 : i32 to vector<16xi32>
        %parallel_loop3A_756 = tpu.vector_load_idx %arg7[%parallel_loop3A_752, %parallel_loop3A_753, %parallel_loop3A_755] : memref<2x40x16xf32, #tpu.memory_space<vmem>>[vector<16xi32>, vector<16xi32>, vector<16xi32>], vector<16xf32>,
        %parallel_loop3A_757 = arith.addf %parallel_loop3A_699, %parallel_loop3A_756 : vector<16xf32>
        %parallel_loop3A_758 = arith.constant 10 : i32
        %parallel_loop3A_759 = arith.muli %parallel_loop3A_296, %parallel_loop3A_758 : i32
        %parallel_loop3A_760 = arith.constant 8 : i32
        %parallel_loop3A_761 = arith.addi %parallel_loop3A_759, %parallel_loop3A_760 : i32
        %parallel_loop3A_762 = arith.index_cast %and3A_214 : i32 to index
        %parallel_loop3A_763 = arith.index_cast %parallel_loop3A_761 : i32 to index
        %parallel_loop3A_764 = arith.constant 0 : index
        %parallel_loop3A_765 = tpu.vector_load %arg8[%parallel_loop3A_762, %parallel_loop3A_763, %parallel_loop3A_764] {strides = array<i32>} : memref<2x400x128xf32, #tpu.memory_space<vmem>>, vector<16xf32>,
        %parallel_loop3A_766 = arith.mulf %parallel_loop3A_756, %parallel_loop3A_765 : vector<16xf32>
        %parallel_loop3A_767 = arith.addf %parallel_loop3A_709, %parallel_loop3A_766 : vector<16xf32>
        %parallel_loop3A_768 = arith.index_cast %and3A_214 : i32 to index
        %parallel_loop3A_769 = arith.index_cast %parallel_loop3A_761 : i32 to index
        %parallel_loop3A_770 = arith.constant 16 : index
        %parallel_loop3A_771 = tpu.vector_load %arg8[%parallel_loop3A_768, %parallel_loop3A_769, %parallel_loop3A_770] {strides = array<i32>} : memref<2x400x128xf32, #tpu.memory_space<vmem>>, vector<16xf32>,
        %parallel_loop3A_772 = arith.mulf %parallel_loop3A_756, %parallel_loop3A_771 : vector<16xf32>
        %parallel_loop3A_773 = arith.addf %parallel_loop3A_715, %parallel_loop3A_772 : vector<16xf32>
        %parallel_loop3A_774 = arith.index_cast %and3A_214 : i32 to index
        %parallel_loop3A_775 = arith.index_cast %parallel_loop3A_761 : i32 to index
        %parallel_loop3A_776 = arith.constant 32 : index
        %parallel_loop3A_777 = tpu.vector_load %arg8[%parallel_loop3A_774, %parallel_loop3A_775, %parallel_loop3A_776] {strides = array<i32>} : memref<2x400x128xf32, #tpu.memory_space<vmem>>, vector<16xf32>,
        %parallel_loop3A_778 = arith.mulf %parallel_loop3A_756, %parallel_loop3A_777 : vector<16xf32>
        %parallel_loop3A_779 = arith.addf %parallel_loop3A_721, %parallel_loop3A_778 : vector<16xf32>
        %parallel_loop3A_780 = arith.index_cast %and3A_214 : i32 to index
        %parallel_loop3A_781 = arith.index_cast %parallel_loop3A_761 : i32 to index
        %parallel_loop3A_782 = arith.constant 48 : index
        %parallel_loop3A_783 = tpu.vector_load %arg8[%parallel_loop3A_780, %parallel_loop3A_781, %parallel_loop3A_782] {strides = array<i32>} : memref<2x400x128xf32, #tpu.memory_space<vmem>>, vector<16xf32>,
        %parallel_loop3A_784 = arith.mulf %parallel_loop3A_756, %parallel_loop3A_783 : vector<16xf32>
        %parallel_loop3A_785 = arith.addf %parallel_loop3A_727, %parallel_loop3A_784 : vector<16xf32>
        %parallel_loop3A_786 = arith.index_cast %and3A_214 : i32 to index
        %parallel_loop3A_787 = arith.index_cast %parallel_loop3A_761 : i32 to index
        %parallel_loop3A_788 = arith.constant 64 : index
        %parallel_loop3A_789 = tpu.vector_load %arg8[%parallel_loop3A_786, %parallel_loop3A_787, %parallel_loop3A_788] {strides = array<i32>} : memref<2x400x128xf32, #tpu.memory_space<vmem>>, vector<16xf32>,
        %parallel_loop3A_790 = arith.mulf %parallel_loop3A_756, %parallel_loop3A_789 : vector<16xf32>
        %parallel_loop3A_791 = arith.addf %parallel_loop3A_733, %parallel_loop3A_790 : vector<16xf32>
        %parallel_loop3A_792 = arith.index_cast %and3A_214 : i32 to index
        %parallel_loop3A_793 = arith.index_cast %parallel_loop3A_761 : i32 to index
        %parallel_loop3A_794 = arith.constant 80 : index
        %parallel_loop3A_795 = tpu.vector_load %arg8[%parallel_loop3A_792, %parallel_loop3A_793, %parallel_loop3A_794] {strides = array<i32>} : memref<2x400x128xf32, #tpu.memory_space<vmem>>, vector<16xf32>,
        %parallel_loop3A_796 = arith.mulf %parallel_loop3A_756, %parallel_loop3A_795 : vector<16xf32>
        %parallel_loop3A_797 = arith.addf %parallel_loop3A_739, %parallel_loop3A_796 : vector<16xf32>
        %parallel_loop3A_798 = arith.index_cast %and3A_214 : i32 to index
        %parallel_loop3A_799 = arith.index_cast %parallel_loop3A_761 : i32 to index
        %parallel_loop3A_800 = arith.constant 96 : index
        %parallel_loop3A_801 = tpu.vector_load %arg8[%parallel_loop3A_798, %parallel_loop3A_799, %parallel_loop3A_800] {strides = array<i32>} : memref<2x400x128xf32, #tpu.memory_space<vmem>>, vector<16xf32>,
        %parallel_loop3A_802 = arith.mulf %parallel_loop3A_756, %parallel_loop3A_801 : vector<16xf32>
        %parallel_loop3A_803 = arith.addf %parallel_loop3A_745, %parallel_loop3A_802 : vector<16xf32>
        %parallel_loop3A_804 = arith.index_cast %and3A_214 : i32 to index
        %parallel_loop3A_805 = arith.index_cast %parallel_loop3A_761 : i32 to index
        %parallel_loop3A_806 = arith.constant 112 : index
        %parallel_loop3A_807 = tpu.vector_load %arg8[%parallel_loop3A_804, %parallel_loop3A_805, %parallel_loop3A_806] {strides = array<i32>} : memref<2x400x128xf32, #tpu.memory_space<vmem>>, vector<16xf32>,
        %parallel_loop3A_808 = arith.mulf %parallel_loop3A_756, %parallel_loop3A_807 : vector<16xf32>
        %parallel_loop3A_809 = arith.addf %parallel_loop3A_751, %parallel_loop3A_808 : vector<16xf32>
        %parallel_loop3A_810 = vector.broadcast %and3A_214 : i32 to vector<16xi32>
        %parallel_loop3A_811 = vector.broadcast %parallel_loop3A_296 : i32 to vector<16xi32>
        %parallel_loop3A_812 = arith.constant 9 : i32
        %parallel_loop3A_813 = vector.broadcast %parallel_loop3A_812 : i32 to vector<16xi32>
        %parallel_loop3A_814 = tpu.vector_load_idx %arg7[%parallel_loop3A_810, %parallel_loop3A_811, %parallel_loop3A_813] : memref<2x40x16xf32, #tpu.memory_space<vmem>>[vector<16xi32>, vector<16xi32>, vector<16xi32>], vector<16xf32>,
        %parallel_loop3A_815 = arith.addf %parallel_loop3A_757, %parallel_loop3A_814 : vector<16xf32>
        %parallel_loop3A_816 = arith.constant 10 : i32
        %parallel_loop3A_817 = arith.muli %parallel_loop3A_296, %parallel_loop3A_816 : i32
        %parallel_loop3A_818 = arith.constant 9 : i32
        %parallel_loop3A_819 = arith.addi %parallel_loop3A_817, %parallel_loop3A_818 : i32
        %parallel_loop3A_820 = arith.index_cast %and3A_214 : i32 to index
        %parallel_loop3A_821 = arith.index_cast %parallel_loop3A_819 : i32 to index
        %parallel_loop3A_822 = arith.constant 0 : index
        %parallel_loop3A_823 = tpu.vector_load %arg8[%parallel_loop3A_820, %parallel_loop3A_821, %parallel_loop3A_822] {strides = array<i32>} : memref<2x400x128xf32, #tpu.memory_space<vmem>>, vector<16xf32>,
        %parallel_loop3A_824 = arith.mulf %parallel_loop3A_814, %parallel_loop3A_823 : vector<16xf32>
        %parallel_loop3A_825 = arith.addf %parallel_loop3A_767, %parallel_loop3A_824 : vector<16xf32>
        %parallel_loop3A_826 = arith.index_cast %and3A_214 : i32 to index
        %parallel_loop3A_827 = arith.index_cast %parallel_loop3A_819 : i32 to index
        %parallel_loop3A_828 = arith.constant 16 : index
        %parallel_loop3A_829 = tpu.vector_load %arg8[%parallel_loop3A_826, %parallel_loop3A_827, %parallel_loop3A_828] {strides = array<i32>} : memref<2x400x128xf32, #tpu.memory_space<vmem>>, vector<16xf32>,
        %parallel_loop3A_830 = arith.mulf %parallel_loop3A_814, %parallel_loop3A_829 : vector<16xf32>
        %parallel_loop3A_831 = arith.addf %parallel_loop3A_773, %parallel_loop3A_830 : vector<16xf32>
        %parallel_loop3A_832 = arith.index_cast %and3A_214 : i32 to index
        %parallel_loop3A_833 = arith.index_cast %parallel_loop3A_819 : i32 to index
        %parallel_loop3A_834 = arith.constant 32 : index
        %parallel_loop3A_835 = tpu.vector_load %arg8[%parallel_loop3A_832, %parallel_loop3A_833, %parallel_loop3A_834] {strides = array<i32>} : memref<2x400x128xf32, #tpu.memory_space<vmem>>, vector<16xf32>,
        %parallel_loop3A_836 = arith.mulf %parallel_loop3A_814, %parallel_loop3A_835 : vector<16xf32>
        %parallel_loop3A_837 = arith.addf %parallel_loop3A_779, %parallel_loop3A_836 : vector<16xf32>
        %parallel_loop3A_838 = arith.index_cast %and3A_214 : i32 to index
        %parallel_loop3A_839 = arith.index_cast %parallel_loop3A_819 : i32 to index
        %parallel_loop3A_840 = arith.constant 48 : index
        %parallel_loop3A_841 = tpu.vector_load %arg8[%parallel_loop3A_838, %parallel_loop3A_839, %parallel_loop3A_840] {strides = array<i32>} : memref<2x400x128xf32, #tpu.memory_space<vmem>>, vector<16xf32>,
        %parallel_loop3A_842 = arith.mulf %parallel_loop3A_814, %parallel_loop3A_841 : vector<16xf32>
        %parallel_loop3A_843 = arith.addf %parallel_loop3A_785, %parallel_loop3A_842 : vector<16xf32>
        %parallel_loop3A_844 = arith.index_cast %and3A_214 : i32 to index
        %parallel_loop3A_845 = arith.index_cast %parallel_loop3A_819 : i32 to index
        %parallel_loop3A_846 = arith.constant 64 : index
        %parallel_loop3A_847 = tpu.vector_load %arg8[%parallel_loop3A_844, %parallel_loop3A_845, %parallel_loop3A_846] {strides = array<i32>} : memref<2x400x128xf32, #tpu.memory_space<vmem>>, vector<16xf32>,
        %parallel_loop3A_848 = arith.mulf %parallel_loop3A_814, %parallel_loop3A_847 : vector<16xf32>
        %parallel_loop3A_849 = arith.addf %parallel_loop3A_791, %parallel_loop3A_848 : vector<16xf32>
        %parallel_loop3A_850 = arith.index_cast %and3A_214 : i32 to index
        %parallel_loop3A_851 = arith.index_cast %parallel_loop3A_819 : i32 to index
        %parallel_loop3A_852 = arith.constant 80 : index
        %parallel_loop3A_853 = tpu.vector_load %arg8[%parallel_loop3A_850, %parallel_loop3A_851, %parallel_loop3A_852] {strides = array<i32>} : memref<2x400x128xf32, #tpu.memory_space<vmem>>, vector<16xf32>,
        %parallel_loop3A_854 = arith.mulf %parallel_loop3A_814, %parallel_loop3A_853 : vector<16xf32>
        %parallel_loop3A_855 = arith.addf %parallel_loop3A_797, %parallel_loop3A_854 : vector<16xf32>
        %parallel_loop3A_856 = arith.index_cast %and3A_214 : i32 to index
        %parallel_loop3A_857 = arith.index_cast %parallel_loop3A_819 : i32 to index
        %parallel_loop3A_858 = arith.constant 96 : index
        %parallel_loop3A_859 = tpu.vector_load %arg8[%parallel_loop3A_856, %parallel_loop3A_857, %parallel_loop3A_858] {strides = array<i32>} : memref<2x400x128xf32, #tpu.memory_space<vmem>>, vector<16xf32>,
        %parallel_loop3A_860 = arith.mulf %parallel_loop3A_814, %parallel_loop3A_859 : vector<16xf32>
        %parallel_loop3A_861 = arith.addf %parallel_loop3A_803, %parallel_loop3A_860 : vector<16xf32>
        %parallel_loop3A_862 = arith.index_cast %and3A_214 : i32 to index
        %parallel_loop3A_863 = arith.index_cast %parallel_loop3A_819 : i32 to index
        %parallel_loop3A_864 = arith.constant 112 : index
        %parallel_loop3A_865 = tpu.vector_load %arg8[%parallel_loop3A_862, %parallel_loop3A_863, %parallel_loop3A_864] {strides = array<i32>} : memref<2x400x128xf32, #tpu.memory_space<vmem>>, vector<16xf32>,
        %parallel_loop3A_866 = arith.mulf %parallel_loop3A_814, %parallel_loop3A_865 : vector<16xf32>
        %parallel_loop3A_867 = arith.addf %parallel_loop3A_809, %parallel_loop3A_866 : vector<16xf32>
        %parallel_loop3A_868 = arith.constant 1.000000e+00 : f32
        %parallel_loop3A_869 = vector.broadcast %parallel_loop3A_868 : f32 to vector<16xf32>
        %parallel_loop3A_870 = arith.divf %parallel_loop3A_869, %parallel_loop3A_815 : vector<16xf32>
        %parallel_loop3A_871 = arith.mulf %parallel_loop3A_825, %parallel_loop3A_870 : vector<16xf32>
        %parallel_loop3A_872 = arith.index_cast %and3A_214 : i32 to index
        %parallel_loop3A_873 = arith.index_cast %parallel_loop3A_296 : i32 to index
        %parallel_loop3A_874 = arith.constant 0 : index
        %parallel_loop3A_875 = tpu.vector_load %arg9[%parallel_loop3A_872, %parallel_loop3A_873, %parallel_loop3A_874] {strides = array<i32>} : memref<2x40x128xf32, #tpu.memory_space<vmem>>, vector<16xf32>,
        tpu.vector_store %arg9[%parallel_loop3A_872, %parallel_loop3A_873, %parallel_loop3A_874], %parallel_loop3A_871 {strides = array<i32>} : memref<2x40x128xf32, #tpu.memory_space<vmem>>, vector<16xf32>,
        %parallel_loop3A_876 = arith.mulf %parallel_loop3A_831, %parallel_loop3A_870 : vector<16xf32>
        %parallel_loop3A_877 = arith.index_cast %and3A_214 : i32 to index
        %parallel_loop3A_878 = arith.index_cast %parallel_loop3A_296 : i32 to index
        %parallel_loop3A_879 = arith.constant 16 : index
        %parallel_loop3A_880 = tpu.vector_load %arg9[%parallel_loop3A_877, %parallel_loop3A_878, %parallel_loop3A_879] {strides = array<i32>} : memref<2x40x128xf32, #tpu.memory_space<vmem>>, vector<16xf32>,
        tpu.vector_store %arg9[%parallel_loop3A_877, %parallel_loop3A_878, %parallel_loop3A_879], %parallel_loop3A_876 {strides = array<i32>} : memref<2x40x128xf32, #tpu.memory_space<vmem>>, vector<16xf32>,
        %parallel_loop3A_881 = arith.mulf %parallel_loop3A_837, %parallel_loop3A_870 : vector<16xf32>
        %parallel_loop3A_882 = arith.index_cast %and3A_214 : i32 to index
        %parallel_loop3A_883 = arith.index_cast %parallel_loop3A_296 : i32 to index
        %parallel_loop3A_884 = arith.constant 32 : index
        %parallel_loop3A_885 = tpu.vector_load %arg9[%parallel_loop3A_882, %parallel_loop3A_883, %parallel_loop3A_884] {strides = array<i32>} : memref<2x40x128xf32, #tpu.memory_space<vmem>>, vector<16xf32>,
        tpu.vector_store %arg9[%parallel_loop3A_882, %parallel_loop3A_883, %parallel_loop3A_884], %parallel_loop3A_881 {strides = array<i32>} : memref<2x40x128xf32, #tpu.memory_space<vmem>>, vector<16xf32>,
        %parallel_loop3A_886 = arith.mulf %parallel_loop3A_843, %parallel_loop3A_870 : vector<16xf32>
        %parallel_loop3A_887 = arith.index_cast %and3A_214 : i32 to index
        %parallel_loop3A_888 = arith.index_cast %parallel_loop3A_296 : i32 to index
        %parallel_loop3A_889 = arith.constant 48 : index
        %parallel_loop3A_890 = tpu.vector_load %arg9[%parallel_loop3A_887, %parallel_loop3A_888, %parallel_loop3A_889] {strides = array<i32>} : memref<2x40x128xf32, #tpu.memory_space<vmem>>, vector<16xf32>,
        tpu.vector_store %arg9[%parallel_loop3A_887, %parallel_loop3A_888, %parallel_loop3A_889], %parallel_loop3A_886 {strides = array<i32>} : memref<2x40x128xf32, #tpu.memory_space<vmem>>, vector<16xf32>,
        %parallel_loop3A_891 = arith.mulf %parallel_loop3A_849, %parallel_loop3A_870 : vector<16xf32>
        %parallel_loop3A_892 = arith.index_cast %and3A_214 : i32 to index
        %parallel_loop3A_893 = arith.index_cast %parallel_loop3A_296 : i32 to index
        %parallel_loop3A_894 = arith.constant 64 : index
        %parallel_loop3A_895 = tpu.vector_load %arg9[%parallel_loop3A_892, %parallel_loop3A_893, %parallel_loop3A_894] {strides = array<i32>} : memref<2x40x128xf32, #tpu.memory_space<vmem>>, vector<16xf32>,
        tpu.vector_store %arg9[%parallel_loop3A_892, %parallel_loop3A_893, %parallel_loop3A_894], %parallel_loop3A_891 {strides = array<i32>} : memref<2x40x128xf32, #tpu.memory_space<vmem>>, vector<16xf32>,
        %parallel_loop3A_896 = arith.mulf %parallel_loop3A_855, %parallel_loop3A_870 : vector<16xf32>
        %parallel_loop3A_897 = arith.index_cast %and3A_214 : i32 to index
        %parallel_loop3A_898 = arith.index_cast %parallel_loop3A_296 : i32 to index
        %parallel_loop3A_899 = arith.constant 80 : index
        %parallel_loop3A_900 = tpu.vector_load %arg9[%parallel_loop3A_897, %parallel_loop3A_898, %parallel_loop3A_899] {strides = array<i32>} : memref<2x40x128xf32, #tpu.memory_space<vmem>>, vector<16xf32>,
        tpu.vector_store %arg9[%parallel_loop3A_897, %parallel_loop3A_898, %parallel_loop3A_899], %parallel_loop3A_896 {strides = array<i32>} : memref<2x40x128xf32, #tpu.memory_space<vmem>>, vector<16xf32>,
        %parallel_loop3A_901 = arith.mulf %parallel_loop3A_861, %parallel_loop3A_870 : vector<16xf32>
        %parallel_loop3A_902 = arith.index_cast %and3A_214 : i32 to index
        %parallel_loop3A_903 = arith.index_cast %parallel_loop3A_296 : i32 to index
        %parallel_loop3A_904 = arith.constant 96 : index
        %parallel_loop3A_905 = tpu.vector_load %arg9[%parallel_loop3A_902, %parallel_loop3A_903, %parallel_loop3A_904] {strides = array<i32>} : memref<2x40x128xf32, #tpu.memory_space<vmem>>, vector<16xf32>,
        tpu.vector_store %arg9[%parallel_loop3A_902, %parallel_loop3A_903, %parallel_loop3A_904], %parallel_loop3A_901 {strides = array<i32>} : memref<2x40x128xf32, #tpu.memory_space<vmem>>, vector<16xf32>,
        %parallel_loop3A_906 = arith.mulf %parallel_loop3A_867, %parallel_loop3A_870 : vector<16xf32>
        %parallel_loop3A_907 = arith.index_cast %and3A_214 : i32 to index
        %parallel_loop3A_908 = arith.index_cast %parallel_loop3A_296 : i32 to index
        %parallel_loop3A_909 = arith.constant 112 : index
        %parallel_loop3A_910 = tpu.vector_load %arg9[%parallel_loop3A_907, %parallel_loop3A_908, %parallel_loop3A_909] {strides = array<i32>} : memref<2x40x128xf32, #tpu.memory_space<vmem>>, vector<16xf32>,
        tpu.vector_store %arg9[%parallel_loop3A_907, %parallel_loop3A_908, %parallel_loop3A_909], %parallel_loop3A_906 {strides = array<i32>} : memref<2x40x128xf32, #tpu.memory_space<vmem>>, vector<16xf32>,
      } {sc.loop_unroll_factor = 4 : i64, sc.parallel_access}
      %add3A_271 = arith.constant 2 : i32
      %add3A_272 = arith.addi %while3A_212, %add3A_271 : i32
      %lt3A_273 = arith.cmpi slt, %add3A_272, %add3A_4 : i32
      %convert_element_type3A_274 = arith.extui %lt3A_273 : i1 to i32
      %cond3A_275 = arith.constant 0 : i32
      %cond3A_276 = arith.cmpi ne, %convert_element_type3A_274, %cond3A_275 : i32
      scf.if %cond3A_276 {
        %add3A_296 = arith.constant 2 : i32
        %add3A_297 = arith.addi %while3A_212, %add3A_296 : i32
        %mul3A_298 = arith.constant 32 : i32
        %mul3A_299 = arith.muli %add3A_297, %mul3A_298 : i32
        %add3A_300 = arith.addi %mul3A_299, %add3A : i32
        %and3A_301 = arith.constant 1 : i32
        %and3A_302 = arith.andi %add3A_297, %and3A_301 : i32
        %dma_start3A_303 = arith.constant 0 : i32
        %dma_start3A_304 = arith.constant 0 : i32
        %dma_start3A_305 = tpu.memref_slice %arg6[%and3A_302, %dma_start3A_303, %dma_start3A_304] : memref<2x4x100xi32, #tpu.memory_space<vmem>> -> memref<1x4x100xi32, #tpu.memory_space<vmem>>
        %dma_start3A_306 = tpu.memref_squeeze %dma_start3A_305 : memref<1x4x100xi32, #tpu.memory_space<vmem>> -> memref<4x100xi32, #tpu.memory_space<vmem>>
        %dma_start3A_307 = arith.constant 0 : i32
        %dma_start3A_308 = arith.constant 0 : i32
        %dma_start3A_309 = tpu.memref_slice %arg2[%add3A_300, %dma_start3A_307, %dma_start3A_308] : memref<1250x4x100xi32, #tpu.memory_space<hbm>> -> memref<1x4x100xi32, #tpu.memory_space<hbm>>
        %dma_start3A_310 = tpu.memref_squeeze %dma_start3A_309 : memref<1x4x100xi32, #tpu.memory_space<hbm>> -> memref<4x100xi32, #tpu.memory_space<hbm>>
        %dma_start3A_311 = arith.constant 0 : i32
        %dma_start3A_312 = arith.constant 0 : i32
        %dma_start3A_313 = tpu.memref_slice %arg6[%and3A_302, %dma_start3A_311, %dma_start3A_312] : memref<2x4x100xi32, #tpu.memory_space<vmem>> -> memref<1x4x100xi32, #tpu.memory_space<vmem>>
        %dma_start3A_314 = tpu.memref_squeeze %dma_start3A_313 : memref<1x4x100xi32, #tpu.memory_space<vmem>> -> memref<4x100xi32, #tpu.memory_space<vmem>>
        %dma_start3A_315 = arith.constant 0 : i32
        %dma_start3A_316 = arith.constant 0 : i32
        %dma_start3A_317 = tpu.memref_slice %arg2[%add3A_300, %dma_start3A_315, %dma_start3A_316] : memref<1250x4x100xi32, #tpu.memory_space<hbm>> -> memref<1x4x100xi32, #tpu.memory_space<hbm>>
        %dma_start3A_318 = tpu.memref_squeeze %dma_start3A_317 : memref<1x4x100xi32, #tpu.memory_space<hbm>> -> memref<4x100xi32, #tpu.memory_space<hbm>>
        tpu.enqueue_dma source(%dma_start3A_318 : memref<4x100xi32, #tpu.memory_space<hbm>>) target(%dma_start3A_314 : memref<4x100xi32, #tpu.memory_space<vmem>>) target_semaphore(%arg10 : memref<!tpu.dma_semaphore, #tpu.memory_space<semaphore_mem>>)
        %dma_start3A_319 = arith.constant 0 : i32
        %dma_start3A_320 = arith.constant 0 : i32
        %dma_start3A_321 = tpu.memref_slice %arg7[%and3A_302, %dma_start3A_319, %dma_start3A_320] : memref<2x40x16xf32, #tpu.memory_space<vmem>> -> memref<1x40x16xf32, #tpu.memory_space<vmem>>
        %dma_start3A_322 = tpu.memref_squeeze %dma_start3A_321 : memref<1x40x16xf32, #tpu.memory_space<vmem>> -> memref<40x16xf32, #tpu.memory_space<vmem>>
        %dma_start3A_323 = arith.constant 0 : i32
        %dma_start3A_324 = arith.constant 0 : i32
        %dma_start3A_325 = tpu.memref_slice %arg3[%add3A_300, %dma_start3A_323, %dma_start3A_324] : memref<1250x40x16xf32, #tpu.memory_space<hbm>> -> memref<1x40x16xf32, #tpu.memory_space<hbm>>
        %dma_start3A_326 = tpu.memref_squeeze %dma_start3A_325 : memref<1x40x16xf32, #tpu.memory_space<hbm>> -> memref<40x16xf32, #tpu.memory_space<hbm>>
        %dma_start3A_327 = arith.constant 0 : i32
        %dma_start3A_328 = arith.constant 0 : i32
        %dma_start3A_329 = tpu.memref_slice %arg7[%and3A_302, %dma_start3A_327, %dma_start3A_328] : memref<2x40x16xf32, #tpu.memory_space<vmem>> -> memref<1x40x16xf32, #tpu.memory_space<vmem>>
        %dma_start3A_330 = tpu.memref_squeeze %dma_start3A_329 : memref<1x40x16xf32, #tpu.memory_space<vmem>> -> memref<40x16xf32, #tpu.memory_space<vmem>>
        %dma_start3A_331 = arith.constant 0 : i32
        %dma_start3A_332 = arith.constant 0 : i32
        %dma_start3A_333 = tpu.memref_slice %arg3[%add3A_300, %dma_start3A_331, %dma_start3A_332] : memref<1250x40x16xf32, #tpu.memory_space<hbm>> -> memref<1x40x16xf32, #tpu.memory_space<hbm>>
        %dma_start3A_334 = tpu.memref_squeeze %dma_start3A_333 : memref<1x40x16xf32, #tpu.memory_space<hbm>> -> memref<40x16xf32, #tpu.memory_space<hbm>>
        tpu.enqueue_dma source(%dma_start3A_334 : memref<40x16xf32, #tpu.memory_space<hbm>>) target(%dma_start3A_330 : memref<40x16xf32, #tpu.memory_space<vmem>>) target_semaphore(%arg10 : memref<!tpu.dma_semaphore, #tpu.memory_space<semaphore_mem>>)
      } else {
      }
      %mul3A_277 = arith.constant 32 : i32
      %mul3A_278 = arith.muli %while3A_212, %mul3A_277 : i32
      %add3A_279 = arith.addi %mul3A_278, %add3A : i32
      %and3A_280 = arith.constant 1 : i32
      %and3A_281 = arith.andi %while3A_212, %and3A_280 : i32
      %mul3A_282 = arith.constant 40 : i32
      %mul3A_283 = arith.muli %add3A_279, %mul3A_282 : i32
      %dma_start3A_284 = arith.constant 0 : i32
      %dma_start3A_285 = arith.constant 0 : i32
      %dma_start3A_286 = tpu.memref_slice %arg9[%and3A_281, %dma_start3A_284, %dma_start3A_285] : memref<2x40x128xf32, #tpu.memory_space<vmem>> -> memref<1x40x128xf32, #tpu.memory_space<vmem>>
      %dma_start3A_287 = tpu.memref_squeeze %dma_start3A_286 : memref<1x40x128xf32, #tpu.memory_space<vmem>> -> memref<40x128xf32, #tpu.memory_space<vmem>>
      %dma_start3A_288 = arith.constant 0 : i32
      %dma_start3A_289 = tpu.memref_slice %arg5[%mul3A_283, %dma_start3A_288] : memref<50000x128xf32, #tpu.memory_space<hbm>> -> memref<40x128xf32, #tpu.memory_space<hbm>>
      %dma_start3A_290 = arith.constant 0 : i32
      %dma_start3A_291 = tpu.memref_slice %arg5[%mul3A_283, %dma_start3A_290] : memref<50000x128xf32, #tpu.memory_space<hbm>> -> memref<40x128xf32, #tpu.memory_space<hbm>>
      %dma_start3A_292 = arith.constant 0 : i32
      %dma_start3A_293 = arith.constant 0 : i32
      %dma_start3A_294 = tpu.memref_slice %arg9[%and3A_281, %dma_start3A_292, %dma_start3A_293] : memref<2x40x128xf32, #tpu.memory_space<vmem>> -> memref<1x40x128xf32, #tpu.memory_space<vmem>>
      %dma_start3A_295 = tpu.memref_squeeze %dma_start3A_294 : memref<1x40x128xf32, #tpu.memory_space<vmem>> -> memref<40x128xf32, #tpu.memory_space<vmem>>
      tpu.enqueue_dma source(%dma_start3A_295 : memref<40x128xf32, #tpu.memory_space<vmem>>) target(%dma_start3A_291 : memref<40x128xf32, #tpu.memory_space<hbm>>) target_semaphore(%arg12 : memref<!tpu.dma_semaphore, #tpu.memory_space<semaphore_mem>>)
    }
    %while3A_171 = arith.constant 1 : i32
    scf.for %while3A_212 = %while3A_169 to %while3A_165 step %while3A_171  : i32 {
      %and3A_213 = arith.constant 1 : i32
      %and3A_214 = arith.andi %while3A_212, %and3A_213 : i32
      %and3A_215 = arith.constant 1 : i32
      %and3A_216 = arith.andi %while3A_212, %and3A_215 : i32
      %dma_wait3A_217 = arith.constant 0 : i32
      %dma_wait3A_218 = arith.constant 0 : i32
      %dma_wait3A_219 = arith.constant 0 : i32
      %dma_wait3A_220 = tpu.memref_slice %arg8[%and3A_216, %dma_wait3A_218, %dma_wait3A_219] : memref<2x400x128xf32, #tpu.memory_space<vmem>> -> memref<1x100x128xf32, #tpu.memory_space<vmem>>
      %dma_wait3A_221 = tpu.memref_squeeze %dma_wait3A_220 : memref<1x100x128xf32, #tpu.memory_space<vmem>> -> memref<100x128xf32, #tpu.memory_space<vmem>>
      %dma_wait3A_222 = arith.constant 0 : i32
      %dma_wait3A_223 = tpu.memref_slice %arg6[%and3A_216, %dma_wait3A_217, %dma_wait3A_222] : memref<2x4x100xi32, #tpu.memory_space<vmem>> -> memref<1x1x100xi32, #tpu.memory_space<vmem>>
      %dma_wait3A_224 = tpu.memref_squeeze %dma_wait3A_223 : memref<1x1x100xi32, #tpu.memory_space<vmem>> -> memref<100xi32, #tpu.memory_space<vmem>>
      %dma_wait3A_225 = arith.constant 0 : i32
      %dma_wait3A_226 = arith.constant 0 : i32
      %dma_wait3A_227 = tpu.memref_slice %arg4[%dma_wait3A_225, %dma_wait3A_226] : memref<50000x128xf32, #tpu.memory_space<hbm>> -> memref<50000x128xf32, #tpu.memory_space<hbm>>
      tpu.wait_indirect_dma semaphore(%arg11 : memref<!tpu.dma_semaphore, #tpu.memory_space<semaphore_mem>>) src(%dma_wait3A_227 : memref<50000x128xf32, #tpu.memory_space<hbm>>) dst(%dma_wait3A_221 : memref<100x128xf32, #tpu.memory_space<vmem>>)
      %dma_wait3A_228 = arith.constant 1 : i32
      %dma_wait3A_229 = arith.constant 100 : i32
      %dma_wait3A_230 = arith.constant 0 : i32
      %dma_wait3A_231 = tpu.memref_slice %arg8[%and3A_216, %dma_wait3A_229, %dma_wait3A_230] : memref<2x400x128xf32, #tpu.memory_space<vmem>> -> memref<1x100x128xf32, #tpu.memory_space<vmem>>
      %dma_wait3A_232 = tpu.memref_squeeze %dma_wait3A_231 : memref<1x100x128xf32, #tpu.memory_space<vmem>> -> memref<100x128xf32, #tpu.memory_space<vmem>>
      %dma_wait3A_233 = arith.constant 0 : i32
      %dma_wait3A_234 = tpu.memref_slice %arg6[%and3A_216, %dma_wait3A_228, %dma_wait3A_233] : memref<2x4x100xi32, #tpu.memory_space<vmem>> -> memref<1x1x100xi32, #tpu.memory_space<vmem>>
      %dma_wait3A_235 = tpu.memref_squeeze %dma_wait3A_234 : memref<1x1x100xi32, #tpu.memory_space<vmem>> -> memref<100xi32, #tpu.memory_space<vmem>>
      %dma_wait3A_236 = arith.constant 0 : i32
      %dma_wait3A_237 = arith.constant 0 : i32
      %dma_wait3A_238 = tpu.memref_slice %arg4[%dma_wait3A_236, %dma_wait3A_237] : memref<50000x128xf32, #tpu.memory_space<hbm>> -> memref<50000x128xf32, #tpu.memory_space<hbm>>
      tpu.wait_indirect_dma semaphore(%arg11 : memref<!tpu.dma_semaphore, #tpu.memory_space<semaphore_mem>>) src(%dma_wait3A_238 : memref<50000x128xf32, #tpu.memory_space<hbm>>) dst(%dma_wait3A_232 : memref<100x128xf32, #tpu.memory_space<vmem>>)
      %dma_wait3A_239 = arith.constant 2 : i32
      %dma_wait3A_240 = arith.constant 200 : i32
      %dma_wait3A_241 = arith.constant 0 : i32
      %dma_wait3A_242 = tpu.memref_slice %arg8[%and3A_216, %dma_wait3A_240, %dma_wait3A_241] : memref<2x400x128xf32, #tpu.memory_space<vmem>> -> memref<1x100x128xf32, #tpu.memory_space<vmem>>
      %dma_wait3A_243 = tpu.memref_squeeze %dma_wait3A_242 : memref<1x100x128xf32, #tpu.memory_space<vmem>> -> memref<100x128xf32, #tpu.memory_space<vmem>>
      %dma_wait3A_244 = arith.constant 0 : i32
      %dma_wait3A_245 = tpu.memref_slice %arg6[%and3A_216, %dma_wait3A_239, %dma_wait3A_244] : memref<2x4x100xi32, #tpu.memory_space<vmem>> -> memref<1x1x100xi32, #tpu.memory_space<vmem>>
      %dma_wait3A_246 = tpu.memref_squeeze %dma_wait3A_245 : memref<1x1x100xi32, #tpu.memory_space<vmem>> -> memref<100xi32, #tpu.memory_space<vmem>>
      %dma_wait3A_247 = arith.constant 0 : i32
      %dma_wait3A_248 = arith.constant 0 : i32
      %dma_wait3A_249 = tpu.memref_slice %arg4[%dma_wait3A_247, %dma_wait3A_248] : memref<50000x128xf32, #tpu.memory_space<hbm>> -> memref<50000x128xf32, #tpu.memory_space<hbm>>
      tpu.wait_indirect_dma semaphore(%arg11 : memref<!tpu.dma_semaphore, #tpu.memory_space<semaphore_mem>>) src(%dma_wait3A_249 : memref<50000x128xf32, #tpu.memory_space<hbm>>) dst(%dma_wait3A_243 : memref<100x128xf32, #tpu.memory_space<vmem>>)
      %dma_wait3A_250 = arith.constant 3 : i32
      %dma_wait3A_251 = arith.constant 300 : i32
      %dma_wait3A_252 = arith.constant 0 : i32
      %dma_wait3A_253 = tpu.memref_slice %arg8[%and3A_216, %dma_wait3A_251, %dma_wait3A_252] : memref<2x400x128xf32, #tpu.memory_space<vmem>> -> memref<1x100x128xf32, #tpu.memory_space<vmem>>
      %dma_wait3A_254 = tpu.memref_squeeze %dma_wait3A_253 : memref<1x100x128xf32, #tpu.memory_space<vmem>> -> memref<100x128xf32, #tpu.memory_space<vmem>>
      %dma_wait3A_255 = arith.constant 0 : i32
      %dma_wait3A_256 = tpu.memref_slice %arg6[%and3A_216, %dma_wait3A_250, %dma_wait3A_255] : memref<2x4x100xi32, #tpu.memory_space<vmem>> -> memref<1x1x100xi32, #tpu.memory_space<vmem>>
      %dma_wait3A_257 = tpu.memref_squeeze %dma_wait3A_256 : memref<1x1x100xi32, #tpu.memory_space<vmem>> -> memref<100xi32, #tpu.memory_space<vmem>>
      %dma_wait3A_258 = arith.constant 0 : i32
      %dma_wait3A_259 = arith.constant 0 : i32
      %dma_wait3A_260 = tpu.memref_slice %arg4[%dma_wait3A_258, %dma_wait3A_259] : memref<50000x128xf32, #tpu.memory_space<hbm>> -> memref<50000x128xf32, #tpu.memory_space<hbm>>
      tpu.wait_indirect_dma semaphore(%arg11 : memref<!tpu.dma_semaphore, #tpu.memory_space<semaphore_mem>>) src(%dma_wait3A_260 : memref<50000x128xf32, #tpu.memory_space<hbm>>) dst(%dma_wait3A_254 : memref<100x128xf32, #tpu.memory_space<vmem>>)
      %add3A_261 = arith.constant 1 : i32
      %add3A_262 = arith.addi %while3A_212, %add3A_261 : i32
      %lt3A_263 = arith.cmpi slt, %add3A_262, %add3A_4 : i32
      %convert_element_type3A = arith.extui %lt3A_263 : i1 to i32
      %cond3A = arith.constant 0 : i32
      %cond3A_264 = arith.cmpi ne, %convert_element_type3A, %cond3A : i32
      scf.if %cond3A_264 {
        %sub3A_296 = arith.constant 1 : i32
        %sub3A_297 = arith.subi %sub3A_296, %and3A_214 : i32
        %dma_wait3A_298 = arith.constant 0 : i32
        %dma_wait3A_299 = arith.constant 0 : i32
        %dma_wait3A_300 = arith.constant 0 : i32
        %dma_wait3A_301 = tpu.memref_slice %arg6[%sub3A_297, %dma_wait3A_299, %dma_wait3A_300] : memref<2x4x100xi32, #tpu.memory_space<vmem>> -> memref<1x4x100xi32, #tpu.memory_space<vmem>>
        %dma_wait3A_302 = tpu.memref_squeeze %dma_wait3A_301 : memref<1x4x100xi32, #tpu.memory_space<vmem>> -> memref<4x100xi32, #tpu.memory_space<vmem>>
        %dma_wait3A_303 = arith.constant 0 : i32
        %dma_wait3A_304 = arith.constant 0 : i32
        %dma_wait3A_305 = tpu.memref_slice %arg2[%dma_wait3A_298, %dma_wait3A_303, %dma_wait3A_304] : memref<1250x4x100xi32, #tpu.memory_space<hbm>> -> memref<1x4x100xi32, #tpu.memory_space<hbm>>
        %dma_wait3A_306 = tpu.memref_squeeze %dma_wait3A_305 : memref<1x4x100xi32, #tpu.memory_space<hbm>> -> memref<4x100xi32, #tpu.memory_space<hbm>>
        %dma_wait3A_307 = arith.constant 0 : i32
        %dma_wait3A_308 = arith.constant 0 : i32
        %dma_wait3A_309 = tpu.memref_slice %arg6[%sub3A_297, %dma_wait3A_307, %dma_wait3A_308] : memref<2x4x100xi32, #tpu.memory_space<vmem>> -> memref<1x4x100xi32, #tpu.memory_space<vmem>>
        %dma_wait3A_310 = tpu.memref_squeeze %dma_wait3A_309 : memref<1x4x100xi32, #tpu.memory_space<vmem>> -> memref<4x100xi32, #tpu.memory_space<vmem>>
        %dma_wait3A_311 = arith.constant 0 : i32
        %dma_wait3A_312 = arith.constant 0 : i32
        %dma_wait3A_313 = tpu.memref_slice %arg2[%dma_wait3A_298, %dma_wait3A_311, %dma_wait3A_312] : memref<1250x4x100xi32, #tpu.memory_space<hbm>> -> memref<1x4x100xi32, #tpu.memory_space<hbm>>
        %dma_wait3A_314 = tpu.memref_squeeze %dma_wait3A_313 : memref<1x4x100xi32, #tpu.memory_space<hbm>> -> memref<4x100xi32, #tpu.memory_space<hbm>>
        tpu.wait_dma2 semaphore(%arg10 : memref<!tpu.dma_semaphore, #tpu.memory_space<semaphore_mem>>) src(%dma_wait3A_314 : memref<4x100xi32, #tpu.memory_space<hbm>>) dst(%dma_wait3A_310 : memref<4x100xi32, #tpu.memory_space<vmem>>)
        %dma_wait3A_315 = arith.constant 0 : i32
        %dma_wait3A_316 = arith.constant 0 : i32
        %dma_wait3A_317 = arith.constant 0 : i32
        %dma_wait3A_318 = tpu.memref_slice %arg7[%sub3A_297, %dma_wait3A_316, %dma_wait3A_317] : memref<2x40x16xf32, #tpu.memory_space<vmem>> -> memref<1x40x16xf32, #tpu.memory_space<vmem>>
        %dma_wait3A_319 = tpu.memref_squeeze %dma_wait3A_318 : memref<1x40x16xf32, #tpu.memory_space<vmem>> -> memref<40x16xf32, #tpu.memory_space<vmem>>
        %dma_wait3A_320 = arith.constant 0 : i32
        %dma_wait3A_321 = arith.constant 0 : i32
        %dma_wait3A_322 = tpu.memref_slice %arg3[%dma_wait3A_315, %dma_wait3A_320, %dma_wait3A_321] : memref<1250x40x16xf32, #tpu.memory_space<hbm>> -> memref<1x40x16xf32, #tpu.memory_space<hbm>>
        %dma_wait3A_323 = tpu.memref_squeeze %dma_wait3A_322 : memref<1x40x16xf32, #tpu.memory_space<hbm>> -> memref<40x16xf32, #tpu.memory_space<hbm>>
        %dma_wait3A_324 = arith.constant 0 : i32
        %dma_wait3A_325 = arith.constant 0 : i32
        %dma_wait3A_326 = tpu.memref_slice %arg7[%sub3A_297, %dma_wait3A_324, %dma_wait3A_325] : memref<2x40x16xf32, #tpu.memory_space<vmem>> -> memref<1x40x16xf32, #tpu.memory_space<vmem>>
        %dma_wait3A_327 = tpu.memref_squeeze %dma_wait3A_326 : memref<1x40x16xf32, #tpu.memory_space<vmem>> -> memref<40x16xf32, #tpu.memory_space<vmem>>
        %dma_wait3A_328 = arith.constant 0 : i32
        %dma_wait3A_329 = arith.constant 0 : i32
        %dma_wait3A_330 = tpu.memref_slice %arg3[%dma_wait3A_315, %dma_wait3A_328, %dma_wait3A_329] : memref<1250x40x16xf32, #tpu.memory_space<hbm>> -> memref<1x40x16xf32, #tpu.memory_space<hbm>>
        %dma_wait3A_331 = tpu.memref_squeeze %dma_wait3A_330 : memref<1x40x16xf32, #tpu.memory_space<hbm>> -> memref<40x16xf32, #tpu.memory_space<hbm>>
        tpu.wait_dma2 semaphore(%arg10 : memref<!tpu.dma_semaphore, #tpu.memory_space<semaphore_mem>>) src(%dma_wait3A_331 : memref<40x16xf32, #tpu.memory_space<hbm>>) dst(%dma_wait3A_327 : memref<40x16xf32, #tpu.memory_space<vmem>>)
        %add3A_332 = arith.constant 1 : i32
        %add3A_333 = arith.addi %while3A_212, %add3A_332 : i32
        %and3A_334 = arith.constant 1 : i32
        %and3A_335 = arith.andi %add3A_333, %and3A_334 : i32
        %dma_start3A_336 = arith.constant 0 : i32
        %dma_start3A_337 = arith.constant 0 : i32
        %dma_start3A_338 = arith.constant 0 : i32
        %dma_start3A_339 = tpu.memref_slice %arg8[%and3A_335, %dma_start3A_337, %dma_start3A_338] : memref<2x400x128xf32, #tpu.memory_space<vmem>> -> memref<1x100x128xf32, #tpu.memory_space<vmem>>
        %dma_start3A_340 = tpu.memref_squeeze %dma_start3A_339 : memref<1x100x128xf32, #tpu.memory_space<vmem>> -> memref<100x128xf32, #tpu.memory_space<vmem>>
        %dma_start3A_341 = arith.constant 0 : i32
        %dma_start3A_342 = tpu.memref_slice %arg6[%and3A_335, %dma_start3A_336, %dma_start3A_341] : memref<2x4x100xi32, #tpu.memory_space<vmem>> -> memref<1x1x100xi32, #tpu.memory_space<vmem>>
        %dma_start3A_343 = tpu.memref_squeeze %dma_start3A_342 : memref<1x1x100xi32, #tpu.memory_space<vmem>> -> memref<100xi32, #tpu.memory_space<vmem>>
        %dma_start3A_344 = arith.constant 0 : i32
        %dma_start3A_345 = arith.constant 0 : i32
        %dma_start3A_346 = tpu.memref_slice %arg4[%dma_start3A_344, %dma_start3A_345] : memref<50000x128xf32, #tpu.memory_space<hbm>> -> memref<50000x128xf32, #tpu.memory_space<hbm>>
        tpu.enqueue_indirect_dma source(%dma_start3A_346 : memref<50000x128xf32, #tpu.memory_space<hbm>>) target(%dma_start3A_340 : memref<100x128xf32, #tpu.memory_space<vmem>>) offsets(%dma_start3A_343 : memref<100xi32, #tpu.memory_space<vmem>>) semaphore(%arg11 : memref<!tpu.dma_semaphore, #tpu.memory_space<semaphore_mem>>)
        %dma_start3A_347 = arith.constant 1 : i32
        %dma_start3A_348 = arith.constant 100 : i32
        %dma_start3A_349 = arith.constant 0 : i32
        %dma_start3A_350 = tpu.memref_slice %arg8[%and3A_335, %dma_start3A_348, %dma_start3A_349] : memref<2x400x128xf32, #tpu.memory_space<vmem>> -> memref<1x100x128xf32, #tpu.memory_space<vmem>>
        %dma_start3A_351 = tpu.memref_squeeze %dma_start3A_350 : memref<1x100x128xf32, #tpu.memory_space<vmem>> -> memref<100x128xf32, #tpu.memory_space<vmem>>
        %dma_start3A_352 = arith.constant 0 : i32
        %dma_start3A_353 = tpu.memref_slice %arg6[%and3A_335, %dma_start3A_347, %dma_start3A_352] : memref<2x4x100xi32, #tpu.memory_space<vmem>> -> memref<1x1x100xi32, #tpu.memory_space<vmem>>
        %dma_start3A_354 = tpu.memref_squeeze %dma_start3A_353 : memref<1x1x100xi32, #tpu.memory_space<vmem>> -> memref<100xi32, #tpu.memory_space<vmem>>
        %dma_start3A_355 = arith.constant 0 : i32
        %dma_start3A_356 = arith.constant 0 : i32
        %dma_start3A_357 = tpu.memref_slice %arg4[%dma_start3A_355, %dma_start3A_356] : memref<50000x128xf32, #tpu.memory_space<hbm>> -> memref<50000x128xf32, #tpu.memory_space<hbm>>
        tpu.enqueue_indirect_dma source(%dma_start3A_357 : memref<50000x128xf32, #tpu.memory_space<hbm>>) target(%dma_start3A_351 : memref<100x128xf32, #tpu.memory_space<vmem>>) offsets(%dma_start3A_354 : memref<100xi32, #tpu.memory_space<vmem>>) semaphore(%arg11 : memref<!tpu.dma_semaphore, #tpu.memory_space<semaphore_mem>>)
        %dma_start3A_358 = arith.constant 2 : i32
        %dma_start3A_359 = arith.constant 200 : i32
        %dma_start3A_360 = arith.constant 0 : i32
        %dma_start3A_361 = tpu.memref_slice %arg8[%and3A_335, %dma_start3A_359, %dma_start3A_360] : memref<2x400x128xf32, #tpu.memory_space<vmem>> -> memref<1x100x128xf32, #tpu.memory_space<vmem>>
        %dma_start3A_362 = tpu.memref_squeeze %dma_start3A_361 : memref<1x100x128xf32, #tpu.memory_space<vmem>> -> memref<100x128xf32, #tpu.memory_space<vmem>>
        %dma_start3A_363 = arith.constant 0 : i32
        %dma_start3A_364 = tpu.memref_slice %arg6[%and3A_335, %dma_start3A_358, %dma_start3A_363] : memref<2x4x100xi32, #tpu.memory_space<vmem>> -> memref<1x1x100xi32, #tpu.memory_space<vmem>>
        %dma_start3A_365 = tpu.memref_squeeze %dma_start3A_364 : memref<1x1x100xi32, #tpu.memory_space<vmem>> -> memref<100xi32, #tpu.memory_space<vmem>>
        %dma_start3A_366 = arith.constant 0 : i32
        %dma_start3A_367 = arith.constant 0 : i32
        %dma_start3A_368 = tpu.memref_slice %arg4[%dma_start3A_366, %dma_start3A_367] : memref<50000x128xf32, #tpu.memory_space<hbm>> -> memref<50000x128xf32, #tpu.memory_space<hbm>>
        tpu.enqueue_indirect_dma source(%dma_start3A_368 : memref<50000x128xf32, #tpu.memory_space<hbm>>) target(%dma_start3A_362 : memref<100x128xf32, #tpu.memory_space<vmem>>) offsets(%dma_start3A_365 : memref<100xi32, #tpu.memory_space<vmem>>) semaphore(%arg11 : memref<!tpu.dma_semaphore, #tpu.memory_space<semaphore_mem>>)
        %dma_start3A_369 = arith.constant 3 : i32
        %dma_start3A_370 = arith.constant 300 : i32
        %dma_start3A_371 = arith.constant 0 : i32
        %dma_start3A_372 = tpu.memref_slice %arg8[%and3A_335, %dma_start3A_370, %dma_start3A_371] : memref<2x400x128xf32, #tpu.memory_space<vmem>> -> memref<1x100x128xf32, #tpu.memory_space<vmem>>
        %dma_start3A_373 = tpu.memref_squeeze %dma_start3A_372 : memref<1x100x128xf32, #tpu.memory_space<vmem>> -> memref<100x128xf32, #tpu.memory_space<vmem>>
        %dma_start3A_374 = arith.constant 0 : i32
        %dma_start3A_375 = tpu.memref_slice %arg6[%and3A_335, %dma_start3A_369, %dma_start3A_374] : memref<2x4x100xi32, #tpu.memory_space<vmem>> -> memref<1x1x100xi32, #tpu.memory_space<vmem>>
        %dma_start3A_376 = tpu.memref_squeeze %dma_start3A_375 : memref<1x1x100xi32, #tpu.memory_space<vmem>> -> memref<100xi32, #tpu.memory_space<vmem>>
        %dma_start3A_377 = arith.constant 0 : i32
        %dma_start3A_378 = arith.constant 0 : i32
        %dma_start3A_379 = tpu.memref_slice %arg4[%dma_start3A_377, %dma_start3A_378] : memref<50000x128xf32, #tpu.memory_space<hbm>> -> memref<50000x128xf32, #tpu.memory_space<hbm>>
        tpu.enqueue_indirect_dma source(%dma_start3A_379 : memref<50000x128xf32, #tpu.memory_space<hbm>>) target(%dma_start3A_373 : memref<100x128xf32, #tpu.memory_space<vmem>>) offsets(%dma_start3A_376 : memref<100xi32, #tpu.memory_space<vmem>>) semaphore(%arg11 : memref<!tpu.dma_semaphore, #tpu.memory_space<semaphore_mem>>)
      } else {
      }
      %ge3A = arith.constant 2 : i32
      %ge3A_265 = arith.cmpi sge, %while3A_212, %ge3A : i32
      %convert_element_type3A_266 = arith.extui %ge3A_265 : i1 to i32
      %cond3A_267 = arith.constant 0 : i32
      %cond3A_268 = arith.cmpi ne, %convert_element_type3A_266, %cond3A_267 : i32
      scf.if %cond3A_268 {
        %sub3A_296 = arith.constant 2 : i32
        %sub3A_297 = arith.subi %while3A_212, %sub3A_296 : i32
        %mul3A_298 = arith.constant 32 : i32
        %mul3A_299 = arith.muli %sub3A_297, %mul3A_298 : i32
        %add3A_300 = arith.addi %mul3A_299, %add3A : i32
        %and3A_301 = arith.constant 1 : i32
        %and3A_302 = arith.andi %sub3A_297, %and3A_301 : i32
        %mul3A_303 = arith.constant 40 : i32
        %mul3A_304 = arith.muli %add3A_300, %mul3A_303 : i32
        %dma_wait3A_305 = arith.constant 0 : i32
        %dma_wait3A_306 = arith.constant 0 : i32
        %dma_wait3A_307 = tpu.memref_slice %arg9[%and3A_302, %dma_wait3A_305, %dma_wait3A_306] : memref<2x40x128xf32, #tpu.memory_space<vmem>> -> memref<1x40x128xf32, #tpu.memory_space<vmem>>
        %dma_wait3A_308 = tpu.memref_squeeze %dma_wait3A_307 : memref<1x40x128xf32, #tpu.memory_space<vmem>> -> memref<40x128xf32, #tpu.memory_space<vmem>>
        %dma_wait3A_309 = arith.constant 0 : i32
        %dma_wait3A_310 = tpu.memref_slice %arg5[%mul3A_304, %dma_wait3A_309] : memref<50000x128xf32, #tpu.memory_space<hbm>> -> memref<40x128xf32, #tpu.memory_space<hbm>>
        %dma_wait3A_311 = arith.constant 0 : i32
        %dma_wait3A_312 = tpu.memref_slice %arg5[%mul3A_304, %dma_wait3A_311] : memref<50000x128xf32, #tpu.memory_space<hbm>> -> memref<40x128xf32, #tpu.memory_space<hbm>>
        %dma_wait3A_313 = arith.constant 0 : i32
        %dma_wait3A_314 = arith.constant 0 : i32
        %dma_wait3A_315 = tpu.memref_slice %arg9[%and3A_302, %dma_wait3A_313, %dma_wait3A_314] : memref<2x40x128xf32, #tpu.memory_space<vmem>> -> memref<1x40x128xf32, #tpu.memory_space<vmem>>
        %dma_wait3A_316 = tpu.memref_squeeze %dma_wait3A_315 : memref<1x40x128xf32, #tpu.memory_space<vmem>> -> memref<40x128xf32, #tpu.memory_space<vmem>>
        tpu.wait_dma2 semaphore(%arg12 : memref<!tpu.dma_semaphore, #tpu.memory_space<semaphore_mem>>) src(%dma_wait3A_316 : memref<40x128xf32, #tpu.memory_space<vmem>>) dst(%dma_wait3A_312 : memref<40x128xf32, #tpu.memory_space<hbm>>)
      } else {
      }
      %parallel_loop3A = arith.constant 0 : i32
      %parallel_loop3A_269 = arith.constant 40 : i32
      %parallel_loop3A_270 = arith.constant 1 : i32
      scf.for %parallel_loop3A_296 = %parallel_loop3A to %parallel_loop3A_269 step %parallel_loop3A_270  : i32 {
        %parallel_loop3A_297 = vector.broadcast %and3A_214 : i32 to vector<16xi32>
        %parallel_loop3A_298 = vector.broadcast %parallel_loop3A_296 : i32 to vector<16xi32>
        %parallel_loop3A_299 = arith.constant 0 : i32
        %parallel_loop3A_300 = vector.broadcast %parallel_loop3A_299 : i32 to vector<16xi32>
        %parallel_loop3A_301 = tpu.vector_load_idx %arg7[%parallel_loop3A_297, %parallel_loop3A_298, %parallel_loop3A_300] : memref<2x40x16xf32, #tpu.memory_space<vmem>>[vector<16xi32>, vector<16xi32>, vector<16xi32>], vector<16xf32>,
        %parallel_loop3A_302 = arith.constant 10 : i32
        %parallel_loop3A_303 = arith.muli %parallel_loop3A_296, %parallel_loop3A_302 : i32
        %parallel_loop3A_304 = arith.constant 0 : i32
        %parallel_loop3A_305 = arith.addi %parallel_loop3A_303, %parallel_loop3A_304 : i32
        %parallel_loop3A_306 = arith.index_cast %and3A_214 : i32 to index
        %parallel_loop3A_307 = arith.index_cast %parallel_loop3A_305 : i32 to index
        %parallel_loop3A_308 = arith.constant 0 : index
        %parallel_loop3A_309 = tpu.vector_load %arg8[%parallel_loop3A_306, %parallel_loop3A_307, %parallel_loop3A_308] {strides = array<i32>} : memref<2x400x128xf32, #tpu.memory_space<vmem>>, vector<16xf32>,
        %parallel_loop3A_310 = arith.mulf %parallel_loop3A_301, %parallel_loop3A_309 : vector<16xf32>
        %parallel_loop3A_311 = arith.index_cast %and3A_214 : i32 to index
        %parallel_loop3A_312 = arith.index_cast %parallel_loop3A_305 : i32 to index
        %parallel_loop3A_313 = arith.constant 16 : index
        %parallel_loop3A_314 = tpu.vector_load %arg8[%parallel_loop3A_311, %parallel_loop3A_312, %parallel_loop3A_313] {strides = array<i32>} : memref<2x400x128xf32, #tpu.memory_space<vmem>>, vector<16xf32>,
        %parallel_loop3A_315 = arith.mulf %parallel_loop3A_301, %parallel_loop3A_314 : vector<16xf32>
        %parallel_loop3A_316 = arith.index_cast %and3A_214 : i32 to index
        %parallel_loop3A_317 = arith.index_cast %parallel_loop3A_305 : i32 to index
        %parallel_loop3A_318 = arith.constant 32 : index
        %parallel_loop3A_319 = tpu.vector_load %arg8[%parallel_loop3A_316, %parallel_loop3A_317, %parallel_loop3A_318] {strides = array<i32>} : memref<2x400x128xf32, #tpu.memory_space<vmem>>, vector<16xf32>,
        %parallel_loop3A_320 = arith.mulf %parallel_loop3A_301, %parallel_loop3A_319 : vector<16xf32>
        %parallel_loop3A_321 = arith.index_cast %and3A_214 : i32 to index
        %parallel_loop3A_322 = arith.index_cast %parallel_loop3A_305 : i32 to index
        %parallel_loop3A_323 = arith.constant 48 : index
        %parallel_loop3A_324 = tpu.vector_load %arg8[%parallel_loop3A_321, %parallel_loop3A_322, %parallel_loop3A_323] {strides = array<i32>} : memref<2x400x128xf32, #tpu.memory_space<vmem>>, vector<16xf32>,
        %parallel_loop3A_325 = arith.mulf %parallel_loop3A_301, %parallel_loop3A_324 : vector<16xf32>
        %parallel_loop3A_326 = arith.index_cast %and3A_214 : i32 to index
        %parallel_loop3A_327 = arith.index_cast %parallel_loop3A_305 : i32 to index
        %parallel_loop3A_328 = arith.constant 64 : index
        %parallel_loop3A_329 = tpu.vector_load %arg8[%parallel_loop3A_326, %parallel_loop3A_327, %parallel_loop3A_328] {strides = array<i32>} : memref<2x400x128xf32, #tpu.memory_space<vmem>>, vector<16xf32>,
        %parallel_loop3A_330 = arith.mulf %parallel_loop3A_301, %parallel_loop3A_329 : vector<16xf32>
        %parallel_loop3A_331 = arith.index_cast %and3A_214 : i32 to index
        %parallel_loop3A_332 = arith.index_cast %parallel_loop3A_305 : i32 to index
        %parallel_loop3A_333 = arith.constant 80 : index
        %parallel_loop3A_334 = tpu.vector_load %arg8[%parallel_loop3A_331, %parallel_loop3A_332, %parallel_loop3A_333] {strides = array<i32>} : memref<2x400x128xf32, #tpu.memory_space<vmem>>, vector<16xf32>,
        %parallel_loop3A_335 = arith.mulf %parallel_loop3A_301, %parallel_loop3A_334 : vector<16xf32>
        %parallel_loop3A_336 = arith.index_cast %and3A_214 : i32 to index
        %parallel_loop3A_337 = arith.index_cast %parallel_loop3A_305 : i32 to index
        %parallel_loop3A_338 = arith.constant 96 : index
        %parallel_loop3A_339 = tpu.vector_load %arg8[%parallel_loop3A_336, %parallel_loop3A_337, %parallel_loop3A_338] {strides = array<i32>} : memref<2x400x128xf32, #tpu.memory_space<vmem>>, vector<16xf32>,
        %parallel_loop3A_340 = arith.mulf %parallel_loop3A_301, %parallel_loop3A_339 : vector<16xf32>
        %parallel_loop3A_341 = arith.index_cast %and3A_214 : i32 to index
        %parallel_loop3A_342 = arith.index_cast %parallel_loop3A_305 : i32 to index
        %parallel_loop3A_343 = arith.constant 112 : index
        %parallel_loop3A_344 = tpu.vector_load %arg8[%parallel_loop3A_341, %parallel_loop3A_342, %parallel_loop3A_343] {strides = array<i32>} : memref<2x400x128xf32, #tpu.memory_space<vmem>>, vector<16xf32>,
        %parallel_loop3A_345 = arith.mulf %parallel_loop3A_301, %parallel_loop3A_344 : vector<16xf32>
        %parallel_loop3A_346 = vector.broadcast %and3A_214 : i32 to vector<16xi32>
        %parallel_loop3A_347 = vector.broadcast %parallel_loop3A_296 : i32 to vector<16xi32>
        %parallel_loop3A_348 = arith.constant 1 : i32
        %parallel_loop3A_349 = vector.broadcast %parallel_loop3A_348 : i32 to vector<16xi32>
        %parallel_loop3A_350 = tpu.vector_load_idx %arg7[%parallel_loop3A_346, %parallel_loop3A_347, %parallel_loop3A_349] : memref<2x40x16xf32, #tpu.memory_space<vmem>>[vector<16xi32>, vector<16xi32>, vector<16xi32>], vector<16xf32>,
        %parallel_loop3A_351 = arith.addf %parallel_loop3A_301, %parallel_loop3A_350 : vector<16xf32>
        %parallel_loop3A_352 = arith.constant 10 : i32
        %parallel_loop3A_353 = arith.muli %parallel_loop3A_296, %parallel_loop3A_352 : i32
        %parallel_loop3A_354 = arith.constant 1 : i32
        %parallel_loop3A_355 = arith.addi %parallel_loop3A_353, %parallel_loop3A_354 : i32
        %parallel_loop3A_356 = arith.index_cast %and3A_214 : i32 to index
        %parallel_loop3A_357 = arith.index_cast %parallel_loop3A_355 : i32 to index
        %parallel_loop3A_358 = arith.constant 0 : index
        %parallel_loop3A_359 = tpu.vector_load %arg8[%parallel_loop3A_356, %parallel_loop3A_357, %parallel_loop3A_358] {strides = array<i32>} : memref<2x400x128xf32, #tpu.memory_space<vmem>>, vector<16xf32>,
        %parallel_loop3A_360 = arith.mulf %parallel_loop3A_350, %parallel_loop3A_359 : vector<16xf32>
        %parallel_loop3A_361 = arith.addf %parallel_loop3A_310, %parallel_loop3A_360 : vector<16xf32>
        %parallel_loop3A_362 = arith.index_cast %and3A_214 : i32 to index
        %parallel_loop3A_363 = arith.index_cast %parallel_loop3A_355 : i32 to index
        %parallel_loop3A_364 = arith.constant 16 : index
        %parallel_loop3A_365 = tpu.vector_load %arg8[%parallel_loop3A_362, %parallel_loop3A_363, %parallel_loop3A_364] {strides = array<i32>} : memref<2x400x128xf32, #tpu.memory_space<vmem>>, vector<16xf32>,
        %parallel_loop3A_366 = arith.mulf %parallel_loop3A_350, %parallel_loop3A_365 : vector<16xf32>
        %parallel_loop3A_367 = arith.addf %parallel_loop3A_315, %parallel_loop3A_366 : vector<16xf32>
        %parallel_loop3A_368 = arith.index_cast %and3A_214 : i32 to index
        %parallel_loop3A_369 = arith.index_cast %parallel_loop3A_355 : i32 to index
        %parallel_loop3A_370 = arith.constant 32 : index
        %parallel_loop3A_371 = tpu.vector_load %arg8[%parallel_loop3A_368, %parallel_loop3A_369, %parallel_loop3A_370] {strides = array<i32>} : memref<2x400x128xf32, #tpu.memory_space<vmem>>, vector<16xf32>,
        %parallel_loop3A_372 = arith.mulf %parallel_loop3A_350, %parallel_loop3A_371 : vector<16xf32>
        %parallel_loop3A_373 = arith.addf %parallel_loop3A_320, %parallel_loop3A_372 : vector<16xf32>
        %parallel_loop3A_374 = arith.index_cast %and3A_214 : i32 to index
        %parallel_loop3A_375 = arith.index_cast %parallel_loop3A_355 : i32 to index
        %parallel_loop3A_376 = arith.constant 48 : index
        %parallel_loop3A_377 = tpu.vector_load %arg8[%parallel_loop3A_374, %parallel_loop3A_375, %parallel_loop3A_376] {strides = array<i32>} : memref<2x400x128xf32, #tpu.memory_space<vmem>>, vector<16xf32>,
        %parallel_loop3A_378 = arith.mulf %parallel_loop3A_350, %parallel_loop3A_377 : vector<16xf32>
        %parallel_loop3A_379 = arith.addf %parallel_loop3A_325, %parallel_loop3A_378 : vector<16xf32>
        %parallel_loop3A_380 = arith.index_cast %and3A_214 : i32 to index
        %parallel_loop3A_381 = arith.index_cast %parallel_loop3A_355 : i32 to index
        %parallel_loop3A_382 = arith.constant 64 : index
        %parallel_loop3A_383 = tpu.vector_load %arg8[%parallel_loop3A_380, %parallel_loop3A_381, %parallel_loop3A_382] {strides = array<i32>} : memref<2x400x128xf32, #tpu.memory_space<vmem>>, vector<16xf32>,
        %parallel_loop3A_384 = arith.mulf %parallel_loop3A_350, %parallel_loop3A_383 : vector<16xf32>
        %parallel_loop3A_385 = arith.addf %parallel_loop3A_330, %parallel_loop3A_384 : vector<16xf32>
        %parallel_loop3A_386 = arith.index_cast %and3A_214 : i32 to index
        %parallel_loop3A_387 = arith.index_cast %parallel_loop3A_355 : i32 to index
        %parallel_loop3A_388 = arith.constant 80 : index
        %parallel_loop3A_389 = tpu.vector_load %arg8[%parallel_loop3A_386, %parallel_loop3A_387, %parallel_loop3A_388] {strides = array<i32>} : memref<2x400x128xf32, #tpu.memory_space<vmem>>, vector<16xf32>,
        %parallel_loop3A_390 = arith.mulf %parallel_loop3A_350, %parallel_loop3A_389 : vector<16xf32>
        %parallel_loop3A_391 = arith.addf %parallel_loop3A_335, %parallel_loop3A_390 : vector<16xf32>
        %parallel_loop3A_392 = arith.index_cast %and3A_214 : i32 to index
        %parallel_loop3A_393 = arith.index_cast %parallel_loop3A_355 : i32 to index
        %parallel_loop3A_394 = arith.constant 96 : index
        %parallel_loop3A_395 = tpu.vector_load %arg8[%parallel_loop3A_392, %parallel_loop3A_393, %parallel_loop3A_394] {strides = array<i32>} : memref<2x400x128xf32, #tpu.memory_space<vmem>>, vector<16xf32>,
        %parallel_loop3A_396 = arith.mulf %parallel_loop3A_350, %parallel_loop3A_395 : vector<16xf32>
        %parallel_loop3A_397 = arith.addf %parallel_loop3A_340, %parallel_loop3A_396 : vector<16xf32>
        %parallel_loop3A_398 = arith.index_cast %and3A_214 : i32 to index
        %parallel_loop3A_399 = arith.index_cast %parallel_loop3A_355 : i32 to index
        %parallel_loop3A_400 = arith.constant 112 : index
        %parallel_loop3A_401 = tpu.vector_load %arg8[%parallel_loop3A_398, %parallel_loop3A_399, %parallel_loop3A_400] {strides = array<i32>} : memref<2x400x128xf32, #tpu.memory_space<vmem>>, vector<16xf32>,
        %parallel_loop3A_402 = arith.mulf %parallel_loop3A_350, %parallel_loop3A_401 : vector<16xf32>
        %parallel_loop3A_403 = arith.addf %parallel_loop3A_345, %parallel_loop3A_402 : vector<16xf32>
        %parallel_loop3A_404 = vector.broadcast %and3A_214 : i32 to vector<16xi32>
        %parallel_loop3A_405 = vector.broadcast %parallel_loop3A_296 : i32 to vector<16xi32>
        %parallel_loop3A_406 = arith.constant 2 : i32
        %parallel_loop3A_407 = vector.broadcast %parallel_loop3A_406 : i32 to vector<16xi32>
        %parallel_loop3A_408 = tpu.vector_load_idx %arg7[%parallel_loop3A_404, %parallel_loop3A_405, %parallel_loop3A_407] : memref<2x40x16xf32, #tpu.memory_space<vmem>>[vector<16xi32>, vector<16xi32>, vector<16xi32>], vector<16xf32>,
        %parallel_loop3A_409 = arith.addf %parallel_loop3A_351, %parallel_loop3A_408 : vector<16xf32>
        %parallel_loop3A_410 = arith.constant 10 : i32
        %parallel_loop3A_411 = arith.muli %parallel_loop3A_296, %parallel_loop3A_410 : i32
        %parallel_loop3A_412 = arith.constant 2 : i32
        %parallel_loop3A_413 = arith.addi %parallel_loop3A_411, %parallel_loop3A_412 : i32
        %parallel_loop3A_414 = arith.index_cast %and3A_214 : i32 to index
        %parallel_loop3A_415 = arith.index_cast %parallel_loop3A_413 : i32 to index
        %parallel_loop3A_416 = arith.constant 0 : index
        %parallel_loop3A_417 = tpu.vector_load %arg8[%parallel_loop3A_414, %parallel_loop3A_415, %parallel_loop3A_416] {strides = array<i32>} : memref<2x400x128xf32, #tpu.memory_space<vmem>>, vector<16xf32>,
        %parallel_loop3A_418 = arith.mulf %parallel_loop3A_408, %parallel_loop3A_417 : vector<16xf32>
        %parallel_loop3A_419 = arith.addf %parallel_loop3A_361, %parallel_loop3A_418 : vector<16xf32>
        %parallel_loop3A_420 = arith.index_cast %and3A_214 : i32 to index
        %parallel_loop3A_421 = arith.index_cast %parallel_loop3A_413 : i32 to index
        %parallel_loop3A_422 = arith.constant 16 : index
        %parallel_loop3A_423 = tpu.vector_load %arg8[%parallel_loop3A_420, %parallel_loop3A_421, %parallel_loop3A_422] {strides = array<i32>} : memref<2x400x128xf32, #tpu.memory_space<vmem>>, vector<16xf32>,
        %parallel_loop3A_424 = arith.mulf %parallel_loop3A_408, %parallel_loop3A_423 : vector<16xf32>
        %parallel_loop3A_425 = arith.addf %parallel_loop3A_367, %parallel_loop3A_424 : vector<16xf32>
        %parallel_loop3A_426 = arith.index_cast %and3A_214 : i32 to index
        %parallel_loop3A_427 = arith.index_cast %parallel_loop3A_413 : i32 to index
        %parallel_loop3A_428 = arith.constant 32 : index
        %parallel_loop3A_429 = tpu.vector_load %arg8[%parallel_loop3A_426, %parallel_loop3A_427, %parallel_loop3A_428] {strides = array<i32>} : memref<2x400x128xf32, #tpu.memory_space<vmem>>, vector<16xf32>,
        %parallel_loop3A_430 = arith.mulf %parallel_loop3A_408, %parallel_loop3A_429 : vector<16xf32>
        %parallel_loop3A_431 = arith.addf %parallel_loop3A_373, %parallel_loop3A_430 : vector<16xf32>
        %parallel_loop3A_432 = arith.index_cast %and3A_214 : i32 to index
        %parallel_loop3A_433 = arith.index_cast %parallel_loop3A_413 : i32 to index
        %parallel_loop3A_434 = arith.constant 48 : index
        %parallel_loop3A_435 = tpu.vector_load %arg8[%parallel_loop3A_432, %parallel_loop3A_433, %parallel_loop3A_434] {strides = array<i32>} : memref<2x400x128xf32, #tpu.memory_space<vmem>>, vector<16xf32>,
        %parallel_loop3A_436 = arith.mulf %parallel_loop3A_408, %parallel_loop3A_435 : vector<16xf32>
        %parallel_loop3A_437 = arith.addf %parallel_loop3A_379, %parallel_loop3A_436 : vector<16xf32>
        %parallel_loop3A_438 = arith.index_cast %and3A_214 : i32 to index
        %parallel_loop3A_439 = arith.index_cast %parallel_loop3A_413 : i32 to index
        %parallel_loop3A_440 = arith.constant 64 : index
        %parallel_loop3A_441 = tpu.vector_load %arg8[%parallel_loop3A_438, %parallel_loop3A_439, %parallel_loop3A_440] {strides = array<i32>} : memref<2x400x128xf32, #tpu.memory_space<vmem>>, vector<16xf32>,
        %parallel_loop3A_442 = arith.mulf %parallel_loop3A_408, %parallel_loop3A_441 : vector<16xf32>
        %parallel_loop3A_443 = arith.addf %parallel_loop3A_385, %parallel_loop3A_442 : vector<16xf32>
        %parallel_loop3A_444 = arith.index_cast %and3A_214 : i32 to index
        %parallel_loop3A_445 = arith.index_cast %parallel_loop3A_413 : i32 to index
        %parallel_loop3A_446 = arith.constant 80 : index
        %parallel_loop3A_447 = tpu.vector_load %arg8[%parallel_loop3A_444, %parallel_loop3A_445, %parallel_loop3A_446] {strides = array<i32>} : memref<2x400x128xf32, #tpu.memory_space<vmem>>, vector<16xf32>,
        %parallel_loop3A_448 = arith.mulf %parallel_loop3A_408, %parallel_loop3A_447 : vector<16xf32>
        %parallel_loop3A_449 = arith.addf %parallel_loop3A_391, %parallel_loop3A_448 : vector<16xf32>
        %parallel_loop3A_450 = arith.index_cast %and3A_214 : i32 to index
        %parallel_loop3A_451 = arith.index_cast %parallel_loop3A_413 : i32 to index
        %parallel_loop3A_452 = arith.constant 96 : index
        %parallel_loop3A_453 = tpu.vector_load %arg8[%parallel_loop3A_450, %parallel_loop3A_451, %parallel_loop3A_452] {strides = array<i32>} : memref<2x400x128xf32, #tpu.memory_space<vmem>>, vector<16xf32>,
        %parallel_loop3A_454 = arith.mulf %parallel_loop3A_408, %parallel_loop3A_453 : vector<16xf32>
        %parallel_loop3A_455 = arith.addf %parallel_loop3A_397, %parallel_loop3A_454 : vector<16xf32>
        %parallel_loop3A_456 = arith.index_cast %and3A_214 : i32 to index
        %parallel_loop3A_457 = arith.index_cast %parallel_loop3A_413 : i32 to index
        %parallel_loop3A_458 = arith.constant 112 : index
        %parallel_loop3A_459 = tpu.vector_load %arg8[%parallel_loop3A_456, %parallel_loop3A_457, %parallel_loop3A_458] {strides = array<i32>} : memref<2x400x128xf32, #tpu.memory_space<vmem>>, vector<16xf32>,
        %parallel_loop3A_460 = arith.mulf %parallel_loop3A_408, %parallel_loop3A_459 : vector<16xf32>
        %parallel_loop3A_461 = arith.addf %parallel_loop3A_403, %parallel_loop3A_460 : vector<16xf32>
        %parallel_loop3A_462 = vector.broadcast %and3A_214 : i32 to vector<16xi32>
        %parallel_loop3A_463 = vector.broadcast %parallel_loop3A_296 : i32 to vector<16xi32>
        %parallel_loop3A_464 = arith.constant 3 : i32
        %parallel_loop3A_465 = vector.broadcast %parallel_loop3A_464 : i32 to vector<16xi32>
        %parallel_loop3A_466 = tpu.vector_load_idx %arg7[%parallel_loop3A_462, %parallel_loop3A_463, %parallel_loop3A_465] : memref<2x40x16xf32, #tpu.memory_space<vmem>>[vector<16xi32>, vector<16xi32>, vector<16xi32>], vector<16xf32>,
        %parallel_loop3A_467 = arith.addf %parallel_loop3A_409, %parallel_loop3A_466 : vector<16xf32>
        %parallel_loop3A_468 = arith.constant 10 : i32
        %parallel_loop3A_469 = arith.muli %parallel_loop3A_296, %parallel_loop3A_468 : i32
        %parallel_loop3A_470 = arith.constant 3 : i32
        %parallel_loop3A_471 = arith.addi %parallel_loop3A_469, %parallel_loop3A_470 : i32
        %parallel_loop3A_472 = arith.index_cast %and3A_214 : i32 to index
        %parallel_loop3A_473 = arith.index_cast %parallel_loop3A_471 : i32 to index
        %parallel_loop3A_474 = arith.constant 0 : index
        %parallel_loop3A_475 = tpu.vector_load %arg8[%parallel_loop3A_472, %parallel_loop3A_473, %parallel_loop3A_474] {strides = array<i32>} : memref<2x400x128xf32, #tpu.memory_space<vmem>>, vector<16xf32>,
        %parallel_loop3A_476 = arith.mulf %parallel_loop3A_466, %parallel_loop3A_475 : vector<16xf32>
        %parallel_loop3A_477 = arith.addf %parallel_loop3A_419, %parallel_loop3A_476 : vector<16xf32>
        %parallel_loop3A_478 = arith.index_cast %and3A_214 : i32 to index
        %parallel_loop3A_479 = arith.index_cast %parallel_loop3A_471 : i32 to index
        %parallel_loop3A_480 = arith.constant 16 : index
        %parallel_loop3A_481 = tpu.vector_load %arg8[%parallel_loop3A_478, %parallel_loop3A_479, %parallel_loop3A_480] {strides = array<i32>} : memref<2x400x128xf32, #tpu.memory_space<vmem>>, vector<16xf32>,
        %parallel_loop3A_482 = arith.mulf %parallel_loop3A_466, %parallel_loop3A_481 : vector<16xf32>
        %parallel_loop3A_483 = arith.addf %parallel_loop3A_425, %parallel_loop3A_482 : vector<16xf32>
        %parallel_loop3A_484 = arith.index_cast %and3A_214 : i32 to index
        %parallel_loop3A_485 = arith.index_cast %parallel_loop3A_471 : i32 to index
        %parallel_loop3A_486 = arith.constant 32 : index
        %parallel_loop3A_487 = tpu.vector_load %arg8[%parallel_loop3A_484, %parallel_loop3A_485, %parallel_loop3A_486] {strides = array<i32>} : memref<2x400x128xf32, #tpu.memory_space<vmem>>, vector<16xf32>,
        %parallel_loop3A_488 = arith.mulf %parallel_loop3A_466, %parallel_loop3A_487 : vector<16xf32>
        %parallel_loop3A_489 = arith.addf %parallel_loop3A_431, %parallel_loop3A_488 : vector<16xf32>
        %parallel_loop3A_490 = arith.index_cast %and3A_214 : i32 to index
        %parallel_loop3A_491 = arith.index_cast %parallel_loop3A_471 : i32 to index
        %parallel_loop3A_492 = arith.constant 48 : index
        %parallel_loop3A_493 = tpu.vector_load %arg8[%parallel_loop3A_490, %parallel_loop3A_491, %parallel_loop3A_492] {strides = array<i32>} : memref<2x400x128xf32, #tpu.memory_space<vmem>>, vector<16xf32>,
        %parallel_loop3A_494 = arith.mulf %parallel_loop3A_466, %parallel_loop3A_493 : vector<16xf32>
        %parallel_loop3A_495 = arith.addf %parallel_loop3A_437, %parallel_loop3A_494 : vector<16xf32>
        %parallel_loop3A_496 = arith.index_cast %and3A_214 : i32 to index
        %parallel_loop3A_497 = arith.index_cast %parallel_loop3A_471 : i32 to index
        %parallel_loop3A_498 = arith.constant 64 : index
        %parallel_loop3A_499 = tpu.vector_load %arg8[%parallel_loop3A_496, %parallel_loop3A_497, %parallel_loop3A_498] {strides = array<i32>} : memref<2x400x128xf32, #tpu.memory_space<vmem>>, vector<16xf32>,
        %parallel_loop3A_500 = arith.mulf %parallel_loop3A_466, %parallel_loop3A_499 : vector<16xf32>
        %parallel_loop3A_501 = arith.addf %parallel_loop3A_443, %parallel_loop3A_500 : vector<16xf32>
        %parallel_loop3A_502 = arith.index_cast %and3A_214 : i32 to index
        %parallel_loop3A_503 = arith.index_cast %parallel_loop3A_471 : i32 to index
        %parallel_loop3A_504 = arith.constant 80 : index
        %parallel_loop3A_505 = tpu.vector_load %arg8[%parallel_loop3A_502, %parallel_loop3A_503, %parallel_loop3A_504] {strides = array<i32>} : memref<2x400x128xf32, #tpu.memory_space<vmem>>, vector<16xf32>,
        %parallel_loop3A_506 = arith.mulf %parallel_loop3A_466, %parallel_loop3A_505 : vector<16xf32>
        %parallel_loop3A_507 = arith.addf %parallel_loop3A_449, %parallel_loop3A_506 : vector<16xf32>
        %parallel_loop3A_508 = arith.index_cast %and3A_214 : i32 to index
        %parallel_loop3A_509 = arith.index_cast %parallel_loop3A_471 : i32 to index
        %parallel_loop3A_510 = arith.constant 96 : index
        %parallel_loop3A_511 = tpu.vector_load %arg8[%parallel_loop3A_508, %parallel_loop3A_509, %parallel_loop3A_510] {strides = array<i32>} : memref<2x400x128xf32, #tpu.memory_space<vmem>>, vector<16xf32>,
        %parallel_loop3A_512 = arith.mulf %parallel_loop3A_466, %parallel_loop3A_511 : vector<16xf32>
        %parallel_loop3A_513 = arith.addf %parallel_loop3A_455, %parallel_loop3A_512 : vector<16xf32>
        %parallel_loop3A_514 = arith.index_cast %and3A_214 : i32 to index
        %parallel_loop3A_515 = arith.index_cast %parallel_loop3A_471 : i32 to index
        %parallel_loop3A_516 = arith.constant 112 : index
        %parallel_loop3A_517 = tpu.vector_load %arg8[%parallel_loop3A_514, %parallel_loop3A_515, %parallel_loop3A_516] {strides = array<i32>} : memref<2x400x128xf32, #tpu.memory_space<vmem>>, vector<16xf32>,
        %parallel_loop3A_518 = arith.mulf %parallel_loop3A_466, %parallel_loop3A_517 : vector<16xf32>
        %parallel_loop3A_519 = arith.addf %parallel_loop3A_461, %parallel_loop3A_518 : vector<16xf32>
        %parallel_loop3A_520 = vector.broadcast %and3A_214 : i32 to vector<16xi32>
        %parallel_loop3A_521 = vector.broadcast %parallel_loop3A_296 : i32 to vector<16xi32>
        %parallel_loop3A_522 = arith.constant 4 : i32
        %parallel_loop3A_523 = vector.broadcast %parallel_loop3A_522 : i32 to vector<16xi32>
        %parallel_loop3A_524 = tpu.vector_load_idx %arg7[%parallel_loop3A_520, %parallel_loop3A_521, %parallel_loop3A_523] : memref<2x40x16xf32, #tpu.memory_space<vmem>>[vector<16xi32>, vector<16xi32>, vector<16xi32>], vector<16xf32>,
        %parallel_loop3A_525 = arith.addf %parallel_loop3A_467, %parallel_loop3A_524 : vector<16xf32>
        %parallel_loop3A_526 = arith.constant 10 : i32
        %parallel_loop3A_527 = arith.muli %parallel_loop3A_296, %parallel_loop3A_526 : i32
        %parallel_loop3A_528 = arith.constant 4 : i32
        %parallel_loop3A_529 = arith.addi %parallel_loop3A_527, %parallel_loop3A_528 : i32
        %parallel_loop3A_530 = arith.index_cast %and3A_214 : i32 to index
        %parallel_loop3A_531 = arith.index_cast %parallel_loop3A_529 : i32 to index
        %parallel_loop3A_532 = arith.constant 0 : index
        %parallel_loop3A_533 = tpu.vector_load %arg8[%parallel_loop3A_530, %parallel_loop3A_531, %parallel_loop3A_532] {strides = array<i32>} : memref<2x400x128xf32, #tpu.memory_space<vmem>>, vector<16xf32>,
        %parallel_loop3A_534 = arith.mulf %parallel_loop3A_524, %parallel_loop3A_533 : vector<16xf32>
        %parallel_loop3A_535 = arith.addf %parallel_loop3A_477, %parallel_loop3A_534 : vector<16xf32>
        %parallel_loop3A_536 = arith.index_cast %and3A_214 : i32 to index
        %parallel_loop3A_537 = arith.index_cast %parallel_loop3A_529 : i32 to index
        %parallel_loop3A_538 = arith.constant 16 : index
        %parallel_loop3A_539 = tpu.vector_load %arg8[%parallel_loop3A_536, %parallel_loop3A_537, %parallel_loop3A_538] {strides = array<i32>} : memref<2x400x128xf32, #tpu.memory_space<vmem>>, vector<16xf32>,
        %parallel_loop3A_540 = arith.mulf %parallel_loop3A_524, %parallel_loop3A_539 : vector<16xf32>
        %parallel_loop3A_541 = arith.addf %parallel_loop3A_483, %parallel_loop3A_540 : vector<16xf32>
        %parallel_loop3A_542 = arith.index_cast %and3A_214 : i32 to index
        %parallel_loop3A_543 = arith.index_cast %parallel_loop3A_529 : i32 to index
        %parallel_loop3A_544 = arith.constant 32 : index
        %parallel_loop3A_545 = tpu.vector_load %arg8[%parallel_loop3A_542, %parallel_loop3A_543, %parallel_loop3A_544] {strides = array<i32>} : memref<2x400x128xf32, #tpu.memory_space<vmem>>, vector<16xf32>,
        %parallel_loop3A_546 = arith.mulf %parallel_loop3A_524, %parallel_loop3A_545 : vector<16xf32>
        %parallel_loop3A_547 = arith.addf %parallel_loop3A_489, %parallel_loop3A_546 : vector<16xf32>
        %parallel_loop3A_548 = arith.index_cast %and3A_214 : i32 to index
        %parallel_loop3A_549 = arith.index_cast %parallel_loop3A_529 : i32 to index
        %parallel_loop3A_550 = arith.constant 48 : index
        %parallel_loop3A_551 = tpu.vector_load %arg8[%parallel_loop3A_548, %parallel_loop3A_549, %parallel_loop3A_550] {strides = array<i32>} : memref<2x400x128xf32, #tpu.memory_space<vmem>>, vector<16xf32>,
        %parallel_loop3A_552 = arith.mulf %parallel_loop3A_524, %parallel_loop3A_551 : vector<16xf32>
        %parallel_loop3A_553 = arith.addf %parallel_loop3A_495, %parallel_loop3A_552 : vector<16xf32>
        %parallel_loop3A_554 = arith.index_cast %and3A_214 : i32 to index
        %parallel_loop3A_555 = arith.index_cast %parallel_loop3A_529 : i32 to index
        %parallel_loop3A_556 = arith.constant 64 : index
        %parallel_loop3A_557 = tpu.vector_load %arg8[%parallel_loop3A_554, %parallel_loop3A_555, %parallel_loop3A_556] {strides = array<i32>} : memref<2x400x128xf32, #tpu.memory_space<vmem>>, vector<16xf32>,
        %parallel_loop3A_558 = arith.mulf %parallel_loop3A_524, %parallel_loop3A_557 : vector<16xf32>
        %parallel_loop3A_559 = arith.addf %parallel_loop3A_501, %parallel_loop3A_558 : vector<16xf32>
        %parallel_loop3A_560 = arith.index_cast %and3A_214 : i32 to index
        %parallel_loop3A_561 = arith.index_cast %parallel_loop3A_529 : i32 to index
        %parallel_loop3A_562 = arith.constant 80 : index
        %parallel_loop3A_563 = tpu.vector_load %arg8[%parallel_loop3A_560, %parallel_loop3A_561, %parallel_loop3A_562] {strides = array<i32>} : memref<2x400x128xf32, #tpu.memory_space<vmem>>, vector<16xf32>,
        %parallel_loop3A_564 = arith.mulf %parallel_loop3A_524, %parallel_loop3A_563 : vector<16xf32>
        %parallel_loop3A_565 = arith.addf %parallel_loop3A_507, %parallel_loop3A_564 : vector<16xf32>
        %parallel_loop3A_566 = arith.index_cast %and3A_214 : i32 to index
        %parallel_loop3A_567 = arith.index_cast %parallel_loop3A_529 : i32 to index
        %parallel_loop3A_568 = arith.constant 96 : index
        %parallel_loop3A_569 = tpu.vector_load %arg8[%parallel_loop3A_566, %parallel_loop3A_567, %parallel_loop3A_568] {strides = array<i32>} : memref<2x400x128xf32, #tpu.memory_space<vmem>>, vector<16xf32>,
        %parallel_loop3A_570 = arith.mulf %parallel_loop3A_524, %parallel_loop3A_569 : vector<16xf32>
        %parallel_loop3A_571 = arith.addf %parallel_loop3A_513, %parallel_loop3A_570 : vector<16xf32>
        %parallel_loop3A_572 = arith.index_cast %and3A_214 : i32 to index
        %parallel_loop3A_573 = arith.index_cast %parallel_loop3A_529 : i32 to index
        %parallel_loop3A_574 = arith.constant 112 : index
        %parallel_loop3A_575 = tpu.vector_load %arg8[%parallel_loop3A_572, %parallel_loop3A_573, %parallel_loop3A_574] {strides = array<i32>} : memref<2x400x128xf32, #tpu.memory_space<vmem>>, vector<16xf32>,
        %parallel_loop3A_576 = arith.mulf %parallel_loop3A_524, %parallel_loop3A_575 : vector<16xf32>
        %parallel_loop3A_577 = arith.addf %parallel_loop3A_519, %parallel_loop3A_576 : vector<16xf32>
        %parallel_loop3A_578 = vector.broadcast %and3A_214 : i32 to vector<16xi32>
        %parallel_loop3A_579 = vector.broadcast %parallel_loop3A_296 : i32 to vector<16xi32>
        %parallel_loop3A_580 = arith.constant 5 : i32
        %parallel_loop3A_581 = vector.broadcast %parallel_loop3A_580 : i32 to vector<16xi32>
        %parallel_loop3A_582 = tpu.vector_load_idx %arg7[%parallel_loop3A_578, %parallel_loop3A_579, %parallel_loop3A_581] : memref<2x40x16xf32, #tpu.memory_space<vmem>>[vector<16xi32>, vector<16xi32>, vector<16xi32>], vector<16xf32>,
        %parallel_loop3A_583 = arith.addf %parallel_loop3A_525, %parallel_loop3A_582 : vector<16xf32>
        %parallel_loop3A_584 = arith.constant 10 : i32
        %parallel_loop3A_585 = arith.muli %parallel_loop3A_296, %parallel_loop3A_584 : i32
        %parallel_loop3A_586 = arith.constant 5 : i32
        %parallel_loop3A_587 = arith.addi %parallel_loop3A_585, %parallel_loop3A_586 : i32
        %parallel_loop3A_588 = arith.index_cast %and3A_214 : i32 to index
        %parallel_loop3A_589 = arith.index_cast %parallel_loop3A_587 : i32 to index
        %parallel_loop3A_590 = arith.constant 0 : index
        %parallel_loop3A_591 = tpu.vector_load %arg8[%parallel_loop3A_588, %parallel_loop3A_589, %parallel_loop3A_590] {strides = array<i32>} : memref<2x400x128xf32, #tpu.memory_space<vmem>>, vector<16xf32>,
        %parallel_loop3A_592 = arith.mulf %parallel_loop3A_582, %parallel_loop3A_591 : vector<16xf32>
        %parallel_loop3A_593 = arith.addf %parallel_loop3A_535, %parallel_loop3A_592 : vector<16xf32>
        %parallel_loop3A_594 = arith.index_cast %and3A_214 : i32 to index
        %parallel_loop3A_595 = arith.index_cast %parallel_loop3A_587 : i32 to index
        %parallel_loop3A_596 = arith.constant 16 : index
        %parallel_loop3A_597 = tpu.vector_load %arg8[%parallel_loop3A_594, %parallel_loop3A_595, %parallel_loop3A_596] {strides = array<i32>} : memref<2x400x128xf32, #tpu.memory_space<vmem>>, vector<16xf32>,
        %parallel_loop3A_598 = arith.mulf %parallel_loop3A_582, %parallel_loop3A_597 : vector<16xf32>
        %parallel_loop3A_599 = arith.addf %parallel_loop3A_541, %parallel_loop3A_598 : vector<16xf32>
        %parallel_loop3A_600 = arith.index_cast %and3A_214 : i32 to index
        %parallel_loop3A_601 = arith.index_cast %parallel_loop3A_587 : i32 to index
        %parallel_loop3A_602 = arith.constant 32 : index
        %parallel_loop3A_603 = tpu.vector_load %arg8[%parallel_loop3A_600, %parallel_loop3A_601, %parallel_loop3A_602] {strides = array<i32>} : memref<2x400x128xf32, #tpu.memory_space<vmem>>, vector<16xf32>,
        %parallel_loop3A_604 = arith.mulf %parallel_loop3A_582, %parallel_loop3A_603 : vector<16xf32>
        %parallel_loop3A_605 = arith.addf %parallel_loop3A_547, %parallel_loop3A_604 : vector<16xf32>
        %parallel_loop3A_606 = arith.index_cast %and3A_214 : i32 to index
        %parallel_loop3A_607 = arith.index_cast %parallel_loop3A_587 : i32 to index
        %parallel_loop3A_608 = arith.constant 48 : index
        %parallel_loop3A_609 = tpu.vector_load %arg8[%parallel_loop3A_606, %parallel_loop3A_607, %parallel_loop3A_608] {strides = array<i32>} : memref<2x400x128xf32, #tpu.memory_space<vmem>>, vector<16xf32>,
        %parallel_loop3A_610 = arith.mulf %parallel_loop3A_582, %parallel_loop3A_609 : vector<16xf32>
        %parallel_loop3A_611 = arith.addf %parallel_loop3A_553, %parallel_loop3A_610 : vector<16xf32>
        %parallel_loop3A_612 = arith.index_cast %and3A_214 : i32 to index
        %parallel_loop3A_613 = arith.index_cast %parallel_loop3A_587 : i32 to index
        %parallel_loop3A_614 = arith.constant 64 : index
        %parallel_loop3A_615 = tpu.vector_load %arg8[%parallel_loop3A_612, %parallel_loop3A_613, %parallel_loop3A_614] {strides = array<i32>} : memref<2x400x128xf32, #tpu.memory_space<vmem>>, vector<16xf32>,
        %parallel_loop3A_616 = arith.mulf %parallel_loop3A_582, %parallel_loop3A_615 : vector<16xf32>
        %parallel_loop3A_617 = arith.addf %parallel_loop3A_559, %parallel_loop3A_616 : vector<16xf32>
        %parallel_loop3A_618 = arith.index_cast %and3A_214 : i32 to index
        %parallel_loop3A_619 = arith.index_cast %parallel_loop3A_587 : i32 to index
        %parallel_loop3A_620 = arith.constant 80 : index
        %parallel_loop3A_621 = tpu.vector_load %arg8[%parallel_loop3A_618, %parallel_loop3A_619, %parallel_loop3A_620] {strides = array<i32>} : memref<2x400x128xf32, #tpu.memory_space<vmem>>, vector<16xf32>,
        %parallel_loop3A_622 = arith.mulf %parallel_loop3A_582, %parallel_loop3A_621 : vector<16xf32>
        %parallel_loop3A_623 = arith.addf %parallel_loop3A_565, %parallel_loop3A_622 : vector<16xf32>
        %parallel_loop3A_624 = arith.index_cast %and3A_214 : i32 to index
        %parallel_loop3A_625 = arith.index_cast %parallel_loop3A_587 : i32 to index
        %parallel_loop3A_626 = arith.constant 96 : index
        %parallel_loop3A_627 = tpu.vector_load %arg8[%parallel_loop3A_624, %parallel_loop3A_625, %parallel_loop3A_626] {strides = array<i32>} : memref<2x400x128xf32, #tpu.memory_space<vmem>>, vector<16xf32>,
        %parallel_loop3A_628 = arith.mulf %parallel_loop3A_582, %parallel_loop3A_627 : vector<16xf32>
        %parallel_loop3A_629 = arith.addf %parallel_loop3A_571, %parallel_loop3A_628 : vector<16xf32>
        %parallel_loop3A_630 = arith.index_cast %and3A_214 : i32 to index
        %parallel_loop3A_631 = arith.index_cast %parallel_loop3A_587 : i32 to index
        %parallel_loop3A_632 = arith.constant 112 : index
        %parallel_loop3A_633 = tpu.vector_load %arg8[%parallel_loop3A_630, %parallel_loop3A_631, %parallel_loop3A_632] {strides = array<i32>} : memref<2x400x128xf32, #tpu.memory_space<vmem>>, vector<16xf32>,
        %parallel_loop3A_634 = arith.mulf %parallel_loop3A_582, %parallel_loop3A_633 : vector<16xf32>
        %parallel_loop3A_635 = arith.addf %parallel_loop3A_577, %parallel_loop3A_634 : vector<16xf32>
        %parallel_loop3A_636 = vector.broadcast %and3A_214 : i32 to vector<16xi32>
        %parallel_loop3A_637 = vector.broadcast %parallel_loop3A_296 : i32 to vector<16xi32>
        %parallel_loop3A_638 = arith.constant 6 : i32
        %parallel_loop3A_639 = vector.broadcast %parallel_loop3A_638 : i32 to vector<16xi32>
        %parallel_loop3A_640 = tpu.vector_load_idx %arg7[%parallel_loop3A_636, %parallel_loop3A_637, %parallel_loop3A_639] : memref<2x40x16xf32, #tpu.memory_space<vmem>>[vector<16xi32>, vector<16xi32>, vector<16xi32>], vector<16xf32>,
        %parallel_loop3A_641 = arith.addf %parallel_loop3A_583, %parallel_loop3A_640 : vector<16xf32>
        %parallel_loop3A_642 = arith.constant 10 : i32
        %parallel_loop3A_643 = arith.muli %parallel_loop3A_296, %parallel_loop3A_642 : i32
        %parallel_loop3A_644 = arith.constant 6 : i32
        %parallel_loop3A_645 = arith.addi %parallel_loop3A_643, %parallel_loop3A_644 : i32
        %parallel_loop3A_646 = arith.index_cast %and3A_214 : i32 to index
        %parallel_loop3A_647 = arith.index_cast %parallel_loop3A_645 : i32 to index
        %parallel_loop3A_648 = arith.constant 0 : index
        %parallel_loop3A_649 = tpu.vector_load %arg8[%parallel_loop3A_646, %parallel_loop3A_647, %parallel_loop3A_648] {strides = array<i32>} : memref<2x400x128xf32, #tpu.memory_space<vmem>>, vector<16xf32>,
        %parallel_loop3A_650 = arith.mulf %parallel_loop3A_640, %parallel_loop3A_649 : vector<16xf32>
        %parallel_loop3A_651 = arith.addf %parallel_loop3A_593, %parallel_loop3A_650 : vector<16xf32>
        %parallel_loop3A_652 = arith.index_cast %and3A_214 : i32 to index
        %parallel_loop3A_653 = arith.index_cast %parallel_loop3A_645 : i32 to index
        %parallel_loop3A_654 = arith.constant 16 : index
        %parallel_loop3A_655 = tpu.vector_load %arg8[%parallel_loop3A_652, %parallel_loop3A_653, %parallel_loop3A_654] {strides = array<i32>} : memref<2x400x128xf32, #tpu.memory_space<vmem>>, vector<16xf32>,
        %parallel_loop3A_656 = arith.mulf %parallel_loop3A_640, %parallel_loop3A_655 : vector<16xf32>
        %parallel_loop3A_657 = arith.addf %parallel_loop3A_599, %parallel_loop3A_656 : vector<16xf32>
        %parallel_loop3A_658 = arith.index_cast %and3A_214 : i32 to index
        %parallel_loop3A_659 = arith.index_cast %parallel_loop3A_645 : i32 to index
        %parallel_loop3A_660 = arith.constant 32 : index
        %parallel_loop3A_661 = tpu.vector_load %arg8[%parallel_loop3A_658, %parallel_loop3A_659, %parallel_loop3A_660] {strides = array<i32>} : memref<2x400x128xf32, #tpu.memory_space<vmem>>, vector<16xf32>,
        %parallel_loop3A_662 = arith.mulf %parallel_loop3A_640, %parallel_loop3A_661 : vector<16xf32>
        %parallel_loop3A_663 = arith.addf %parallel_loop3A_605, %parallel_loop3A_662 : vector<16xf32>
        %parallel_loop3A_664 = arith.index_cast %and3A_214 : i32 to index
        %parallel_loop3A_665 = arith.index_cast %parallel_loop3A_645 : i32 to index
        %parallel_loop3A_666 = arith.constant 48 : index
        %parallel_loop3A_667 = tpu.vector_load %arg8[%parallel_loop3A_664, %parallel_loop3A_665, %parallel_loop3A_666] {strides = array<i32>} : memref<2x400x128xf32, #tpu.memory_space<vmem>>, vector<16xf32>,
        %parallel_loop3A_668 = arith.mulf %parallel_loop3A_640, %parallel_loop3A_667 : vector<16xf32>
        %parallel_loop3A_669 = arith.addf %parallel_loop3A_611, %parallel_loop3A_668 : vector<16xf32>
        %parallel_loop3A_670 = arith.index_cast %and3A_214 : i32 to index
        %parallel_loop3A_671 = arith.index_cast %parallel_loop3A_645 : i32 to index
        %parallel_loop3A_672 = arith.constant 64 : index
        %parallel_loop3A_673 = tpu.vector_load %arg8[%parallel_loop3A_670, %parallel_loop3A_671, %parallel_loop3A_672] {strides = array<i32>} : memref<2x400x128xf32, #tpu.memory_space<vmem>>, vector<16xf32>,
        %parallel_loop3A_674 = arith.mulf %parallel_loop3A_640, %parallel_loop3A_673 : vector<16xf32>
        %parallel_loop3A_675 = arith.addf %parallel_loop3A_617, %parallel_loop3A_674 : vector<16xf32>
        %parallel_loop3A_676 = arith.index_cast %and3A_214 : i32 to index
        %parallel_loop3A_677 = arith.index_cast %parallel_loop3A_645 : i32 to index
        %parallel_loop3A_678 = arith.constant 80 : index
        %parallel_loop3A_679 = tpu.vector_load %arg8[%parallel_loop3A_676, %parallel_loop3A_677, %parallel_loop3A_678] {strides = array<i32>} : memref<2x400x128xf32, #tpu.memory_space<vmem>>, vector<16xf32>,
        %parallel_loop3A_680 = arith.mulf %parallel_loop3A_640, %parallel_loop3A_679 : vector<16xf32>
        %parallel_loop3A_681 = arith.addf %parallel_loop3A_623, %parallel_loop3A_680 : vector<16xf32>
        %parallel_loop3A_682 = arith.index_cast %and3A_214 : i32 to index
        %parallel_loop3A_683 = arith.index_cast %parallel_loop3A_645 : i32 to index
        %parallel_loop3A_684 = arith.constant 96 : index
        %parallel_loop3A_685 = tpu.vector_load %arg8[%parallel_loop3A_682, %parallel_loop3A_683, %parallel_loop3A_684] {strides = array<i32>} : memref<2x400x128xf32, #tpu.memory_space<vmem>>, vector<16xf32>,
        %parallel_loop3A_686 = arith.mulf %parallel_loop3A_640, %parallel_loop3A_685 : vector<16xf32>
        %parallel_loop3A_687 = arith.addf %parallel_loop3A_629, %parallel_loop3A_686 : vector<16xf32>
        %parallel_loop3A_688 = arith.index_cast %and3A_214 : i32 to index
        %parallel_loop3A_689 = arith.index_cast %parallel_loop3A_645 : i32 to index
        %parallel_loop3A_690 = arith.constant 112 : index
        %parallel_loop3A_691 = tpu.vector_load %arg8[%parallel_loop3A_688, %parallel_loop3A_689, %parallel_loop3A_690] {strides = array<i32>} : memref<2x400x128xf32, #tpu.memory_space<vmem>>, vector<16xf32>,
        %parallel_loop3A_692 = arith.mulf %parallel_loop3A_640, %parallel_loop3A_691 : vector<16xf32>
        %parallel_loop3A_693 = arith.addf %parallel_loop3A_635, %parallel_loop3A_692 : vector<16xf32>
        %parallel_loop3A_694 = vector.broadcast %and3A_214 : i32 to vector<16xi32>
        %parallel_loop3A_695 = vector.broadcast %parallel_loop3A_296 : i32 to vector<16xi32>
        %parallel_loop3A_696 = arith.constant 7 : i32
        %parallel_loop3A_697 = vector.broadcast %parallel_loop3A_696 : i32 to vector<16xi32>
        %parallel_loop3A_698 = tpu.vector_load_idx %arg7[%parallel_loop3A_694, %parallel_loop3A_695, %parallel_loop3A_697] : memref<2x40x16xf32, #tpu.memory_space<vmem>>[vector<16xi32>, vector<16xi32>, vector<16xi32>], vector<16xf32>,
        %parallel_loop3A_699 = arith.addf %parallel_loop3A_641, %parallel_loop3A_698 : vector<16xf32>
        %parallel_loop3A_700 = arith.constant 10 : i32
        %parallel_loop3A_701 = arith.muli %parallel_loop3A_296, %parallel_loop3A_700 : i32
        %parallel_loop3A_702 = arith.constant 7 : i32
        %parallel_loop3A_703 = arith.addi %parallel_loop3A_701, %parallel_loop3A_702 : i32
        %parallel_loop3A_704 = arith.index_cast %and3A_214 : i32 to index
        %parallel_loop3A_705 = arith.index_cast %parallel_loop3A_703 : i32 to index
        %parallel_loop3A_706 = arith.constant 0 : index
        %parallel_loop3A_707 = tpu.vector_load %arg8[%parallel_loop3A_704, %parallel_loop3A_705, %parallel_loop3A_706] {strides = array<i32>} : memref<2x400x128xf32, #tpu.memory_space<vmem>>, vector<16xf32>,
        %parallel_loop3A_708 = arith.mulf %parallel_loop3A_698, %parallel_loop3A_707 : vector<16xf32>
        %parallel_loop3A_709 = arith.addf %parallel_loop3A_651, %parallel_loop3A_708 : vector<16xf32>
        %parallel_loop3A_710 = arith.index_cast %and3A_214 : i32 to index
        %parallel_loop3A_711 = arith.index_cast %parallel_loop3A_703 : i32 to index
        %parallel_loop3A_712 = arith.constant 16 : index
        %parallel_loop3A_713 = tpu.vector_load %arg8[%parallel_loop3A_710, %parallel_loop3A_711, %parallel_loop3A_712] {strides = array<i32>} : memref<2x400x128xf32, #tpu.memory_space<vmem>>, vector<16xf32>,
        %parallel_loop3A_714 = arith.mulf %parallel_loop3A_698, %parallel_loop3A_713 : vector<16xf32>
        %parallel_loop3A_715 = arith.addf %parallel_loop3A_657, %parallel_loop3A_714 : vector<16xf32>
        %parallel_loop3A_716 = arith.index_cast %and3A_214 : i32 to index
        %parallel_loop3A_717 = arith.index_cast %parallel_loop3A_703 : i32 to index
        %parallel_loop3A_718 = arith.constant 32 : index
        %parallel_loop3A_719 = tpu.vector_load %arg8[%parallel_loop3A_716, %parallel_loop3A_717, %parallel_loop3A_718] {strides = array<i32>} : memref<2x400x128xf32, #tpu.memory_space<vmem>>, vector<16xf32>,
        %parallel_loop3A_720 = arith.mulf %parallel_loop3A_698, %parallel_loop3A_719 : vector<16xf32>
        %parallel_loop3A_721 = arith.addf %parallel_loop3A_663, %parallel_loop3A_720 : vector<16xf32>
        %parallel_loop3A_722 = arith.index_cast %and3A_214 : i32 to index
        %parallel_loop3A_723 = arith.index_cast %parallel_loop3A_703 : i32 to index
        %parallel_loop3A_724 = arith.constant 48 : index
        %parallel_loop3A_725 = tpu.vector_load %arg8[%parallel_loop3A_722, %parallel_loop3A_723, %parallel_loop3A_724] {strides = array<i32>} : memref<2x400x128xf32, #tpu.memory_space<vmem>>, vector<16xf32>,
        %parallel_loop3A_726 = arith.mulf %parallel_loop3A_698, %parallel_loop3A_725 : vector<16xf32>
        %parallel_loop3A_727 = arith.addf %parallel_loop3A_669, %parallel_loop3A_726 : vector<16xf32>
        %parallel_loop3A_728 = arith.index_cast %and3A_214 : i32 to index
        %parallel_loop3A_729 = arith.index_cast %parallel_loop3A_703 : i32 to index
        %parallel_loop3A_730 = arith.constant 64 : index
        %parallel_loop3A_731 = tpu.vector_load %arg8[%parallel_loop3A_728, %parallel_loop3A_729, %parallel_loop3A_730] {strides = array<i32>} : memref<2x400x128xf32, #tpu.memory_space<vmem>>, vector<16xf32>,
        %parallel_loop3A_732 = arith.mulf %parallel_loop3A_698, %parallel_loop3A_731 : vector<16xf32>
        %parallel_loop3A_733 = arith.addf %parallel_loop3A_675, %parallel_loop3A_732 : vector<16xf32>
        %parallel_loop3A_734 = arith.index_cast %and3A_214 : i32 to index
        %parallel_loop3A_735 = arith.index_cast %parallel_loop3A_703 : i32 to index
        %parallel_loop3A_736 = arith.constant 80 : index
        %parallel_loop3A_737 = tpu.vector_load %arg8[%parallel_loop3A_734, %parallel_loop3A_735, %parallel_loop3A_736] {strides = array<i32>} : memref<2x400x128xf32, #tpu.memory_space<vmem>>, vector<16xf32>,
        %parallel_loop3A_738 = arith.mulf %parallel_loop3A_698, %parallel_loop3A_737 : vector<16xf32>
        %parallel_loop3A_739 = arith.addf %parallel_loop3A_681, %parallel_loop3A_738 : vector<16xf32>
        %parallel_loop3A_740 = arith.index_cast %and3A_214 : i32 to index
        %parallel_loop3A_741 = arith.index_cast %parallel_loop3A_703 : i32 to index
        %parallel_loop3A_742 = arith.constant 96 : index
        %parallel_loop3A_743 = tpu.vector_load %arg8[%parallel_loop3A_740, %parallel_loop3A_741, %parallel_loop3A_742] {strides = array<i32>} : memref<2x400x128xf32, #tpu.memory_space<vmem>>, vector<16xf32>,
        %parallel_loop3A_744 = arith.mulf %parallel_loop3A_698, %parallel_loop3A_743 : vector<16xf32>
        %parallel_loop3A_745 = arith.addf %parallel_loop3A_687, %parallel_loop3A_744 : vector<16xf32>
        %parallel_loop3A_746 = arith.index_cast %and3A_214 : i32 to index
        %parallel_loop3A_747 = arith.index_cast %parallel_loop3A_703 : i32 to index
        %parallel_loop3A_748 = arith.constant 112 : index
        %parallel_loop3A_749 = tpu.vector_load %arg8[%parallel_loop3A_746, %parallel_loop3A_747, %parallel_loop3A_748] {strides = array<i32>} : memref<2x400x128xf32, #tpu.memory_space<vmem>>, vector<16xf32>,
        %parallel_loop3A_750 = arith.mulf %parallel_loop3A_698, %parallel_loop3A_749 : vector<16xf32>
        %parallel_loop3A_751 = arith.addf %parallel_loop3A_693, %parallel_loop3A_750 : vector<16xf32>
        %parallel_loop3A_752 = vector.broadcast %and3A_214 : i32 to vector<16xi32>
        %parallel_loop3A_753 = vector.broadcast %parallel_loop3A_296 : i32 to vector<16xi32>
        %parallel_loop3A_754 = arith.constant 8 : i32
        %parallel_loop3A_755 = vector.broadcast %parallel_loop3A_754 : i32 to vector<16xi32>
        %parallel_loop3A_756 = tpu.vector_load_idx %arg7[%parallel_loop3A_752, %parallel_loop3A_753, %parallel_loop3A_755] : memref<2x40x16xf32, #tpu.memory_space<vmem>>[vector<16xi32>, vector<16xi32>, vector<16xi32>], vector<16xf32>,
        %parallel_loop3A_757 = arith.addf %parallel_loop3A_699, %parallel_loop3A_756 : vector<16xf32>
        %parallel_loop3A_758 = arith.constant 10 : i32
        %parallel_loop3A_759 = arith.muli %parallel_loop3A_296, %parallel_loop3A_758 : i32
        %parallel_loop3A_760 = arith.constant 8 : i32
        %parallel_loop3A_761 = arith.addi %parallel_loop3A_759, %parallel_loop3A_760 : i32
        %parallel_loop3A_762 = arith.index_cast %and3A_214 : i32 to index
        %parallel_loop3A_763 = arith.index_cast %parallel_loop3A_761 : i32 to index
        %parallel_loop3A_764 = arith.constant 0 : index
        %parallel_loop3A_765 = tpu.vector_load %arg8[%parallel_loop3A_762, %parallel_loop3A_763, %parallel_loop3A_764] {strides = array<i32>} : memref<2x400x128xf32, #tpu.memory_space<vmem>>, vector<16xf32>,
        %parallel_loop3A_766 = arith.mulf %parallel_loop3A_756, %parallel_loop3A_765 : vector<16xf32>
        %parallel_loop3A_767 = arith.addf %parallel_loop3A_709, %parallel_loop3A_766 : vector<16xf32>
        %parallel_loop3A_768 = arith.index_cast %and3A_214 : i32 to index
        %parallel_loop3A_769 = arith.index_cast %parallel_loop3A_761 : i32 to index
        %parallel_loop3A_770 = arith.constant 16 : index
        %parallel_loop3A_771 = tpu.vector_load %arg8[%parallel_loop3A_768, %parallel_loop3A_769, %parallel_loop3A_770] {strides = array<i32>} : memref<2x400x128xf32, #tpu.memory_space<vmem>>, vector<16xf32>,
        %parallel_loop3A_772 = arith.mulf %parallel_loop3A_756, %parallel_loop3A_771 : vector<16xf32>
        %parallel_loop3A_773 = arith.addf %parallel_loop3A_715, %parallel_loop3A_772 : vector<16xf32>
        %parallel_loop3A_774 = arith.index_cast %and3A_214 : i32 to index
        %parallel_loop3A_775 = arith.index_cast %parallel_loop3A_761 : i32 to index
        %parallel_loop3A_776 = arith.constant 32 : index
        %parallel_loop3A_777 = tpu.vector_load %arg8[%parallel_loop3A_774, %parallel_loop3A_775, %parallel_loop3A_776] {strides = array<i32>} : memref<2x400x128xf32, #tpu.memory_space<vmem>>, vector<16xf32>,
        %parallel_loop3A_778 = arith.mulf %parallel_loop3A_756, %parallel_loop3A_777 : vector<16xf32>
        %parallel_loop3A_779 = arith.addf %parallel_loop3A_721, %parallel_loop3A_778 : vector<16xf32>
        %parallel_loop3A_780 = arith.index_cast %and3A_214 : i32 to index
        %parallel_loop3A_781 = arith.index_cast %parallel_loop3A_761 : i32 to index
        %parallel_loop3A_782 = arith.constant 48 : index
        %parallel_loop3A_783 = tpu.vector_load %arg8[%parallel_loop3A_780, %parallel_loop3A_781, %parallel_loop3A_782] {strides = array<i32>} : memref<2x400x128xf32, #tpu.memory_space<vmem>>, vector<16xf32>,
        %parallel_loop3A_784 = arith.mulf %parallel_loop3A_756, %parallel_loop3A_783 : vector<16xf32>
        %parallel_loop3A_785 = arith.addf %parallel_loop3A_727, %parallel_loop3A_784 : vector<16xf32>
        %parallel_loop3A_786 = arith.index_cast %and3A_214 : i32 to index
        %parallel_loop3A_787 = arith.index_cast %parallel_loop3A_761 : i32 to index
        %parallel_loop3A_788 = arith.constant 64 : index
        %parallel_loop3A_789 = tpu.vector_load %arg8[%parallel_loop3A_786, %parallel_loop3A_787, %parallel_loop3A_788] {strides = array<i32>} : memref<2x400x128xf32, #tpu.memory_space<vmem>>, vector<16xf32>,
        %parallel_loop3A_790 = arith.mulf %parallel_loop3A_756, %parallel_loop3A_789 : vector<16xf32>
        %parallel_loop3A_791 = arith.addf %parallel_loop3A_733, %parallel_loop3A_790 : vector<16xf32>
        %parallel_loop3A_792 = arith.index_cast %and3A_214 : i32 to index
        %parallel_loop3A_793 = arith.index_cast %parallel_loop3A_761 : i32 to index
        %parallel_loop3A_794 = arith.constant 80 : index
        %parallel_loop3A_795 = tpu.vector_load %arg8[%parallel_loop3A_792, %parallel_loop3A_793, %parallel_loop3A_794] {strides = array<i32>} : memref<2x400x128xf32, #tpu.memory_space<vmem>>, vector<16xf32>,
        %parallel_loop3A_796 = arith.mulf %parallel_loop3A_756, %parallel_loop3A_795 : vector<16xf32>
        %parallel_loop3A_797 = arith.addf %parallel_loop3A_739, %parallel_loop3A_796 : vector<16xf32>
        %parallel_loop3A_798 = arith.index_cast %and3A_214 : i32 to index
        %parallel_loop3A_799 = arith.index_cast %parallel_loop3A_761 : i32 to index
        %parallel_loop3A_800 = arith.constant 96 : index
        %parallel_loop3A_801 = tpu.vector_load %arg8[%parallel_loop3A_798, %parallel_loop3A_799, %parallel_loop3A_800] {strides = array<i32>} : memref<2x400x128xf32, #tpu.memory_space<vmem>>, vector<16xf32>,
        %parallel_loop3A_802 = arith.mulf %parallel_loop3A_756, %parallel_loop3A_801 : vector<16xf32>
        %parallel_loop3A_803 = arith.addf %parallel_loop3A_745, %parallel_loop3A_802 : vector<16xf32>
        %parallel_loop3A_804 = arith.index_cast %and3A_214 : i32 to index
        %parallel_loop3A_805 = arith.index_cast %parallel_loop3A_761 : i32 to index
        %parallel_loop3A_806 = arith.constant 112 : index
        %parallel_loop3A_807 = tpu.vector_load %arg8[%parallel_loop3A_804, %parallel_loop3A_805, %parallel_loop3A_806] {strides = array<i32>} : memref<2x400x128xf32, #tpu.memory_space<vmem>>, vector<16xf32>,
        %parallel_loop3A_808 = arith.mulf %parallel_loop3A_756, %parallel_loop3A_807 : vector<16xf32>
        %parallel_loop3A_809 = arith.addf %parallel_loop3A_751, %parallel_loop3A_808 : vector<16xf32>
        %parallel_loop3A_810 = vector.broadcast %and3A_214 : i32 to vector<16xi32>
        %parallel_loop3A_811 = vector.broadcast %parallel_loop3A_296 : i32 to vector<16xi32>
        %parallel_loop3A_812 = arith.constant 9 : i32
        %parallel_loop3A_813 = vector.broadcast %parallel_loop3A_812 : i32 to vector<16xi32>
        %parallel_loop3A_814 = tpu.vector_load_idx %arg7[%parallel_loop3A_810, %parallel_loop3A_811, %parallel_loop3A_813] : memref<2x40x16xf32, #tpu.memory_space<vmem>>[vector<16xi32>, vector<16xi32>, vector<16xi32>], vector<16xf32>,
        %parallel_loop3A_815 = arith.addf %parallel_loop3A_757, %parallel_loop3A_814 : vector<16xf32>
        %parallel_loop3A_816 = arith.constant 10 : i32
        %parallel_loop3A_817 = arith.muli %parallel_loop3A_296, %parallel_loop3A_816 : i32
        %parallel_loop3A_818 = arith.constant 9 : i32
        %parallel_loop3A_819 = arith.addi %parallel_loop3A_817, %parallel_loop3A_818 : i32
        %parallel_loop3A_820 = arith.index_cast %and3A_214 : i32 to index
        %parallel_loop3A_821 = arith.index_cast %parallel_loop3A_819 : i32 to index
        %parallel_loop3A_822 = arith.constant 0 : index
        %parallel_loop3A_823 = tpu.vector_load %arg8[%parallel_loop3A_820, %parallel_loop3A_821, %parallel_loop3A_822] {strides = array<i32>} : memref<2x400x128xf32, #tpu.memory_space<vmem>>, vector<16xf32>,
        %parallel_loop3A_824 = arith.mulf %parallel_loop3A_814, %parallel_loop3A_823 : vector<16xf32>
        %parallel_loop3A_825 = arith.addf %parallel_loop3A_767, %parallel_loop3A_824 : vector<16xf32>
        %parallel_loop3A_826 = arith.index_cast %and3A_214 : i32 to index
        %parallel_loop3A_827 = arith.index_cast %parallel_loop3A_819 : i32 to index
        %parallel_loop3A_828 = arith.constant 16 : index
        %parallel_loop3A_829 = tpu.vector_load %arg8[%parallel_loop3A_826, %parallel_loop3A_827, %parallel_loop3A_828] {strides = array<i32>} : memref<2x400x128xf32, #tpu.memory_space<vmem>>, vector<16xf32>,
        %parallel_loop3A_830 = arith.mulf %parallel_loop3A_814, %parallel_loop3A_829 : vector<16xf32>
        %parallel_loop3A_831 = arith.addf %parallel_loop3A_773, %parallel_loop3A_830 : vector<16xf32>
        %parallel_loop3A_832 = arith.index_cast %and3A_214 : i32 to index
        %parallel_loop3A_833 = arith.index_cast %parallel_loop3A_819 : i32 to index
        %parallel_loop3A_834 = arith.constant 32 : index
        %parallel_loop3A_835 = tpu.vector_load %arg8[%parallel_loop3A_832, %parallel_loop3A_833, %parallel_loop3A_834] {strides = array<i32>} : memref<2x400x128xf32, #tpu.memory_space<vmem>>, vector<16xf32>,
        %parallel_loop3A_836 = arith.mulf %parallel_loop3A_814, %parallel_loop3A_835 : vector<16xf32>
        %parallel_loop3A_837 = arith.addf %parallel_loop3A_779, %parallel_loop3A_836 : vector<16xf32>
        %parallel_loop3A_838 = arith.index_cast %and3A_214 : i32 to index
        %parallel_loop3A_839 = arith.index_cast %parallel_loop3A_819 : i32 to index
        %parallel_loop3A_840 = arith.constant 48 : index
        %parallel_loop3A_841 = tpu.vector_load %arg8[%parallel_loop3A_838, %parallel_loop3A_839, %parallel_loop3A_840] {strides = array<i32>} : memref<2x400x128xf32, #tpu.memory_space<vmem>>, vector<16xf32>,
        %parallel_loop3A_842 = arith.mulf %parallel_loop3A_814, %parallel_loop3A_841 : vector<16xf32>
        %parallel_loop3A_843 = arith.addf %parallel_loop3A_785, %parallel_loop3A_842 : vector<16xf32>
        %parallel_loop3A_844 = arith.index_cast %and3A_214 : i32 to index
        %parallel_loop3A_845 = arith.index_cast %parallel_loop3A_819 : i32 to index
        %parallel_loop3A_846 = arith.constant 64 : index
        %parallel_loop3A_847 = tpu.vector_load %arg8[%parallel_loop3A_844, %parallel_loop3A_845, %parallel_loop3A_846] {strides = array<i32>} : memref<2x400x128xf32, #tpu.memory_space<vmem>>, vector<16xf32>,
        %parallel_loop3A_848 = arith.mulf %parallel_loop3A_814, %parallel_loop3A_847 : vector<16xf32>
        %parallel_loop3A_849 = arith.addf %parallel_loop3A_791, %parallel_loop3A_848 : vector<16xf32>
        %parallel_loop3A_850 = arith.index_cast %and3A_214 : i32 to index
        %parallel_loop3A_851 = arith.index_cast %parallel_loop3A_819 : i32 to index
        %parallel_loop3A_852 = arith.constant 80 : index
        %parallel_loop3A_853 = tpu.vector_load %arg8[%parallel_loop3A_850, %parallel_loop3A_851, %parallel_loop3A_852] {strides = array<i32>} : memref<2x400x128xf32, #tpu.memory_space<vmem>>, vector<16xf32>,
        %parallel_loop3A_854 = arith.mulf %parallel_loop3A_814, %parallel_loop3A_853 : vector<16xf32>
        %parallel_loop3A_855 = arith.addf %parallel_loop3A_797, %parallel_loop3A_854 : vector<16xf32>
        %parallel_loop3A_856 = arith.index_cast %and3A_214 : i32 to index
        %parallel_loop3A_857 = arith.index_cast %parallel_loop3A_819 : i32 to index
        %parallel_loop3A_858 = arith.constant 96 : index
        %parallel_loop3A_859 = tpu.vector_load %arg8[%parallel_loop3A_856, %parallel_loop3A_857, %parallel_loop3A_858] {strides = array<i32>} : memref<2x400x128xf32, #tpu.memory_space<vmem>>, vector<16xf32>,
        %parallel_loop3A_860 = arith.mulf %parallel_loop3A_814, %parallel_loop3A_859 : vector<16xf32>
        %parallel_loop3A_861 = arith.addf %parallel_loop3A_803, %parallel_loop3A_860 : vector<16xf32>
        %parallel_loop3A_862 = arith.index_cast %and3A_214 : i32 to index
        %parallel_loop3A_863 = arith.index_cast %parallel_loop3A_819 : i32 to index
        %parallel_loop3A_864 = arith.constant 112 : index
        %parallel_loop3A_865 = tpu.vector_load %arg8[%parallel_loop3A_862, %parallel_loop3A_863, %parallel_loop3A_864] {strides = array<i32>} : memref<2x400x128xf32, #tpu.memory_space<vmem>>, vector<16xf32>,
        %parallel_loop3A_866 = arith.mulf %parallel_loop3A_814, %parallel_loop3A_865 : vector<16xf32>
        %parallel_loop3A_867 = arith.addf %parallel_loop3A_809, %parallel_loop3A_866 : vector<16xf32>
        %parallel_loop3A_868 = arith.constant 1.000000e+00 : f32
        %parallel_loop3A_869 = vector.broadcast %parallel_loop3A_868 : f32 to vector<16xf32>
        %parallel_loop3A_870 = arith.divf %parallel_loop3A_869, %parallel_loop3A_815 : vector<16xf32>
        %parallel_loop3A_871 = arith.mulf %parallel_loop3A_825, %parallel_loop3A_870 : vector<16xf32>
        %parallel_loop3A_872 = arith.index_cast %and3A_214 : i32 to index
        %parallel_loop3A_873 = arith.index_cast %parallel_loop3A_296 : i32 to index
        %parallel_loop3A_874 = arith.constant 0 : index
        %parallel_loop3A_875 = tpu.vector_load %arg9[%parallel_loop3A_872, %parallel_loop3A_873, %parallel_loop3A_874] {strides = array<i32>} : memref<2x40x128xf32, #tpu.memory_space<vmem>>, vector<16xf32>,
        tpu.vector_store %arg9[%parallel_loop3A_872, %parallel_loop3A_873, %parallel_loop3A_874], %parallel_loop3A_871 {strides = array<i32>} : memref<2x40x128xf32, #tpu.memory_space<vmem>>, vector<16xf32>,
        %parallel_loop3A_876 = arith.mulf %parallel_loop3A_831, %parallel_loop3A_870 : vector<16xf32>
        %parallel_loop3A_877 = arith.index_cast %and3A_214 : i32 to index
        %parallel_loop3A_878 = arith.index_cast %parallel_loop3A_296 : i32 to index
        %parallel_loop3A_879 = arith.constant 16 : index
        %parallel_loop3A_880 = tpu.vector_load %arg9[%parallel_loop3A_877, %parallel_loop3A_878, %parallel_loop3A_879] {strides = array<i32>} : memref<2x40x128xf32, #tpu.memory_space<vmem>>, vector<16xf32>,
        tpu.vector_store %arg9[%parallel_loop3A_877, %parallel_loop3A_878, %parallel_loop3A_879], %parallel_loop3A_876 {strides = array<i32>} : memref<2x40x128xf32, #tpu.memory_space<vmem>>, vector<16xf32>,
        %parallel_loop3A_881 = arith.mulf %parallel_loop3A_837, %parallel_loop3A_870 : vector<16xf32>
        %parallel_loop3A_882 = arith.index_cast %and3A_214 : i32 to index
        %parallel_loop3A_883 = arith.index_cast %parallel_loop3A_296 : i32 to index
        %parallel_loop3A_884 = arith.constant 32 : index
        %parallel_loop3A_885 = tpu.vector_load %arg9[%parallel_loop3A_882, %parallel_loop3A_883, %parallel_loop3A_884] {strides = array<i32>} : memref<2x40x128xf32, #tpu.memory_space<vmem>>, vector<16xf32>,
        tpu.vector_store %arg9[%parallel_loop3A_882, %parallel_loop3A_883, %parallel_loop3A_884], %parallel_loop3A_881 {strides = array<i32>} : memref<2x40x128xf32, #tpu.memory_space<vmem>>, vector<16xf32>,
        %parallel_loop3A_886 = arith.mulf %parallel_loop3A_843, %parallel_loop3A_870 : vector<16xf32>
        %parallel_loop3A_887 = arith.index_cast %and3A_214 : i32 to index
        %parallel_loop3A_888 = arith.index_cast %parallel_loop3A_296 : i32 to index
        %parallel_loop3A_889 = arith.constant 48 : index
        %parallel_loop3A_890 = tpu.vector_load %arg9[%parallel_loop3A_887, %parallel_loop3A_888, %parallel_loop3A_889] {strides = array<i32>} : memref<2x40x128xf32, #tpu.memory_space<vmem>>, vector<16xf32>,
        tpu.vector_store %arg9[%parallel_loop3A_887, %parallel_loop3A_888, %parallel_loop3A_889], %parallel_loop3A_886 {strides = array<i32>} : memref<2x40x128xf32, #tpu.memory_space<vmem>>, vector<16xf32>,
        %parallel_loop3A_891 = arith.mulf %parallel_loop3A_849, %parallel_loop3A_870 : vector<16xf32>
        %parallel_loop3A_892 = arith.index_cast %and3A_214 : i32 to index
        %parallel_loop3A_893 = arith.index_cast %parallel_loop3A_296 : i32 to index
        %parallel_loop3A_894 = arith.constant 64 : index
        %parallel_loop3A_895 = tpu.vector_load %arg9[%parallel_loop3A_892, %parallel_loop3A_893, %parallel_loop3A_894] {strides = array<i32>} : memref<2x40x128xf32, #tpu.memory_space<vmem>>, vector<16xf32>,
        tpu.vector_store %arg9[%parallel_loop3A_892, %parallel_loop3A_893, %parallel_loop3A_894], %parallel_loop3A_891 {strides = array<i32>} : memref<2x40x128xf32, #tpu.memory_space<vmem>>, vector<16xf32>,
        %parallel_loop3A_896 = arith.mulf %parallel_loop3A_855, %parallel_loop3A_870 : vector<16xf32>
        %parallel_loop3A_897 = arith.index_cast %and3A_214 : i32 to index
        %parallel_loop3A_898 = arith.index_cast %parallel_loop3A_296 : i32 to index
        %parallel_loop3A_899 = arith.constant 80 : index
        %parallel_loop3A_900 = tpu.vector_load %arg9[%parallel_loop3A_897, %parallel_loop3A_898, %parallel_loop3A_899] {strides = array<i32>} : memref<2x40x128xf32, #tpu.memory_space<vmem>>, vector<16xf32>,
        tpu.vector_store %arg9[%parallel_loop3A_897, %parallel_loop3A_898, %parallel_loop3A_899], %parallel_loop3A_896 {strides = array<i32>} : memref<2x40x128xf32, #tpu.memory_space<vmem>>, vector<16xf32>,
        %parallel_loop3A_901 = arith.mulf %parallel_loop3A_861, %parallel_loop3A_870 : vector<16xf32>
        %parallel_loop3A_902 = arith.index_cast %and3A_214 : i32 to index
        %parallel_loop3A_903 = arith.index_cast %parallel_loop3A_296 : i32 to index
        %parallel_loop3A_904 = arith.constant 96 : index
        %parallel_loop3A_905 = tpu.vector_load %arg9[%parallel_loop3A_902, %parallel_loop3A_903, %parallel_loop3A_904] {strides = array<i32>} : memref<2x40x128xf32, #tpu.memory_space<vmem>>, vector<16xf32>,
        tpu.vector_store %arg9[%parallel_loop3A_902, %parallel_loop3A_903, %parallel_loop3A_904], %parallel_loop3A_901 {strides = array<i32>} : memref<2x40x128xf32, #tpu.memory_space<vmem>>, vector<16xf32>,
        %parallel_loop3A_906 = arith.mulf %parallel_loop3A_867, %parallel_loop3A_870 : vector<16xf32>
        %parallel_loop3A_907 = arith.index_cast %and3A_214 : i32 to index
        %parallel_loop3A_908 = arith.index_cast %parallel_loop3A_296 : i32 to index
        %parallel_loop3A_909 = arith.constant 112 : index
        %parallel_loop3A_910 = tpu.vector_load %arg9[%parallel_loop3A_907, %parallel_loop3A_908, %parallel_loop3A_909] {strides = array<i32>} : memref<2x40x128xf32, #tpu.memory_space<vmem>>, vector<16xf32>,
        tpu.vector_store %arg9[%parallel_loop3A_907, %parallel_loop3A_908, %parallel_loop3A_909], %parallel_loop3A_906 {strides = array<i32>} : memref<2x40x128xf32, #tpu.memory_space<vmem>>, vector<16xf32>,
      } {sc.loop_unroll_factor = 4 : i64, sc.parallel_access}
      %add3A_271 = arith.constant 2 : i32
      %add3A_272 = arith.addi %while3A_212, %add3A_271 : i32
      %lt3A_273 = arith.cmpi slt, %add3A_272, %add3A_4 : i32
      %convert_element_type3A_274 = arith.extui %lt3A_273 : i1 to i32
      %cond3A_275 = arith.constant 0 : i32
      %cond3A_276 = arith.cmpi ne, %convert_element_type3A_274, %cond3A_275 : i32
      scf.if %cond3A_276 {
        %add3A_296 = arith.constant 2 : i32
        %add3A_297 = arith.addi %while3A_212, %add3A_296 : i32
        %mul3A_298 = arith.constant 32 : i32
        %mul3A_299 = arith.muli %add3A_297, %mul3A_298 : i32
        %add3A_300 = arith.addi %mul3A_299, %add3A : i32
        %and3A_301 = arith.constant 1 : i32
        %and3A_302 = arith.andi %add3A_297, %and3A_301 : i32
        %dma_start3A_303 = arith.constant 0 : i32
        %dma_start3A_304 = arith.constant 0 : i32
        %dma_start3A_305 = tpu.memref_slice %arg6[%and3A_302, %dma_start3A_303, %dma_start3A_304] : memref<2x4x100xi32, #tpu.memory_space<vmem>> -> memref<1x4x100xi32, #tpu.memory_space<vmem>>
        %dma_start3A_306 = tpu.memref_squeeze %dma_start3A_305 : memref<1x4x100xi32, #tpu.memory_space<vmem>> -> memref<4x100xi32, #tpu.memory_space<vmem>>
        %dma_start3A_307 = arith.constant 0 : i32
        %dma_start3A_308 = arith.constant 0 : i32
        %dma_start3A_309 = tpu.memref_slice %arg2[%add3A_300, %dma_start3A_307, %dma_start3A_308] : memref<1250x4x100xi32, #tpu.memory_space<hbm>> -> memref<1x4x100xi32, #tpu.memory_space<hbm>>
        %dma_start3A_310 = tpu.memref_squeeze %dma_start3A_309 : memref<1x4x100xi32, #tpu.memory_space<hbm>> -> memref<4x100xi32, #tpu.memory_space<hbm>>
        %dma_start3A_311 = arith.constant 0 : i32
        %dma_start3A_312 = arith.constant 0 : i32
        %dma_start3A_313 = tpu.memref_slice %arg6[%and3A_302, %dma_start3A_311, %dma_start3A_312] : memref<2x4x100xi32, #tpu.memory_space<vmem>> -> memref<1x4x100xi32, #tpu.memory_space<vmem>>
        %dma_start3A_314 = tpu.memref_squeeze %dma_start3A_313 : memref<1x4x100xi32, #tpu.memory_space<vmem>> -> memref<4x100xi32, #tpu.memory_space<vmem>>
        %dma_start3A_315 = arith.constant 0 : i32
        %dma_start3A_316 = arith.constant 0 : i32
        %dma_start3A_317 = tpu.memref_slice %arg2[%add3A_300, %dma_start3A_315, %dma_start3A_316] : memref<1250x4x100xi32, #tpu.memory_space<hbm>> -> memref<1x4x100xi32, #tpu.memory_space<hbm>>
        %dma_start3A_318 = tpu.memref_squeeze %dma_start3A_317 : memref<1x4x100xi32, #tpu.memory_space<hbm>> -> memref<4x100xi32, #tpu.memory_space<hbm>>
        tpu.enqueue_dma source(%dma_start3A_318 : memref<4x100xi32, #tpu.memory_space<hbm>>) target(%dma_start3A_314 : memref<4x100xi32, #tpu.memory_space<vmem>>) target_semaphore(%arg10 : memref<!tpu.dma_semaphore, #tpu.memory_space<semaphore_mem>>)
        %dma_start3A_319 = arith.constant 0 : i32
        %dma_start3A_320 = arith.constant 0 : i32
        %dma_start3A_321 = tpu.memref_slice %arg7[%and3A_302, %dma_start3A_319, %dma_start3A_320] : memref<2x40x16xf32, #tpu.memory_space<vmem>> -> memref<1x40x16xf32, #tpu.memory_space<vmem>>
        %dma_start3A_322 = tpu.memref_squeeze %dma_start3A_321 : memref<1x40x16xf32, #tpu.memory_space<vmem>> -> memref<40x16xf32, #tpu.memory_space<vmem>>
        %dma_start3A_323 = arith.constant 0 : i32
        %dma_start3A_324 = arith.constant 0 : i32
        %dma_start3A_325 = tpu.memref_slice %arg3[%add3A_300, %dma_start3A_323, %dma_start3A_324] : memref<1250x40x16xf32, #tpu.memory_space<hbm>> -> memref<1x40x16xf32, #tpu.memory_space<hbm>>
        %dma_start3A_326 = tpu.memref_squeeze %dma_start3A_325 : memref<1x40x16xf32, #tpu.memory_space<hbm>> -> memref<40x16xf32, #tpu.memory_space<hbm>>
        %dma_start3A_327 = arith.constant 0 : i32
        %dma_start3A_328 = arith.constant 0 : i32
        %dma_start3A_329 = tpu.memref_slice %arg7[%and3A_302, %dma_start3A_327, %dma_start3A_328] : memref<2x40x16xf32, #tpu.memory_space<vmem>> -> memref<1x40x16xf32, #tpu.memory_space<vmem>>
        %dma_start3A_330 = tpu.memref_squeeze %dma_start3A_329 : memref<1x40x16xf32, #tpu.memory_space<vmem>> -> memref<40x16xf32, #tpu.memory_space<vmem>>
        %dma_start3A_331 = arith.constant 0 : i32
        %dma_start3A_332 = arith.constant 0 : i32
        %dma_start3A_333 = tpu.memref_slice %arg3[%add3A_300, %dma_start3A_331, %dma_start3A_332] : memref<1250x40x16xf32, #tpu.memory_space<hbm>> -> memref<1x40x16xf32, #tpu.memory_space<hbm>>
        %dma_start3A_334 = tpu.memref_squeeze %dma_start3A_333 : memref<1x40x16xf32, #tpu.memory_space<hbm>> -> memref<40x16xf32, #tpu.memory_space<hbm>>
        tpu.enqueue_dma source(%dma_start3A_334 : memref<40x16xf32, #tpu.memory_space<hbm>>) target(%dma_start3A_330 : memref<40x16xf32, #tpu.memory_space<vmem>>) target_semaphore(%arg10 : memref<!tpu.dma_semaphore, #tpu.memory_space<semaphore_mem>>)
      } else {
      }
      %mul3A_277 = arith.constant 32 : i32
      %mul3A_278 = arith.muli %while3A_212, %mul3A_277 : i32
      %add3A_279 = arith.addi %mul3A_278, %add3A : i32
      %and3A_280 = arith.constant 1 : i32
      %and3A_281 = arith.andi %while3A_212, %and3A_280 : i32
      %mul3A_282 = arith.constant 40 : i32
      %mul3A_283 = arith.muli %add3A_279, %mul3A_282 : i32
      %dma_start3A_284 = arith.constant 0 : i32
      %dma_start3A_285 = arith.constant 0 : i32
      %dma_start3A_286 = tpu.memref_slice %arg9[%and3A_281, %dma_start3A_284, %dma_start3A_285] : memref<2x40x128xf32, #tpu.memory_space<vmem>> -> memref<1x40x128xf32, #tpu.memory_space<vmem>>
      %dma_start3A_287 = tpu.memref_squeeze %dma_start3A_286 : memref<1x40x128xf32, #tpu.memory_space<vmem>> -> memref<40x128xf32, #tpu.memory_space<vmem>>
      %dma_start3A_288 = arith.constant 0 : i32
      %dma_start3A_289 = tpu.memref_slice %arg5[%mul3A_283, %dma_start3A_288] : memref<50000x128xf32, #tpu.memory_space<hbm>> -> memref<40x128xf32, #tpu.memory_space<hbm>>
      %dma_start3A_290 = arith.constant 0 : i32
      %dma_start3A_291 = tpu.memref_slice %arg5[%mul3A_283, %dma_start3A_290] : memref<50000x128xf32, #tpu.memory_space<hbm>> -> memref<40x128xf32, #tpu.memory_space<hbm>>
      %dma_start3A_292 = arith.constant 0 : i32
      %dma_start3A_293 = arith.constant 0 : i32
      %dma_start3A_294 = tpu.memref_slice %arg9[%and3A_281, %dma_start3A_292, %dma_start3A_293] : memref<2x40x128xf32, #tpu.memory_space<vmem>> -> memref<1x40x128xf32, #tpu.memory_space<vmem>>
      %dma_start3A_295 = tpu.memref_squeeze %dma_start3A_294 : memref<1x40x128xf32, #tpu.memory_space<vmem>> -> memref<40x128xf32, #tpu.memory_space<vmem>>
      tpu.enqueue_dma source(%dma_start3A_295 : memref<40x128xf32, #tpu.memory_space<vmem>>) target(%dma_start3A_291 : memref<40x128xf32, #tpu.memory_space<hbm>>) target_semaphore(%arg12 : memref<!tpu.dma_semaphore, #tpu.memory_space<semaphore_mem>>)
    }
    %sub3A = arith.constant 2 : i32
    %sub3A_172 = arith.subi %add3A_4, %sub3A : i32
    %mul3A_173 = arith.constant 32 : i32
    %mul3A_174 = arith.muli %sub3A_172, %mul3A_173 : i32
    %add3A_175 = arith.addi %mul3A_174, %add3A : i32
    %and3A = arith.constant 1 : i32
    %and3A_176 = arith.andi %sub3A_172, %and3A : i32
    %mul3A_177 = arith.constant 40 : i32
    %mul3A_178 = arith.muli %add3A_175, %mul3A_177 : i32
    %dma_wait3A_179 = arith.constant 0 : i32
    %dma_wait3A_180 = arith.constant 0 : i32
    %dma_wait3A_181 = tpu.memref_slice %arg9[%and3A_176, %dma_wait3A_179, %dma_wait3A_180] : memref<2x40x128xf32, #tpu.memory_space<vmem>> -> memref<1x40x128xf32, #tpu.memory_space<vmem>>
    %dma_wait3A_182 = tpu.memref_squeeze %dma_wait3A_181 : memref<1x40x128xf32, #tpu.memory_space<vmem>> -> memref<40x128xf32, #tpu.memory_space<vmem>>
    %dma_wait3A_183 = arith.constant 0 : i32
    %dma_wait3A_184 = tpu.memref_slice %arg5[%mul3A_178, %dma_wait3A_183] : memref<50000x128xf32, #tpu.memory_space<hbm>> -> memref<40x128xf32, #tpu.memory_space<hbm>>
    %dma_wait3A_185 = arith.constant 0 : i32
    %dma_wait3A_186 = tpu.memref_slice %arg5[%mul3A_178, %dma_wait3A_185] : memref<50000x128xf32, #tpu.memory_space<hbm>> -> memref<40x128xf32, #tpu.memory_space<hbm>>
    %dma_wait3A_187 = arith.constant 0 : i32
    %dma_wait3A_188 = arith.constant 0 : i32
    %dma_wait3A_189 = tpu.memref_slice %arg9[%and3A_176, %dma_wait3A_187, %dma_wait3A_188] : memref<2x40x128xf32, #tpu.memory_space<vmem>> -> memref<1x40x128xf32, #tpu.memory_space<vmem>>
    %dma_wait3A_190 = tpu.memref_squeeze %dma_wait3A_189 : memref<1x40x128xf32, #tpu.memory_space<vmem>> -> memref<40x128xf32, #tpu.memory_space<vmem>>
    tpu.wait_dma2 semaphore(%arg12 : memref<!tpu.dma_semaphore, #tpu.memory_space<semaphore_mem>>) src(%dma_wait3A_190 : memref<40x128xf32, #tpu.memory_space<vmem>>) dst(%dma_wait3A_186 : memref<40x128xf32, #tpu.memory_space<hbm>>)
    %sub3A_191 = arith.constant 1 : i32
    %sub3A_192 = arith.subi %add3A_4, %sub3A_191 : i32
    %mul3A_193 = arith.constant 32 : i32
    %mul3A_194 = arith.muli %sub3A_192, %mul3A_193 : i32
    %add3A_195 = arith.addi %mul3A_194, %add3A : i32
    %and3A_196 = arith.constant 1 : i32
    %and3A_197 = arith.andi %sub3A_192, %and3A_196 : i32
    %mul3A_198 = arith.constant 40 : i32
    %mul3A_199 = arith.muli %add3A_195, %mul3A_198 : i32
    %dma_wait3A_200 = arith.constant 0 : i32
    %dma_wait3A_201 = arith.constant 0 : i32
    %dma_wait3A_202 = tpu.memref_slice %arg9[%and3A_197, %dma_wait3A_200, %dma_wait3A_201] : memref<2x40x128xf32, #tpu.memory_space<vmem>> -> memref<1x40x128xf32, #tpu.memory_space<vmem>>
    %dma_wait3A_203 = tpu.memref_squeeze %dma_wait3A_202 : memref<1x40x128xf32, #tpu.memory_space<vmem>> -> memref<40x128xf32, #tpu.memory_space<vmem>>
    %dma_wait3A_204 = arith.constant 0 : i32
    %dma_wait3A_205 = tpu.memref_slice %arg5[%mul3A_199, %dma_wait3A_204] : memref<50000x128xf32, #tpu.memory_space<hbm>> -> memref<40x128xf32, #tpu.memory_space<hbm>>
    %dma_wait3A_206 = arith.constant 0 : i32
    %dma_wait3A_207 = tpu.memref_slice %arg5[%mul3A_199, %dma_wait3A_206] : memref<50000x128xf32, #tpu.memory_space<hbm>> -> memref<40x128xf32, #tpu.memory_space<hbm>>
    %dma_wait3A_208 = arith.constant 0 : i32
    %dma_wait3A_209 = arith.constant 0 : i32
    %dma_wait3A_210 = tpu.memref_slice %arg9[%and3A_197, %dma_wait3A_208, %dma_wait3A_209] : memref<2x40x128xf32, #tpu.memory_space<vmem>> -> memref<1x40x128xf32, #tpu.memory_space<vmem>>
    %dma_wait3A_211 = tpu.memref_squeeze %dma_wait3A_210 : memref<1x40x128xf32, #tpu.memory_space<vmem>> -> memref<40x128xf32, #tpu.memory_space<vmem>>
    tpu.wait_dma2 semaphore(%arg12 : memref<!tpu.dma_semaphore, #tpu.memory_space<semaphore_mem>>) src(%dma_wait3A_211 : memref<40x128xf32, #tpu.memory_space<vmem>>) dst(%dma_wait3A_207 : memref<40x128xf32, #tpu.memory_space<hbm>>)
    return
  }
}

</mosaic_0001>

<sc_bundles>
// kernel: kernel.3.cloned.1.call-start
scs
__scs_entry_jumppad:
0x0: {  	(pc) =	sbr.rel $0x88, $3  }
0x1: {  	(tag) =	ssettag $0x0;
	lr =	simm.s32 $0x1  }
0x2: {  	[smem:$0x3F9E] =	sst lr;
	_ =	strace $0xD0000000  }
0x3: {  	_ = 	snop  }
0x4: {  	_ = 	snop  }
0x5: {  	_ = 	snop  }
0x6: {  	_ = 	snop  }
0x7: {  	_ = 	snop  }
__scs_overlays_trampoline_lowered:
0x8: {  	[smem:$0x3FAD] =	sst s0  }
0x9: {  	[smem:$0x3FAE] =	sst s1  }
0xa: {  	[smem:$0x3FAF] =	sst s2  }
0xb: {  	[smem:$0x3FB0] =	sst s3  }
0xc: {  	[smem:$0x3FB1] =	sst s4  }
0xd: {  	[smem:$0x3FB2] =	sst s5  }
0xe: {  	[smem:$0x3FB3] =	sst s6  }
0xf: {  	[smem:$0x3FB4] =	sst s7  }
0x10: {  	[smem:$0x3FB5] =	sst s8  }
0x11: {  	[smem:$0x3FB6] =	sst s9;
	s0 =	simm.s32 @!p0 $0x0  }
0x12: {  	s1 =	sld [smem:$0x3F9C];
	s0 =	simm.s32 @p0 $0x1  }
0x13: {  	[smem:$0x3FB7] =	sst s0;
	s0 =	simm.s32 @!p1 $0x0  }
0x14: {  	s2 =	sld [smem:$0x3F9B];
	s0 =	simm.s32 @p1 $0x1  }
0x15: {  	[smem:$0x3FB8] =	sst s0;
	s0 =	simm.s32 @!p2 $0x0  }
0x16: {  	s3 =	sld [smem:$0x3FDB];
	s0 =	simm.s32 @p2 $0x1  }
0x17: {  	s4 =	simm.s32 $0x1BF5;
	[smem:$0x3FBA] =	sst s0  }
0x18: {  	s0 =	sld [smem:$0x3F9D];
	_ =	swait.ge [sflag:s4], $0x0  }
0x19: {  	s7 =	sld [smem:$0x3F9E]  }
0x1a: {  	s8 =	sadd.s32 $0xFFFFE003, lr  }
0x1b: {  	s9 =	sadd.s32 $0xFFFFFEF7, lr;
	s5 =	simm.s32 $0xFFFFFFFF;
	p2 =	slt.u32 s8, $0xFFFFF086  }
0x1c: {  	p1 =	slt.u32 s9, $0xF7A;
	s5 =	simm.s32 @!p2 $0x0  }
0x1d: {  	s5 =	simm.s32 @p1 $0x1;
	p0 =	seq.s32 s7, s2  }
0x1e: {  	s7 =	smul.u32 @!p0 $0xF7A, s2;
	p2 =	seq.s32 @!p0 s5, $0x0  }
0x1f: {  	s9 =	smul.u32 $0xF7A, s1;
	s8 =	simm.s32 @!p0 $0x1BF5;
	p2 =	por !p2, p0  }
0x20: {  	[sflag:s8] =	ssyncset.s32 @!p0 $0xFFFFF086;
	s6 =	sadd.s32 @!p0 s3, s7;
	s7 =	simm.s32 @!p0 $0x108  }
0x21: {  	s3 =	sadd.s32 s3, s9;
	s6 =	sadd.s32 @!p0 $0x88, s6;
	s7 =	simm.s32 @p2 $0x1082  }
0x22: {  	[simem:s7], [sflag:s8] =	dma.local @!p0 [hbm:s6], $0xF7A  }
0x23: {  	s9 =	sor.u32 $0xD0000000, s2;
	s6 =	simm.s32 $0x108;
	_ =	swait.ge @!p0 [sflag:s8], $0x0  }
0x24: {  	s3 =	sadd.s32 $0x88, s3;
	s6 =	simm.s32 @!p1 $0x1082;
	[sflag:s4] =	ssyncset.s32 $0xFFFFF086  }
0x25: {  	[simem:s6], [sflag:s4] =	dma.local [hbm:s3], $0xF7A  }
0x26: {  	[smem:$0x3F9E] =	sst s1;
	(tag) =	ssettag s2;
	_ =	strace s9  }
0x27: {  	s1 =	sld [smem:$0x3FAE]  }
0x28: {  	s2 =	sld [smem:$0x3FAF]  }
0x29: {  	s4 =	sld [smem:$0x3FB1]  }
0x2a: {  	p0 =	seq.s32 s5, $0x0;
	s5 =	sld [smem:$0x3FB2]  }
0x2b: {  	s6 =	sld [smem:$0x3FB3]  }
0x2c: {  	s7 =	sld [smem:$0x3FB4]  }
0x2d: {  	s3 =	simm.s32 $0x108;
	s8 =	sld [smem:$0x3FB5]  }
0x2e: {  	s3 =	simm.s32 @!p0 $0x1082;
	s9 =	sld [smem:$0x3FB6]  }
0x2f: {  	lr =	sadd.s32 s0, s3;
	s0 =	sld [smem:$0x3FAD]  }
0x30: {  	s3 =	sld [smem:$0x3FB0]  }
0x31: {  	[smem:$0x3FB9] =	sst s10  }
0x32: {  	s10 =	sld [smem:$0x3FB7];
	_ =	sdelay $0x3  }
0x33: {  	p0 =	seq.s32 s10, $0x1;
	s10 =	sld [smem:$0x3FB9];
	_ =	sdelay $0x3  }
0x34: {  	[smem:$0x3FB9] =	sst s10  }
0x35: {  	s10 =	sld [smem:$0x3FB8];
	_ =	sdelay $0x3  }
0x36: {  	p1 =	seq.s32 s10, $0x1;
	s10 =	sld [smem:$0x3FB9];
	_ =	sdelay $0x3  }
0x37: {  	[smem:$0x3FB9] =	sst s10  }
0x38: {  	s10 =	sld [smem:$0x3FBA]  }
0x39: {  	_ = 	snop;
	(pc) =	sbr.ind lr, $3  }
0x3a: {  	_ = 	snop  }
0x3b: {  	_ = 	snop  }
0x3c: {  	p2 =	seq.s32 s10, $0x1;
	s10 =	sld [smem:$0x3FB9]  }
0x3d: {  	_ =	shalt  }
0x3e: {  	_ =	shalt  }
0x3f: {  	_ =	shalt  }
0x40: {  	_ =	shalt  }
0x41: {  	_ =	shalt  }
0x42: {  	_ =	shalt  }
0x43: {  	_ =	shalt  }
0x44: {  	_ =	shalt  }
0x45: {  	_ =	shalt  }
0x46: {  	_ =	shalt  }
0x47: {  	_ =	shalt  }
0x48: {  	_ =	shalt  }
0x49: {  	_ =	shalt  }
0x4a: {  	_ =	shalt  }
0x4b: {  	_ =	shalt  }
0x4c: {  	_ =	shalt  }
0x4d: {  	_ =	shalt  }
0x4e: {  	_ =	shalt  }
0x4f: {  	_ =	shalt  }
0x50: {  	_ =	shalt  }
0x51: {  	_ =	shalt  }
0x52: {  	_ =	shalt  }
0x53: {  	_ =	shalt  }
0x54: {  	_ =	shalt  }
0x55: {  	_ =	shalt  }
0x56: {  	_ =	shalt  }
0x57: {  	_ =	shalt  }
0x58: {  	_ =	shalt  }
0x59: {  	_ =	shalt  }
0x5a: {  	_ =	shalt  }
0x5b: {  	_ =	shalt  }
0x5c: {  	_ =	shalt  }
0x5d: {  	_ =	shalt  }
0x5e: {  	_ =	shalt  }
0x5f: {  	_ =	shalt  }
0x60: {  	_ =	shalt  }
0x61: {  	_ =	shalt  }
0x62: {  	_ =	shalt  }
0x63: {  	_ =	shalt  }
0x64: {  	_ =	shalt  }
0x65: {  	_ =	shalt  }
0x66: {  	_ =	shalt  }
0x67: {  	_ =	shalt  }
0x68: {  	_ =	shalt  }
0x69: {  	_ =	shalt  }
0x6a: {  	_ =	shalt  }
0x6b: {  	_ =	shalt  }
0x6c: {  	_ =	shalt  }
0x6d: {  	_ =	shalt  }
0x6e: {  	_ =	shalt  }
0x6f: {  	_ =	shalt  }
0x70: {  	_ =	shalt  }
0x71: {  	_ =	shalt  }
0x72: {  	_ =	shalt  }
0x73: {  	_ =	shalt  }
0x74: {  	_ =	shalt  }
0x75: {  	_ =	shalt  }
0x76: {  	_ =	shalt  }
0x77: {  	_ =	shalt  }
0x78: {  	_ =	shalt  }
0x79: {  	_ =	shalt  }
0x7a: {  	_ =	shalt  }
0x7b: {  	_ =	shalt  }
0x7c: {  	_ =	shalt  }
0x7d: {  	_ =	shalt  }
0x7e: {  	_ =	shalt  }
0x7f: {  	_ =	shalt  }
0x80: {  	_ =	shalt  }
0x81: {  	_ =	shalt  }
0x82: {  	_ =	shalt  }
0x83: {  	_ =	shalt  }
0x84: {  	_ =	shalt  }
0x85: {  	_ =	shalt  }
0x86: {  	_ =	shalt  }
0x87: {  	_ =	shalt  }
.Lfunc_end0:
.L_simem_size_0:
called_computation_lowered:
.L_overlay_start_0:
0x88: {  	s2 =	sld [smem:$0x3FD9]  }
0x89: {  	s3 =	sld [smem:$0x3FFE];
	_ =	sdelay $0x1  }
0x8a: {  	s1 =	srdreg.scid  }
0x8b: {  	s0 =	sand.u32 $0x1, s1  }
0x8c: {  	s17 =	sshll.u32 s0, $0xA;
	s2 =	sadd.s32 s3, s2  }
0x8d: {  	s2 =	sadd.s32 s2, s17  }
0x8e: {  	[smem:$0x3FC5] =	sst s2  }
0x8f: {  	_ = 	snop  }
0x90: {  	s2 =	sld [smem:$0x3FC7]  }
0x91: {  	s18 =	sld [smem:$0x3FD0];
	(tm) =	ssettm $0x1  }
0x92: {  	s4 =	sld [smem:$0x3FFB];
	_ =	sdelay $0x3  }
0x93: {  	_ =	strace s4  }
0x94: {  	s4 =	sld [smem:$0x3FFC];
	_ =	sdelay $0x3  }
0x95: {  	_ =	strace s4  }
0x96: {  	s4 =	sld [smem:$0x3FFD];
	_ =	sdelay $0x3  }
0x97: {  	_ =	strace s4  }
0x98: {  	_ =	strace $0x8FFFFFFF  }
0x99: {  	s19 =	sld [smem:$0x3FDB];
	_ =	sdelay $0x1  }
0x9a: {  	s5 =	simm.s32 $_scs_section_size  }
0x9b: {  	s6 =	simm.s32 $_size__tile_overlayer_lowered;
	s7 =	simm.s32 $_tile_overlayer_lowered  }
0x9c: {  	s22 =	simm.s32 $0x1BFF;
	s21 =	sshll.u32 s7, $0x1;
	s4 =	sadd.s32 s5, s19  }
0x9d: {  	s8 =	simm.s32 $0x0;
	s20 =	sshll.u32 s6, $0x1;
	s6 =	sadd.s32 s21, s4  }
0x9e: {  	[timem:s8], [sflag:s22] =	dma.local [hbm:s6], s20  }
0x9f: {  	_ =	swait.ge [sflag:s22], s20  }
0xa0: {  	s5 =	ssub.s32 $0x0, s20;
	[sflag:s22] =	ssyncset.done $0x0  }
0xa1: {  	[sflag:s22] =	ssyncadd.s32 s5;
	_ =	sdelay $0x1  }
0xa2: {  	s23 =	simm.s32 $0x1B8B  }
0xa3: {  	_ =	swait.ge [sflag:s23], $0x1  }
0xa4: {  	[sflag:s23] =	ssyncset.done $0x0  }
0xa5: {  	s25 =	simm.s32 $0x1B8E;
	s24 =	sld [smem:$0x3FFE];
	[sflag:s23] =	ssyncadd.s32 $0xFFFFFFFF  }
0xa6: {  	s26 =	simm.s32 $execute0_lowered;
	[smem:$0x3FD2] =	sst s25  }
0xa7: {  	s6 =	sshll.u32 s26, $0x1;
	_ =	strace $0x80000046;
	[dreg:$0x1] =	wrdreg $0xFFFFFFFF  }
0xa8: {  	s28 =	simm.s32 $_size_execute0_lowered;
	s4 =	sadd.s32 s4, s6;
	[dreg:$0x0] =	wrdreg $0x0  }
0xa9: {  	s6 =	sshll.u32 s28, $0x1;
	[dreg:$0x2] =	wrdreg s4  }
0xaa: {  	[dreg:$0x3] =	wrdreg s6  }
0xab: {  	[dreg:$0x4] =	wrdreg $0xC0  }
0xac: {  	_ =	task [dreg:s8], $0x5FFFF  }
0xad: {  	[dreg:$0x1] =	wrdreg $0xFFFFFFFF  }
0xae: {  	[dreg:$0x0] =	wrdreg $0x60  }
0xaf: {  	[dreg:$0x2] =	wrdreg s24  }
0xb0: {  	[dreg:$0x3] =	wrdreg s2  }
0xb1: {  	[dreg:$0x4] =	wrdreg s18  }
0xb2: {  	[dreg:$0x5] =	wrdreg $0x9  }
0xb3: {  	_ =	task.clear_ibuf [dreg:s8], $0x6FFFF;
	_ =	strace $0x90000046  }
0xb4: {  	s29 =	simm.s32 $0x9;
	_ =	strace $0x80000048  }
0xb5: {  	_ =	swait.ge [sflag:s29], $0x1  }
0xb6: {  	[sflag:s29] =	ssyncadd.s32 $0xFFFFFFFF  }
0xb7: {  	_ =	strace $0x90000048  }
0xb8: {  	_ =	sfence  }
0xb9: {  	s30 =	sld [smem:$0x0];
	_ =	sdelay $0x2  }
0xba: {  	s31 =	sshll.u32 s1, $0xD;
	s1 =	sshrl.u32 s1, $0x2  }
0xbb: {  	s3 =	sand.u32 $0x4000, s31;
	s1 =	sadd.s32 s1, s30  }
0xbc: {  	s0 =	sor.u32 s3, s0;
	s1 =	sshll.u32 s1, $0x11  }
0xbd: {  	s0 =	sor.u32 s1, s0  }
0xbe: {  	s0 =	sadd.s32 $0x8F2B, s0  }
0xbf: {  	[sflag:s0] =	ssyncadd.remote.s32 $0x1  }
0xc0: {  	_ =	sfence.sel $0xFFFF  }
0xc1: {  	[dreg:$0x0] =	wrdreg $0xFFFFFFFF;
	(pc) =	sbr.abs _section_cstart, $3  }
0xc2: {  	[dreg:$0x1] =	wrdreg $0xFFFFFFFF  }
0xc3: {  	_ =	task.clear_ibuf [dreg:s8], $0x2FFFF;
	_ =	strace $0x9FFFFFFF  }
0xc4: {  	(tm) =	ssettm $0x7FFFFFFF  }
0xc5: {  	_ =	shalt  }
tec
execute0_lowered:
.L_overlay_start_1:
0x0: {  	(tag) =	ssettag $0x1  }
0x1: {  	s0 =	rddreg [dreg:$0x0]  }
0x2: {  	s1 =	rddreg [dreg:$0x1]  }
0x3: {  	s2 =	rddreg [dreg:$0x2]  }
0x4: {  	s3 =	simm.s32 $0x0;
	s4 =	srdreg.scid;
	s9 =	stileid.u32  }
0x5: {  	s14 =	simm.s32 $0x400;
	s15 =	simm.s32 $0x1;
	s16 =	simm.s32 $0x64  }
0x6: {  	s25 =	simm.s32 $0x1800;
	s28 =	simm.s32 $0x3;
	s29 =	simm.s32 $0x0  }
0x7: {  	[smem:$0x7FF] =	sst s3;
	s4 =	sand.u32 $0x1, s4;
	s5 =	sadd.s32 $0x600, s0  }
0x8: {  	s6 =	sadd.s32 $0x14000, s0;
	s8 =	sshll.u32 s9, $0x1;
	s7 =	ssub.s32 $0x2, s4  }
0x9: {  	p0 =	seq.s32 s9, $0x0;
	_ =	strace $0x80000047;
	s26 =	sshrl.u32 s7, $0x1  }
0xa: {  	s0 =	ssub.s32 s7, s26;
	s7 =	sor.u32 s4, s8;
	s8 =	simm.s32 $0x28  }
0xb: {  	s26 =	simm.s32 $0x2;
	s4 =	smul.u32 $0x280, s7;
	s11 =	sor.u32 $0x20, s7  }
0xc: {  	s8 =	simm.s32 @!p0 $0x27;
	s30 =	sshll.u32 s7, $0x6;
	s12 =	smul.u32 $0x280, s11  }
0xd: {  	s13 =	smax.u32 s0, $0x1;
	s9 =	sadd.s32 s5, s30;
	s31 =	sshll.u32 s11, $0x6  }
0xe: {  	s10 =	sadd.s32 s6, s4;
	s11 =	sadd.s32 s5, s31;
	s12 =	sadd.s32 s6, s12  }
.LBB2_1:
0xf: {  	[tilespmem:s3], [sflag:$0x1] =	stream.linear.gather [hbm4b:s9+s3], $0x200, $0x38;
	[tilespmem:$0x1E400] =	vst v63  }
0x10: {  	_ = 	snop  }
0x11: {  	[tilespmem:s14], [sflag:$0x1] =	stream.linear.gather [hbm4b:s10+s3], $0x1400, $0x38;
	[tilespmem:$0x1E400] =	vst v63  }
0x12: {  	_ =	swait.ge [sflag:s15], $0x200  }
0x13: {  	[sflag:s15] =	ssyncset.done $0x0  }
0x14: {  	[sflag:s15] =	ssyncadd.s32 $0xFFFFFE00  }
0x15: {  	_ =	swait.ge [sflag:s15], $0x1400  }
0x16: {  	[sflag:s15] =	ssyncset.done $0x0  }
0x17: {  	s0 =	simm.s32 $0x2C00;
	[sflag:s15] =	ssyncadd.s32 $0xFFFFEC00  }
0x18: {  	[tilespmem:s0], [sflag:$0x2] =	stream.indirect.gather [hbm4b:s1+s16], $0x80, s3, s16, $0xb8;
	[tilespmem:$0x1E400] =	vst v63  }
0x19: {  	s20 =	simm.s32 $0x80;
	s4 =	simm.s32 $0x5E00  }
0x1a: {  	[tilespmem:s4], [sflag:$0x2] =	stream.indirect.gather [hbm4b:s1+s16], $0x80, s20, s16, $0xb8;
	[tilespmem:$0x1E400] =	vst v63  }
0x1b: {  	s21 =	simm.s32 $0x100;
	s22 =	simm.s32 $0x9000  }
0x1c: {  	[tilespmem:s22], [sflag:$0x2] =	stream.indirect.gather [hbm4b:s1+s16], $0x80, s21, s16, $0xb8;
	[tilespmem:$0x1E400] =	vst v63  }
0x1d: {  	s23 =	simm.s32 $0x180;
	s24 =	simm.s32 $0xC200  }
0x1e: {  	[tilespmem:s24], [sflag:$0x2] =	stream.indirect.gather [hbm4b:s1+s16], $0x80, s23, s16, $0xb8;
	[tilespmem:$0x1E400] =	vst v63  }
0x1f: {  	s31 =	simm.s32 $0x200  }
0x20: {  	[tilespmem:s31], [sflag:$0x1] =	stream.linear.gather [hbm4b:s11+s3], $0x200, $0x38;
	[tilespmem:$0x1E400] =	vst v63  }
0x21: {  	s30 =	simm.s32 $0x0  }
0x22: {  	[tilespmem:s25], [sflag:$0x1] =	stream.linear.gather [hbm4b:s12+s3], $0x1400, $0x38;
	[tilespmem:$0x1E400] =	vst v63  }
.LBB2_2:
0x23: {  	_ =	swait.ge [sflag:s26], $0x3200  }
0x24: {  	[sflag:s26] =	ssyncset.done $0x0  }
0x25: {  	[sflag:s26] =	ssyncadd.s32 $0xFFFFCE00  }
0x26: {  	_ =	swait.ge [sflag:s26], $0x3200  }
0x27: {  	[sflag:s26] =	ssyncset.done $0x0  }
0x28: {  	[sflag:s26] =	ssyncadd.s32 $0xFFFFCE00  }
0x29: {  	_ =	swait.ge [sflag:s26], $0x3200  }
0x2a: {  	[sflag:s26] =	ssyncset.done $0x0  }
0x2b: {  	[sflag:s26] =	ssyncadd.s32 $0xFFFFCE00  }
0x2c: {  	s31 =	sadd.s32 $0x1, s30;
	_ =	swait.ge [sflag:s26], $0x3200  }
0x2d: {  	p0 =	sge.u32 s31, s8;
	[sflag:s26] =	ssyncset.done $0x0  }
0x2e: {  	s0 =	simm.s32 @!p0 $0x1;
	[sflag:s26] =	ssyncadd.s32 $0xFFFFCE00  }
0x2f: {  	_ =	swait.ge @!p0 [sflag:s0], $0x200  }
0x30: {  	s4 =	sand.u32 @!p0 $0x1, s31;
	[sflag:s0] =	ssyncset.done @!p0 $0x0  }
0x31: {  	s17 =	smul.u32 @!p0 $0x32000, s4;
	[sflag:s0] =	ssyncadd.s32 @!p0 $0xFFFFFE00  }
0x32: {  	_ =	swait.ge @!p0 [sflag:s0], $0x1400  }
0x33: {  	s18 =	simm.s32 @!p0 $0x64;
	s17 =	sshrl.u32 @!p0 s17, $0x2;
	[sflag:s0] =	ssyncset.done @!p0 $0x0  }
0x34: {  	s4 =	sshll.u32 @!p0 s4, $0x9;
	[sflag:s0] =	ssyncadd.s32 @!p0 $0xFFFFEC00;
	s0 =	sadd.s32 @!p0 $0x2C00, s17  }
0x35: {  	[tilespmem:s0], [sflag:$0x2] =	stream.indirect.gather @!p0 [hbm4b:s1+s18], $0x80, s4, s18, $0xb8;
	[tilespmem:$0x1E400] =	vst v63  }
0x36: {  	s19 =	sor.u32 @!p0 $0x80, s4;
	s0 =	sadd.s32 @!p0 $0x5E00, s17  }
0x37: {  	[tilespmem:s0], [sflag:$0x2] =	stream.indirect.gather @!p0 [hbm4b:s1+s18], $0x80, s19, s18, $0xb8;
	[tilespmem:$0x1E400] =	vst v63  }
0x38: {  	s0 =	sadd.s32 @!p0 $0x9000, s17;
	s19 =	sor.u32 @!p0 $0x100, s4  }
0x39: {  	[tilespmem:s0], [sflag:$0x2] =	stream.indirect.gather @!p0 [hbm4b:s1+s18], $0x80, s19, s18, $0xb8;
	[tilespmem:$0x1E400] =	vst v63  }
0x3a: {  	s0 =	sand.u32 $0x1, s30  }
0x3b: {  	s17 =	sadd.s32 @!p0 $0xC200, s17;
	s4 =	sor.u32 @!p0 $0x180, s4;
	s23 =	smul.u32 $0x32000, s0  }
0x3c: {  	[tilespmem:s17], [sflag:$0x2] =	stream.indirect.gather @!p0 [hbm4b:s1+s18], $0x80, s4, s18, $0xb8;
	[tilespmem:$0x1E400] =	vst v63  }
0x3d: {  	s4 =	smul.u32 $0x5000, s0  }
0x3e: {  	v0 =	vmov s0;
	p0 =	slt.u32 s30, $0x2  }
0x3f: {  	v0 =	vmul.u32 $0x1400, v0;
	s18 =	simm.s32 @!p0 $0x3;
	s17 =	sshrl.u32 s23, $0x2;
	s24 =	sshrl.u32 s4, $0x2  }
0x40: {  	_ =	swait.ge @!p0 [sflag:s18], $0x1400;
	s20 =	sadd.s32 $0x2C00, s17;
	s17 =	sadd.s32 $0x1BC00, s24  }
0x41: {  	[sflag:s18] =	ssyncset.done @!p0 $0x0;
	[tilespmem:$0x1FFE0] =	vst v0;
	v1 =	vmov s20;
	v0 =	vmov s17  }
0x42: {  	[sflag:s18] =	ssyncadd.s32 @!p0 $0xFFFFEC00;
	s18 =	simm.s32 $0x0;
	[tilespmem:$0x1FFF0] =	vst v0  }
.LBB2_3:
0x43: {  	s19 =	smul.u32 $0x1400, s18;
	_ =	sdelay $0x1  }
0x44: {  	v7 =	vld [tilespmem:$0x1FFE0];
	s24 =	sshra.s32 s19, $0x2  }
0x45: {  	v34 =	vld.idx.msk [tilespmem:v1+s24+$0x0 ss:$0x1], $0xffff  }
0x46: {  	v36 =	vld.idx.msk [tilespmem:v1+s24+$0x10 ss:$0x1], $0xffff  }
0x47: {  	v40 =	vld.idx.msk [tilespmem:v1+s24+$0x20 ss:$0x1], $0xffff  }
0x48: {  	v44 =	vld.idx.msk [tilespmem:v1+s24+$0x30 ss:$0x1], $0xffff  }
0x49: {  	v48 =	vld.idx.msk [tilespmem:v1+s24+$0x40 ss:$0x1], $0xffff  }
0x4a: {  	v51 =	vld.idx.msk [tilespmem:v1+s24+$0x50 ss:$0x1], $0xffff  }
0x4b: {  	v46 =	vld.idx.msk [tilespmem:v1+s24+$0x60 ss:$0x1], $0xffff  }
0x4c: {  	v3 =	vld.idx.msk [tilespmem:v1+s24+$0x70 ss:$0x1], $0xffff  }
0x4d: {  	v28 =	vld.idx.msk [tilespmem:v1+s24+$0x80 ss:$0x1], $0xffff  }
0x4e: {  	v30 =	vld.idx.msk [tilespmem:v1+s24+$0x90 ss:$0x1], $0xffff  }
0x4f: {  	v33 =	vld.idx.msk [tilespmem:v1+s24+$0xA0 ss:$0x1], $0xffff  }
0x50: {  	v41 =	vld.idx.msk [tilespmem:v1+s24+$0xB0 ss:$0x1], $0xffff  }
0x51: {  	v37 =	vld.idx.msk [tilespmem:v1+s24+$0xC0 ss:$0x1], $0xffff  }
0x52: {  	v45 =	vld.idx.msk [tilespmem:v1+s24+$0xD0 ss:$0x1], $0xffff  }
0x53: {  	v50 =	vld.idx.msk [tilespmem:v1+s24+$0xE0 ss:$0x1], $0xffff  }
0x54: {  	v47 =	vld.idx.msk [tilespmem:v1+s24+$0xF0 ss:$0x1], $0xffff  }
0x55: {  	v59 =	vld.idx.msk [tilespmem:v1+s24+$0x100 ss:$0x1], $0xffff  }
0x56: {  	v52 =	vld.idx.msk [tilespmem:v1+s24+$0x110 ss:$0x1], $0xffff  }
0x57: {  	v55 =	vld.idx.msk [tilespmem:v1+s24+$0x120 ss:$0x1], $0xffff  }
0x58: {  	v4 =	vld.idx.msk [tilespmem:v1+s24+$0x140 ss:$0x1], $0xffff  }
0x59: {  	v21 =	vld.idx.msk [tilespmem:v1+s24+$0x150 ss:$0x1], $0xffff  }
0x5a: {  	s21 =	sshll.u32 s18, $0x7;
	v22 =	vld.idx.msk [tilespmem:v1+s24+$0x160 ss:$0x1], $0xffff  }
0x5b: {  	v23 =	vld.idx.msk [tilespmem:v1+s24+$0x170 ss:$0x1], $0xffff;
	v0 =	vadd.s32 s21, v7  }
0x5c: {  	v24 =	vld.idx.msk [tilespmem:v1+s24+$0x1C0 ss:$0x1], $0xffff;
	v0 =	vbroadcast v0, $0x0  }
0x5d: {  	v25 =	vld.idx.msk [tilespmem:v1+s24+$0x1D0 ss:$0x1], $0xffff  }
0x5e: {  	v26 =	vld.idx.msk [tilespmem:v1+s24+$0x1E0 ss:$0x1], $0xffff;
	[tilespmem:$0x1F820] =	vst v3;
	v3 =	vor.u32 $0x2, v0  }
0x5f: {  	v27 =	vld.idx.msk [tilespmem:v1+s24+$0x1F0 ss:$0x1], $0xffff  }
0x60: {  	s23 =	sor.u32 $0x1, s18;
	v5 =	vld.idx.msk [tilespmem:v1+s24+$0x200 ss:$0x1], $0xffff  }
0x61: {  	s20 =	sshll.u32 s23, $0x7;
	v6 =	vld.idx.msk [tilespmem:v1+s24+$0x210 ss:$0x1], $0xffff  }
0x62: {  	v8 =	vld.idx.msk [tilespmem:v1+s24+$0x220 ss:$0x1], $0xffff;
	v10 =	vmov v7;
	v7 =	vadd.s32 s20, v7  }
0x63: {  	v7 =	vbroadcast v7, $0x0;
	v58 =	vld.idx.msk [tilespmem:v3+s14+$0x0], $0xffff  }
0x64: {  	s22 =	sor.u32 $0x2, s18;
	v3 =	vld.idx.msk [tilespmem:v1+s24+$0x130 ss:$0x1], $0xffff  }
0x65: {  	s19 =	sshll.u32 s22, $0x7;
	v11 =	vld.idx.msk [tilespmem:v1+s24+$0x320 ss:$0x1], $0xffff;
	v2 =	vor.u32 $0x1, v0  }
0x66: {  	v56 =	vadd.s32 s19, v10;
	[tilespmem:$0x1F8F0] =	vst v27;
	v29 =	vor.u32 $0x5, v0;
	v27 =	vld.idx.msk [tilespmem:v1+s24+$0x260 ss:$0x1], $0xffff  }
0x67: {  	v35 =	vor.u32 $0x7, v0;
	[tilespmem:$0x1F920] =	vst v8;
	v8 =	vbroadcast v56, $0x0;
	v56 =	vld.idx.msk [tilespmem:v1+s24+$0x2B0 ss:$0x1], $0xffff  }
0x68: {  	v38 =	vor.u32 $0x8, v0;
	v57 =	vld.idx.msk [tilespmem:v0+s14+$0x0], $0xffff  }
0x69: {  	v20 =	vld.idx.msk [tilespmem:v7+s14+$0x0], $0xffff;
	[tilespmem:$0x1F830] =	vst v3;
	v3 =	vor.u32 $0x3, v0  }
0x6a: {  	v2 =	vld.idx.msk [tilespmem:v2+s14+$0x0], $0xffff  }
0x6b: {  	[tilespmem:$0x1F8C0] =	vst v24;
	v42 =	vor.u32 $0x9, v0;
	v24 =	vld.idx.msk [tilespmem:v29+s14+$0x0], $0xffff  }
0x6c: {  	v43 =	vor.u32 $0x2, v7;
	v35 =	vld.idx.msk [tilespmem:v35+s14+$0x0], $0xffff  }
0x6d: {  	[tilespmem:$0x1F870] =	vst v23;
	v49 =	vor.u32 $0x3, v7;
	v23 =	vld.idx.msk [tilespmem:v38+s14+$0x0], $0xffff  }
0x6e: {  	v53 =	vor.u32 $0x4, v7;
	v39 =	vld.idx.msk [tilespmem:v3+s14+$0x0], $0xffff  }
0x6f: {  	v3 =	vld.idx.msk [tilespmem:v1+s24+$0x180 ss:$0x1], $0xffff  }
0x70: {  	[tilespmem:$0x1F860] =	vst v22;
	v9 =	vor.u32 $0x5, v7;
	v22 =	vld.idx.msk [tilespmem:v42+s14+$0x0], $0xffff  }
0x71: {  	v54 =	vor.u32 $0x7, v7;
	v19 =	vld.idx.msk [tilespmem:v43+s14+$0x0], $0xffff  }
0x72: {  	v60 =	vor.u32 $0x8, v7;
	v18 =	vld.idx.msk [tilespmem:v49+s14+$0x0], $0xffff  }
0x73: {  	v61 =	vor.u32 $0x9, v7;
	v17 =	vld.idx.msk [tilespmem:v53+s14+$0x0], $0xffff  }
0x74: {  	[tilespmem:$0x1F880] =	vst v3;
	v3 =	vld.idx.msk [tilespmem:v1+s24+$0x190 ss:$0x1], $0xffff  }
0x75: {  	v16 =	vld.idx.msk [tilespmem:v9+s14+$0x0], $0xffff  }
0x76: {  	v14 =	vld.idx.msk [tilespmem:v54+s14+$0x0], $0xffff  }
0x77: {  	v13 =	vld.idx.msk [tilespmem:v60+s14+$0x0], $0xffff  }
0x78: {  	v10 =	vld.idx.msk [tilespmem:v61+s14+$0x0], $0xffff  }
0x79: {  	[tilespmem:$0x1F890] =	vst v3;
	v3 =	vld.idx.msk [tilespmem:v1+s24+$0x1A0 ss:$0x1], $0xffff  }
0x7a: {  	v49 =	vld.idx.msk [tilespmem:v1+s24+$0x2A0 ss:$0x1], $0xffff  }
0x7b: {  	v43 =	vld.idx.msk [tilespmem:v1+s24+$0x2C0 ss:$0x1], $0xffff  }
0x7c: {  	v53 =	vld.idx.msk [tilespmem:v1+s24+$0x2E0 ss:$0x1], $0xffff  }
0x7d: {  	v60 =	vld.idx.msk [tilespmem:v1+s24+$0x300 ss:$0x1], $0xffff  }
0x7e: {  	v63 =	vor.u32 $0x3, v8;
	[tilespmem:$0x1F8A0] =	vst v3;
	v3 =	vld.idx.msk [tilespmem:v1+s24+$0x1B0 ss:$0x1], $0xffff  }
0x7f: {  	v12 =	vor.u32 $0x4, v8;
	v61 =	vld.idx.msk [tilespmem:v1+s24+$0x310 ss:$0x1], $0xffff  }
0x80: {  	[tilespmem:$0x1F8D0] =	vst v25;
	v25 =	vor.u32 $0x6, v8;
	v38 =	vld.idx.msk [tilespmem:v1+s24+$0x330 ss:$0x1], $0xffff  }
0x81: {  	v42 =	vld.idx.msk [tilespmem:v1+s24+$0x340 ss:$0x1], $0xffff  }
0x82: {  	[tilespmem:$0x1F840] =	vst v4;
	v54 =	vld.idx.msk [tilespmem:v1+s24+$0x350 ss:$0x1], $0xffff  }
0x83: {  	v4 =	vld.idx.msk [tilespmem:v63+s14+$0x0], $0xffff;
	[tilespmem:$0x1F8B0] =	vst v3;
	v3 =	vor.u32 $0x4, v0  }
0x84: {  	[tilespmem:$0x1F900] =	vst v5;
	v5 =	vld.idx.msk [tilespmem:v12+s14+$0x0], $0xffff  }
0x85: {  	v29 =	vor.u32 $0x5, v8;
	v31 =	vld.idx.msk [tilespmem:v25+s14+$0x0], $0xffff  }
0x86: {  	v25 =	vld.idx.msk [tilespmem:v1+s24+$0x230 ss:$0x1], $0xffff  }
0x87: {  	v63 =	vld.idx.msk [tilespmem:v1+s24+$0x2D0 ss:$0x1], $0xffff  }
0x88: {  	v32 =	vld.idx.msk [tilespmem:v3+s14+$0x0], $0xffff;
	v3 =	vor.u32 $0x6, v0  }
0x89: {  	v12 =	vld.idx.msk [tilespmem:v1+s24+$0x360 ss:$0x1], $0xffff  }
0x8a: {  	[tilespmem:$0x1F910] =	vst v6;
	v6 =	vld.idx.msk [tilespmem:v29+s14+$0x0], $0xffff  }
0x8b: {  	v29 =	vld.idx.msk [tilespmem:v1+s24+$0x250 ss:$0x1], $0xffff  }
0x8c: {  	[tilespmem:$0x1F940] =	vst v38;
	v38 =	vld.idx.msk [tilespmem:v1+s24+$0x370 ss:$0x1], $0xffff  }
0x8d: {  	v0 =	vld.idx.msk [tilespmem:v3+s14+$0x0], $0xffff;
	v3 =	vor.u32 $0x1, v7  }
0x8e: {  	[tilespmem:$0x1F950] =	vst v42;
	v42 =	vld.idx.msk [tilespmem:v1+s24+$0x380 ss:$0x1], $0xffff  }
0x8f: {  	[tilespmem:$0x1F960] =	vst v54;
	v54 =	vld.idx.msk [tilespmem:v1+s24+$0x390 ss:$0x1], $0xffff  }
0x90: {  	[tilespmem:$0x1FFB0] =	vst v31;
	v31 =	vld.idx.msk [tilespmem:v1+s24+$0x270 ss:$0x1], $0xffff  }
0x91: {  	[tilespmem:$0x1F970] =	vst v12;
	v12 =	vld.idx.msk [tilespmem:v1+s24+$0x3A0 ss:$0x1], $0xffff  }
0x92: {  	[tilespmem:$0x1F850] =	vst v21;
	v21 =	vld.idx.msk [tilespmem:v3+s14+$0x0], $0xffff;
	v3 =	vor.u32 $0x6, v7  }
0x93: {  	[tilespmem:$0x1F980] =	vst v38;
	v38 =	vld.idx.msk [tilespmem:v1+s24+$0x3B0 ss:$0x1], $0xffff  }
0x94: {  	[tilespmem:$0x1F990] =	vst v42;
	v42 =	vld.idx.msk [tilespmem:v1+s24+$0x3C0 ss:$0x1], $0xffff  }
0x95: {  	[tilespmem:$0x1F9A0] =	vst v54;
	v54 =	vld.idx.msk [tilespmem:v1+s24+$0x3D0 ss:$0x1], $0xffff  }
0x96: {  	[tilespmem:$0x1F9B0] =	vst v12;
	v12 =	vld.idx.msk [tilespmem:v1+s24+$0x3E0 ss:$0x1], $0xffff  }
0x97: {  	[tilespmem:$0x1F8E0] =	vst v26;
	v15 =	vld.idx.msk [tilespmem:v3+s14+$0x0], $0xffff;
	v3 =	vor.u32 $0x2, v8  }
0x98: {  	[tilespmem:$0x1F9C0] =	vst v38;
	v38 =	vld.idx.msk [tilespmem:v1+s24+$0x3F0 ss:$0x1], $0xffff  }
0x99: {  	[tilespmem:$0x1F9D0] =	vst v42;
	v42 =	vld.idx.msk [tilespmem:v1+s24+$0x400 ss:$0x1], $0xffff  }
0x9a: {  	[tilespmem:$0x1F9E0] =	vst v54;
	v54 =	vld.idx.msk [tilespmem:v1+s24+$0x410 ss:$0x1], $0xffff  }
0x9b: {  	[tilespmem:$0x1F9F0] =	vst v12;
	v12 =	vld.idx.msk [tilespmem:v1+s24+$0x420 ss:$0x1], $0xffff  }
0x9c: {  	[tilespmem:$0x1F930] =	vst v11;
	v9 =	vld.idx.msk [tilespmem:v3+s14+$0x0], $0xffff;
	v3 =	vor.u32 $0x7, v8  }
0x9d: {  	[tilespmem:$0x1FA00] =	vst v38;
	v38 =	vld.idx.msk [tilespmem:v1+s24+$0x430 ss:$0x1], $0xffff  }
0x9e: {  	[tilespmem:$0x1FA10] =	vst v42;
	v42 =	vld.idx.msk [tilespmem:v1+s24+$0x440 ss:$0x1], $0xffff  }
0x9f: {  	[tilespmem:$0x1FA20] =	vst v54;
	v54 =	vld.idx.msk [tilespmem:v1+s24+$0x450 ss:$0x1], $0xffff  }
0xa0: {  	[tilespmem:$0x1FA30] =	vst v12;
	v12 =	vld.idx.msk [tilespmem:v1+s24+$0x460 ss:$0x1], $0xffff  }
0xa1: {  	v26 =	vor.u32 $0x8, v8;
	[tilespmem:$0x1FF40] =	vst v4;
	v3 =	vld.idx.msk [tilespmem:v3+s14+$0x0], $0xffff  }
0xa2: {  	[tilespmem:$0x1FA40] =	vst v38;
	v38 =	vld.idx.msk [tilespmem:v1+s24+$0x470 ss:$0x1], $0xffff  }
0xa3: {  	[tilespmem:$0x1FA50] =	vst v42;
	v42 =	vld.idx.msk [tilespmem:v1+s24+$0x480 ss:$0x1], $0xffff  }
0xa4: {  	v62 =	vor.u32 $0x1, v8;
	[tilespmem:$0x1FA60] =	vst v54;
	v54 =	vld.idx.msk [tilespmem:v1+s24+$0x490 ss:$0x1], $0xffff  }
0xa5: {  	[tilespmem:$0x1FA70] =	vst v12;
	v12 =	vld.idx.msk [tilespmem:v1+s24+$0x4A0 ss:$0x1], $0xffff  }
0xa6: {  	[tilespmem:$0x1FFC0] =	vst v3;
	v3 =	vld.idx.msk [tilespmem:v26+s14+$0x0], $0xffff  }
0xa7: {  	[tilespmem:$0x1FA80] =	vst v38;
	v38 =	vld.idx.msk [tilespmem:v1+s24+$0x4B0 ss:$0x1], $0xffff  }
0xa8: {  	v4 =	vld.idx.msk [tilespmem:v1+s24+$0x290 ss:$0x1], $0xffff;
	[tilespmem:$0x1FA90] =	vst v42  }
0xa9: {  	[tilespmem:$0x1FAA0] =	vst v54;
	v7 =	vld.idx.msk [tilespmem:v62+s14+$0x0], $0xffff  }
0xaa: {  	s23 =	smul.u32 $0x1400, s23;
	[tilespmem:$0x1FAB0] =	vst v12;
	v62 =	vld.idx.msk [tilespmem:v1+s24+$0x2F0 ss:$0x1], $0xffff  }
0xab: {  	v34 =	vmul.f32 v34, v57;
	v28 =	vmul.f32 v28, v2;
	v26 =	vld.idx.msk [tilespmem:v1+s24+$0x240 ss:$0x1], $0xffff;
	[tilespmem:$0x1FFD0] =	vst v3  }
0xac: {  	s23 =	sshra.s32 s23, $0x2;
	v3 =	vld.idx.msk [tilespmem:v1+s24+$0x280 ss:$0x1], $0xffff;
	[tilespmem:$0x1FAC0] =	vst v38  }
0xad: {  	v28 =	vadd.f32 v28, v34;
	v34 =	vmul.f32 v48, v57;
	v48 =	vld.idx.msk [tilespmem:v1+s23+$0x170 ss:$0x1], $0xffff;
	_ =	sdelay $0x3  }
0xae: {  	v36 =	vmul.f32 v36, v57  }
0xaf: {  	v40 =	vmul.f32 v40, v57;
	v30 =	vmul.f32 v30, v2;
	[tilespmem:$0x1FC30] =	vst v48;
	v48 =	vld [tilespmem:$0x1F820]  }
0xb0: {  	v44 =	vmul.f32 v44, v57;
	v33 =	vmul.f32 v33, v2  }
0xb1: {  	v37 =	vmul.f32 v37, v2;
	v30 =	vadd.f32 v30, v36;
	v36 =	vmul.f32 v41, v2  }
0xb2: {  	v33 =	vadd.f32 v33, v40;
	v40 =	vmul.f32 v51, v57;
	v41 =	vmul.f32 v45, v2  }
0xb3: {  	v45 =	vadd.f32 v2, v57;
	v34 =	vadd.f32 v37, v34;
	v37 =	vmul.f32 v46, v57  }
0xb4: {  	v40 =	vadd.f32 v41, v40;
	v41 =	vmul.f32 v48, v57;
	v48 =	vmul.f32 v59, v58  }
0xb5: {  	v36 =	vadd.f32 v36, v44;
	v44 =	vmul.f32 v50, v2;
	v50 =	vld.idx.msk [tilespmem:v1+s23+$0x1A0 ss:$0x1], $0xffff;
	v57 =	vmul.f32 v55, v58  }
0xb6: {  	v28 =	vadd.f32 v48, v28;
	v48 =	vld.idx.msk [tilespmem:v1+s23+$0x1D0 ss:$0x1], $0xffff  }
0xb7: {  	v33 =	vadd.f32 v57, v33;
	v57 =	vld [tilespmem:$0x1F860];
	_ =	sdelay $0x2  }
0xb8: {  	v2 =	vmul.f32 v47, v2;
	v47 =	vld [tilespmem:$0x1F830]  }
0xb9: {  	[tilespmem:$0x1FC40] =	vst v50;
	v50 =	vld [tilespmem:$0x1F840]  }
0xba: {  	[tilespmem:$0x1FC50] =	vst v48;
	v48 =	vmul.f32 v57, v58;
	v57 =	vld [tilespmem:$0x1F870];
	_ =	sdelay $0x2  }
0xbb: {  	v2 =	vadd.f32 v2, v41;
	v41 =	vmul.f32 v47, v58;
	_ =	sdelay $0x1  }
0xbc: {  	v36 =	vadd.f32 v41, v36;
	v41 =	vmul.f32 v50, v58;
	v50 =	vmul.f32 v57, v58;
	v57 =	vld.idx.msk [tilespmem:v1+s23+$0x200 ss:$0x1], $0xffff;
	_ =	sdelay $0x4  }
0xbd: {  	[tilespmem:$0x1FC60] =	vst v57;
	v57 =	vld [tilespmem:$0x1F880];
	_ =	sdelay $0x2  }
0xbe: {  	v37 =	vadd.f32 v44, v37;
	v44 =	vmul.f32 v52, v58;
	v52 =	vld [tilespmem:$0x1F850];
	_ =	sdelay $0x1  }
0xbf: {  	v34 =	vadd.f32 v41, v34;
	v41 =	vmul.f32 v57, v39;
	v57 =	vld [tilespmem:$0x1F890];
	_ =	sdelay $0x2  }
0xc0: {  	v30 =	vadd.f32 v44, v30;
	v44 =	vmul.f32 v52, v58  }
0xc1: {  	v2 =	vadd.f32 v50, v2;
	v50 =	vld [tilespmem:$0x1F8A0]  }
0xc2: {  	v40 =	vadd.f32 v44, v40;
	v44 =	vmul.f32 v57, v39;
	v57 =	vld [tilespmem:$0x1F8B0];
	_ =	sdelay $0x2  }
0xc3: {  	v45 =	vadd.f32 v58, v45;
	v58 =	vld.idx.msk [tilespmem:v1+s23+$0x210 ss:$0x1], $0xffff  }
0xc4: {  	v28 =	vadd.f32 v41, v28;
	v41 =	vmul.f32 v50, v39;
	v50 =	vld [tilespmem:$0x1F8C0]  }
0xc5: {  	v37 =	vadd.f32 v48, v37;
	v48 =	vmul.f32 v57, v39;
	v57 =	vld [tilespmem:$0x1F8D0];
	_ =	sdelay $0x2  }
0xc6: {  	[tilespmem:$0x1FC70] =	vst v58;
	v58 =	vld.idx.msk [tilespmem:v1+s23+$0x220 ss:$0x1], $0xffff;
	_ =	sdelay $0x1  }
0xc7: {  	v30 =	vadd.f32 v44, v30;
	v44 =	vmul.f32 v50, v39;
	v50 =	vmul.f32 v57, v39;
	v57 =	vld.idx.msk [tilespmem:v1+s23+$0x240 ss:$0x1], $0xffff;
	_ =	sdelay $0x2  }
0xc8: {  	[tilespmem:$0x1FC80] =	vst v58;
	v58 =	vld.idx.msk [tilespmem:v1+s23+$0x230 ss:$0x1], $0xffff  }
0xc9: {  	v34 =	vadd.f32 v44, v34;
	v44 =	vld [tilespmem:$0x1F8E0]  }
0xca: {  	[tilespmem:$0x1FCA0] =	vst v57;
	v57 =	vld [tilespmem:$0x1F900];
	_ =	sdelay $0x1  }
0xcb: {  	v40 =	vadd.f32 v50, v40;
	v50 =	vld [tilespmem:$0x1F8F0]  }
0xcc: {  	[tilespmem:$0x1FC90] =	vst v58;
	v58 =	vld.idx.msk [tilespmem:v1+s23+$0x250 ss:$0x1], $0xffff  }
0xcd: {  	v29 =	vmul.f32 v29, v32;
	v33 =	vadd.f32 v41, v33;
	v36 =	vadd.f32 v48, v36;
	v48 =	vld.idx.msk [tilespmem:v1+s23+$0x260 ss:$0x1], $0xffff  }
0xce: {  	v41 =	vmul.f32 v44, v39;
	v44 =	vadd.f32 v39, v45;
	v45 =	vmul.f32 v57, v32;
	v57 =	vld [tilespmem:$0x1F920]  }
0xcf: {  	v29 =	vadd.f32 v29, v40;
	v40 =	vmul.f32 v3, v24;
	v3 =	vld.idx.msk [tilespmem:v1+s23+$0x2D0 ss:$0x1], $0xffff  }
0xd0: {  	v39 =	vmul.f32 v50, v39;
	v50 =	vld [tilespmem:$0x1F910];
	_ =	sdelay $0x1  }
0xd1: {  	[tilespmem:$0x1FCB0] =	vst v58  }
0xd2: {  	[tilespmem:$0x1FCC0] =	vst v48;
	v48 =	vmul.f32 v57, v32  }
0xd3: {  	v31 =	vmul.f32 v31, v32;
	v37 =	vadd.f32 v41, v37;
	v2 =	vadd.f32 v39, v2;
	[tilespmem:$0x1FCF0] =	vst v3;
	v3 =	vld [tilespmem:$0x1F930]  }
0xd4: {  	v58 =	vld.idx.msk [tilespmem:v1+s23+$0x270 ss:$0x1], $0xffff;
	v41 =	vmul.f32 v50, v32;
	v50 =	vmul.f32 v49, v24;
	v33 =	vadd.f32 v48, v33;
	_ =	sdelay $0x1  }
0xd5: {  	v2 =	vadd.f32 v31, v2;
	v31 =	vadd.f32 v50, v33;
	v50 =	vmul.f32 v63, v24;
	_ =	sdelay $0x1  }
0xd6: {  	v29 =	vadd.f32 v50, v29;
	v50 =	vmul.f32 v3, v0;
	v3 =	vld [tilespmem:$0x1F940]  }
0xd7: {  	v25 =	vmul.f32 v25, v32;
	[tilespmem:$0x1FCD0] =	vst v58;
	v58 =	vld.idx.msk [tilespmem:v1+s23+$0x280 ss:$0x1], $0xffff;
	_ =	sdelay $0x1  }
0xd8: {  	v25 =	vadd.f32 v25, v36;
	v57 =	vmul.f32 v56, v24  }
0xd9: {  	v26 =	vmul.f32 v26, v32  }
0xda: {  	v25 =	vadd.f32 v57, v25;
	v57 =	vmul.f32 v3, v0;
	v3 =	vld [tilespmem:$0x1F950]  }
0xdb: {  	v27 =	vmul.f32 v27, v32;
	v26 =	vadd.f32 v26, v34;
	[tilespmem:$0x1FCE0] =	vst v58;
	v58 =	vmul.f32 v43, v24;
	_ =	sdelay $0x1  }
0xdc: {  	v27 =	vadd.f32 v27, v37;
	v26 =	vadd.f32 v58, v26;
	v58 =	vmul.f32 v53, v24;
	_ =	sdelay $0x1  }
0xdd: {  	v27 =	vadd.f32 v58, v27;
	v58 =	vmul.f32 v3, v0;
	v3 =	vld [tilespmem:$0x1F960];
	_ =	sdelay $0x4  }
0xde: {  	v36 =	vmul.f32 v3, v0;
	v3 =	vld [tilespmem:$0x1F970]  }
0xdf: {  	v28 =	vadd.f32 v45, v28;
	_ =	sdelay $0x1  }
0xe0: {  	v28 =	vadd.f32 v40, v28;
	v40 =	vmul.f32 v60, v0;
	_ =	sdelay $0x1  }
0xe1: {  	v28 =	vadd.f32 v40, v28;
	v40 =	vmul.f32 v3, v0;
	v3 =	vld.idx.msk [tilespmem:v1+s23+$0x370 ss:$0x1], $0xffff;
	_ =	sdelay $0x4  }
0xe2: {  	[tilespmem:$0x1FD00] =	vst v3;
	v3 =	vld [tilespmem:$0x1F980]  }
0xe3: {  	v34 =	vadd.f32 v32, v44  }
0xe4: {  	v30 =	vadd.f32 v41, v30;
	v48 =	vmul.f32 v4, v24  }
0xe5: {  	v33 =	vadd.f32 v24, v34  }
0xe6: {  	v30 =	vadd.f32 v48, v30  }
0xe7: {  	v48 =	vmul.f32 v61, v0;
	v37 =	vadd.f32 v0, v33;
	v0 =	vmul.f32 v3, v0;
	v3 =	vld.idx.msk [tilespmem:v1+s23+$0x380 ss:$0x1], $0xffff;
	_ =	sdelay $0x4  }
0xe8: {  	[tilespmem:$0x1FD10] =	vst v3;
	v3 =	vld [tilespmem:$0x1F990];
	_ =	sdelay $0x2  }
0xe9: {  	v24 =	vmul.f32 v62, v24;
	_ =	sdelay $0x1  }
0xea: {  	v2 =	vadd.f32 v24, v2;
	v24 =	vadd.f32 v50, v31;
	v50 =	vmul.f32 v3, v35;
	v3 =	vld.idx.msk [tilespmem:v1+s23+$0x390 ss:$0x1], $0xffff;
	_ =	sdelay $0x4  }
0xeb: {  	[tilespmem:$0x1FD20] =	vst v3;
	v3 =	vld [tilespmem:$0x1F9B0];
	_ =	sdelay $0x4  }
0xec: {  	v25 =	vadd.f32 v57, v25;
	v57 =	vmul.f32 v3, v35;
	v3 =	vld.idx.msk [tilespmem:v1+s23+$0x3A0 ss:$0x1], $0xffff;
	_ =	sdelay $0x4  }
0xed: {  	[tilespmem:$0x1FD30] =	vst v3;
	v3 =	vld.idx.msk [tilespmem:v1+s23+$0x3B0 ss:$0x1], $0xffff;
	_ =	sdelay $0x4  }
0xee: {  	[tilespmem:$0x1FD40] =	vst v3;
	v3 =	vld [tilespmem:$0x1F9C0];
	_ =	sdelay $0x4  }
0xef: {  	v26 =	vadd.f32 v58, v26;
	v58 =	vmul.f32 v3, v35;
	v3 =	vld.idx.msk [tilespmem:v1+s23+$0x3C0 ss:$0x1], $0xffff;
	_ =	sdelay $0x4  }
0xf0: {  	[tilespmem:$0x1FD50] =	vst v3;
	v3 =	vld [tilespmem:$0x1F9D0];
	_ =	sdelay $0x4  }
0xf1: {  	v29 =	vadd.f32 v36, v29;
	v36 =	vmul.f32 v3, v35;
	v3 =	vld [tilespmem:$0x1F9E0];
	_ =	sdelay $0x4  }
0xf2: {  	v30 =	vadd.f32 v48, v30;
	v48 =	vadd.f32 v35, v37;
	v37 =	vmul.f32 v3, v35;
	v3 =	vld.idx.msk [tilespmem:v1+s23+$0x3D0 ss:$0x1], $0xffff;
	_ =	sdelay $0x4  }
0xf3: {  	[tilespmem:$0x1FD60] =	vst v3;
	v3 =	vld [tilespmem:$0x1F9F0];
	_ =	sdelay $0x4  }
0xf4: {  	v27 =	vadd.f32 v40, v27;
	v40 =	vmul.f32 v3, v35;
	v3 =	vld [tilespmem:$0x1FA00];
	_ =	sdelay $0x4  }
0xf5: {  	v31 =	vadd.f32 v23, v48;
	v48 =	vmul.f32 v3, v35;
	v3 =	vld.idx.msk [tilespmem:v1+s23+$0x3E0 ss:$0x1], $0xffff;
	_ =	sdelay $0x4  }
0xf6: {  	[tilespmem:$0x1FD70] =	vst v3;
	v3 =	vld [tilespmem:$0x1FA10];
	_ =	sdelay $0x4  }
0xf7: {  	v28 =	vadd.f32 v50, v28;
	v50 =	vmul.f32 v3, v23;
	v3 =	vld.idx.msk [tilespmem:v1+s23+$0x3F0 ss:$0x1], $0xffff;
	_ =	sdelay $0x4  }
0xf8: {  	[tilespmem:$0x1FD80] =	vst v3;
	v3 =	vld [tilespmem:$0x1FA20];
	_ =	sdelay $0x4  }
0xf9: {  	v24 =	vadd.f32 v57, v24;
	v57 =	vmul.f32 v3, v23;
	v3 =	vld.idx.msk [tilespmem:v1+s23+$0x400 ss:$0x1], $0xffff;
	_ =	sdelay $0x4  }
0xfa: {  	[tilespmem:$0x1FD90] =	vst v3;
	v3 =	vld [tilespmem:$0x1FA30];
	_ =	sdelay $0x4  }
0xfb: {  	v25 =	vadd.f32 v58, v25;
	v58 =	vmul.f32 v3, v23;
	v3 =	vld.idx.msk [tilespmem:v1+s23+$0x410 ss:$0x1], $0xffff;
	_ =	sdelay $0x4  }
0xfc: {  	[tilespmem:$0x1FDA0] =	vst v3;
	v3 =	vld [tilespmem:$0x1FA40];
	_ =	sdelay $0x4  }
0xfd: {  	v26 =	vadd.f32 v36, v26;
	v36 =	vmul.f32 v3, v23;
	v3 =	vld [tilespmem:$0x1FA50];
	_ =	sdelay $0x4  }
0xfe: {  	v29 =	vadd.f32 v37, v29;
	v37 =	vmul.f32 v3, v23;
	v3 =	vld.idx.msk [tilespmem:v1+s23+$0x420 ss:$0x1], $0xffff;
	_ =	sdelay $0x4  }
0xff: {  	[tilespmem:$0x1FDB0] =	vst v3;
	v3 =	vld [tilespmem:$0x1FA60];
	_ =	sdelay $0x4  }
0x100: {  	v27 =	vadd.f32 v40, v27;
	v40 =	vmul.f32 v3, v23;
	v3 =	vld [tilespmem:$0x1FA70];
	_ =	sdelay $0x2  }
0x101: {  	v0 =	vadd.f32 v0, v2;
	_ =	sdelay $0x1  }
0x102: {  	v0 =	vadd.f32 v48, v0;
	v48 =	vmul.f32 v3, v23;
	v3 =	vld.idx.msk [tilespmem:v1+s23+$0x430 ss:$0x1], $0xffff;
	_ =	sdelay $0x4  }
0x103: {  	[tilespmem:$0x1FDC0] =	vst v3;
	v3 =	vld [tilespmem:$0x1FA80];
	_ =	sdelay $0x4  }
0x104: {  	v23 =	vmul.f32 v3, v23;
	v3 =	vld.idx.msk [tilespmem:v1+s23+$0x440 ss:$0x1], $0xffff;
	_ =	sdelay $0x4  }
0x105: {  	[tilespmem:$0x1FDD0] =	vst v3;
	v3 =	vld [tilespmem:$0x1FA90];
	_ =	sdelay $0x4  }
0x106: {  	v28 =	vadd.f32 v50, v28;
	v50 =	vmul.f32 v3, v22;
	v3 =	vld.idx.msk [tilespmem:v1+s23+$0x450 ss:$0x1], $0xffff  }
0x107: {  	v2 =	vld [tilespmem:$0x1F9A0];
	_ =	sdelay $0x3  }
0x108: {  	[tilespmem:$0x1FDE0] =	vst v3;
	v3 =	vld [tilespmem:$0x1FAA0]  }
0x109: {  	v2 =	vmul.f32 v2, v35;
	_ =	sdelay $0x1  }
0x10a: {  	v2 =	vadd.f32 v2, v30;
	_ =	sdelay $0x1  }
0x10b: {  	v2 =	vadd.f32 v57, v2;
	v57 =	vmul.f32 v3, v22;
	v3 =	vld [tilespmem:$0x1FAB0];
	_ =	sdelay $0x4  }
0x10c: {  	v24 =	vadd.f32 v58, v24;
	v58 =	vmul.f32 v3, v22;
	v3 =	vld.idx.msk [tilespmem:v1+s23+$0x460 ss:$0x1], $0xffff;
	_ =	sdelay $0x3  }
0x10d: {  	v11 =	vld.idx.msk [tilespmem:v1+s24+$0x4C0 ss:$0x1], $0xffff  }
0x10e: {  	[tilespmem:$0x1FDF0] =	vst v3;
	v3 =	vld [tilespmem:$0x1FAC0];
	_ =	sdelay $0x3  }
0x10f: {  	[tilespmem:$0x1FAD0] =	vst v11  }
0x110: {  	v25 =	vadd.f32 v36, v25;
	v36 =	vmul.f32 v3, v22;
	v3 =	vld [tilespmem:$0x1FAD0];
	_ =	sdelay $0x3  }
0x111: {  	v42 =	vld.idx.msk [tilespmem:v1+s24+$0x4D0 ss:$0x1], $0xffff  }
0x112: {  	v26 =	vadd.f32 v37, v26;
	v37 =	vmul.f32 v3, v22;
	v3 =	vld.idx.msk [tilespmem:v1+s23+$0x470 ss:$0x1], $0xffff;
	_ =	sdelay $0x3  }
0x113: {  	[tilespmem:$0x1FAE0] =	vst v42  }
0x114: {  	[tilespmem:$0x1FE00] =	vst v3;
	v3 =	vld [tilespmem:$0x1FAE0];
	_ =	sdelay $0x4  }
0x115: {  	v27 =	vadd.f32 v48, v27;
	v48 =	vmul.f32 v3, v22;
	v3 =	vld.idx.msk [tilespmem:v1+s23+$0x480 ss:$0x1], $0xffff;
	_ =	sdelay $0x3  }
0x116: {  	v54 =	vld.idx.msk [tilespmem:v1+s24+$0x4E0 ss:$0x1], $0xffff  }
0x117: {  	[tilespmem:$0x1FE10] =	vst v3;
	v3 =	vld.idx.msk [tilespmem:v1+s23+$0x490 ss:$0x1], $0xffff;
	_ =	sdelay $0x3  }
0x118: {  	[tilespmem:$0x1FAF0] =	vst v54  }
0x119: {  	[tilespmem:$0x1FE20] =	vst v3;
	v3 =	vld [tilespmem:$0x1FAF0];
	_ =	sdelay $0x3  }
0x11a: {  	v12 =	vld.idx.msk [tilespmem:v1+s24+$0x4F0 ss:$0x1], $0xffff  }
0x11b: {  	v28 =	vadd.f32 v50, v28;
	v50 =	vmul.f32 v3, v22;
	v3 =	vld.idx.msk [tilespmem:v1+s23+$0x4A0 ss:$0x1], $0xffff;
	_ =	sdelay $0x3  }
0x11c: {  	[tilespmem:$0x1FB00] =	vst v12  }
0x11d: {  	[tilespmem:$0x1FE30] =	vst v3;
	v3 =	vld [tilespmem:$0x1FB00];
	_ =	sdelay $0x4  }
0x11e: {  	v31 =	vadd.f32 v22, v31;
	v22 =	vmul.f32 v3, v22;
	v3 =	vld.idx.msk [tilespmem:v1+s23+$0x4D0 ss:$0x1], $0xffff;
	_ =	sdelay $0x3  }
0x11f: {  	v38 =	vld.idx.msk [tilespmem:v1+s23+$0x0 ss:$0x1], $0xffff  }
0x120: {  	[tilespmem:$0x1FE40] =	vst v3;
	v3 =	vld.idx.msk [tilespmem:v1+s23+$0x4E0 ss:$0x1], $0xffff;
	_ =	sdelay $0x3  }
0x121: {  	[tilespmem:$0x1FB10] =	vst v38;
	v42 =	vld.idx.msk [tilespmem:v1+s23+$0x10 ss:$0x1], $0xffff  }
0x122: {  	[tilespmem:$0x1FE50] =	vst v3;
	v3 =	vld [tilespmem:$0x1FB10];
	_ =	sdelay $0x3  }
0x123: {  	v12 =	vld.idx.msk [tilespmem:v1+s23+$0x30 ss:$0x1], $0xffff;
	[tilespmem:$0x1FB20] =	vst v42  }
0x124: {  	v35 =	vmul.f32 v3, v20;
	v3 =	vld [tilespmem:$0x1FB20];
	_ =	sdelay $0x3  }
0x125: {  	[tilespmem:$0x1FB50] =	vst v12;
	v12 =	vld.idx.msk [tilespmem:v1+s23+$0x80 ss:$0x1], $0xffff  }
0x126: {  	v25 =	vadd.f32 v36, v25;
	v36 =	vmul.f32 v3, v20;
	v3 =	vld.idx.msk [tilespmem:v1+s23+$0x4F0 ss:$0x1], $0xffff;
	_ =	sdelay $0x3  }
0x127: {  	v42 =	vld.idx.msk [tilespmem:v1+s23+$0x50 ss:$0x1], $0xffff;
	[tilespmem:$0x1FB40] =	vst v12  }
0x128: {  	(erf) = vrcp.f32 v31;
	[tilespmem:$0x1FE60] =	vst v3;
	v3 =	vld [tilespmem:$0x1FB40];
	_ =	sdelay $0x3  }
0x129: {  	[tilespmem:$0x1FBB0] =	vst v42;
	v42 =	vld.idx.msk [tilespmem:v1+s23+$0x90 ss:$0x1], $0xffff  }
0x12a: {  	v26 =	vadd.f32 v37, v26;
	v37 =	vmul.f32 v3, v21;
	v3 =	vld [tilespmem:$0x1FB50];
	_ =	sdelay $0x2  }
0x12b: {  	v29 =	vadd.f32 v40, v29;
	v40 =	vadd.f32 v58, v24  }
0x12c: {  	v54 =	vld.idx.msk [tilespmem:v1+s23+$0x20 ss:$0x1], $0xffff;
	[tilespmem:$0x1FB60] =	vst v42;
	v31 =	vpop (erf)  }
0x12d: {  	v0 =	vadd.f32 v23, v0;
	v23 =	vmul.f32 v40, v31;
	v40 =	vmul.f32 v3, v20;
	v3 =	vld [tilespmem:$0x1FB60];
	_ =	sdelay $0x1  }
0x12e: {  	s22 =	smul.u32 $0x1400, s22  }
0x12f: {  	v38 =	vld.idx.msk [tilespmem:v1+s23+$0x40 ss:$0x1], $0xffff  }
0x130: {  	s24 =	sand.u32 $0x3FFFFF80, s21;
	s21 =	sshra.s32 s22, $0x2;
	[tilespmem:$0x1FB30] =	vst v54;
	v54 =	vld.idx.msk [tilespmem:v1+s23+$0x60 ss:$0x1], $0xffff  }
0x131: {  	v24 =	vadd.f32 v48, v29;
	v48 =	vmul.f32 v3, v21;
	v3 =	vld.idx.msk [tilespmem:v1+s21+$0x0 ss:$0x1], $0xffff;
	_ =	sdelay $0x2  }
0x132: {  	[tilespmem:$0x1FB70] =	vst v38;
	v34 =	vld [tilespmem:$0x1FFF0]  }
0x133: {  	[tilespmem:$0x1FBD0] =	vst v54;
	v54 =	vld.idx.msk [tilespmem:v1+s23+$0xA0 ss:$0x1], $0xffff  }
0x134: {  	[tilespmem:$0x1FE70] =	vst v3;
	v3 =	vld [tilespmem:$0x1FB70];
	_ =	sdelay $0x2  }
0x135: {  	v2 =	vadd.f32 v57, v2  }
0x136: {  	[tilespmem:$0x1FB80] =	vst v54;
	v28 =	vmul.f32 v28, v31  }
0x137: {  	v2 =	vmul.f32 v2, v31;
	v27 =	vadd.f32 v50, v27;
	v50 =	vmul.f32 v3, v20;
	v3 =	vld [tilespmem:$0x1FB80]  }
0x138: {  	[tilespmem:v34+s24+$0x0 ss:$0x1] =	vst.idx.msk $0xffff, v28  }
0x139: {  	[tilespmem:v34+s24+$0x10 ss:$0x1] =	vst.idx.msk $0xffff, v2;
	v2 =	vmul.f32 v25, v31  }
0x13a: {  	[tilespmem:v34+s24+$0x20 ss:$0x1] =	vst.idx.msk $0xffff, v23;
	v32 =	vmul.f32 v26, v31  }
0x13b: {  	v12 =	vld.idx.msk [tilespmem:v1+s23+$0xB0 ss:$0x1], $0xffff;
	[tilespmem:v34+s24+$0x30 ss:$0x1] =	vst.idx.msk $0xffff, v2  }
0x13c: {  	[tilespmem:v34+s24+$0x40 ss:$0x1] =	vst.idx.msk $0xffff, v32;
	v32 =	vmul.f32 v3, v21;
	v3 =	vld.idx.msk [tilespmem:v1+s21+$0x10 ss:$0x1], $0xffff;
	_ =	sdelay $0x2  }
0x13d: {  	v42 =	vld.idx.msk [tilespmem:v1+s23+$0xC0 ss:$0x1], $0xffff  }
0x13e: {  	[tilespmem:$0x1FB90] =	vst v12  }
0x13f: {  	[tilespmem:$0x1FE80] =	vst v3;
	v3 =	vld [tilespmem:$0x1FB90];
	_ =	sdelay $0x1  }
0x140: {  	v2 =	vmul.f32 v24, v31  }
0x141: {  	[tilespmem:$0x1FBA0] =	vst v42;
	v33 =	vmul.f32 v27, v31  }
0x142: {  	[tilespmem:v34+s24+$0x50 ss:$0x1] =	vst.idx.msk $0xffff, v2  }
0x143: {  	[tilespmem:v34+s24+$0x60 ss:$0x1] =	vst.idx.msk $0xffff, v33;
	v33 =	vmul.f32 v3, v21;
	v3 =	vld [tilespmem:$0x1FBA0];
	_ =	sdelay $0x4  }
0x144: {  	v24 =	vadd.f32 v37, v35;
	v35 =	vmul.f32 v3, v21;
	v3 =	vld.idx.msk [tilespmem:v1+s21+$0x20 ss:$0x1], $0xffff;
	_ =	sdelay $0x3  }
0x145: {  	v54 =	vld.idx.msk [tilespmem:v1+s23+$0xD0 ss:$0x1], $0xffff  }
0x146: {  	[tilespmem:$0x1FE90] =	vst v3;
	v3 =	vld [tilespmem:$0x1FBB0];
	_ =	sdelay $0x3  }
0x147: {  	[tilespmem:$0x1FBC0] =	vst v54  }
0x148: {  	v25 =	vadd.f32 v48, v36;
	v36 =	vmul.f32 v3, v20;
	v3 =	vld [tilespmem:$0x1FBC0];
	_ =	sdelay $0x4  }
0x149: {  	v37 =	vmul.f32 v3, v21;
	v3 =	vld.idx.msk [tilespmem:v1+s21+$0x30 ss:$0x1], $0xffff;
	_ =	sdelay $0x4  }
0x14a: {  	[tilespmem:$0x1FEA0] =	vst v3;
	v3 =	vld [tilespmem:$0x1FBD0];
	_ =	sdelay $0x3  }
0x14b: {  	v12 =	vld.idx.msk [tilespmem:v1+s23+$0xE0 ss:$0x1], $0xffff  }
0x14c: {  	v23 =	vadd.f32 v33, v40;
	v40 =	vmul.f32 v3, v20;
	v3 =	vld.idx.msk [tilespmem:v1+s21+$0x40 ss:$0x1], $0xffff;
	_ =	sdelay $0x3  }
0x14d: {  	[tilespmem:$0x1FBE0] =	vst v12  }
0x14e: {  	[tilespmem:$0x1FEB0] =	vst v3;
	v3 =	vld [tilespmem:$0x1FBE0];
	_ =	sdelay $0x3  }
0x14f: {  	v42 =	vld.idx.msk [tilespmem:v1+s23+$0xF0 ss:$0x1], $0xffff  }
0x150: {  	v48 =	vmul.f32 v3, v21;
	v3 =	vld.idx.msk [tilespmem:v1+s21+$0x50 ss:$0x1], $0xffff;
	_ =	sdelay $0x1  }
0x151: {  	v38 =	vld.idx.msk [tilespmem:v1+s23+$0x70 ss:$0x1], $0xffff  }
0x152: {  	v54 =	vld.idx.msk [tilespmem:v1+s23+$0x100 ss:$0x1], $0xffff  }
0x153: {  	[tilespmem:$0x1FBF0] =	vst v42;
	v2 =	vld [tilespmem:$0x1FB30]  }
0x154: {  	[tilespmem:$0x1FED0] =	vst v3;
	v3 =	vld [tilespmem:$0x1FBF0];
	_ =	sdelay $0x3  }
0x155: {  	v12 =	vld.idx.msk [tilespmem:v1+s23+$0x110 ss:$0x1], $0xffff;
	[tilespmem:$0x1FC00] =	vst v54;
	v29 =	vmul.f32 v38, v20  }
0x156: {  	v2 =	vmul.f32 v2, v20;
	v20 =	vadd.f32 v21, v20;
	v21 =	vmul.f32 v3, v21;
	v3 =	vld [tilespmem:$0x1FC00];
	_ =	sdelay $0x3  }
0x157: {  	[tilespmem:$0x1FC10] =	vst v12;
	v42 =	vld.idx.msk [tilespmem:v1+s23+$0x120 ss:$0x1], $0xffff  }
0x158: {  	v26 =	vadd.f32 v35, v50;
	v50 =	vmul.f32 v3, v19;
	v3 =	vld [tilespmem:$0x1FC10];
	_ =	sdelay $0x3  }
0x159: {  	[tilespmem:$0x1FC20] =	vst v42  }
0x15a: {  	v28 =	vadd.f32 v37, v36;
	v37 =	vmul.f32 v3, v19;
	v3 =	vld [tilespmem:$0x1FC20];
	_ =	sdelay $0x4  }
0x15b: {  	v27 =	vadd.f32 v48, v40;
	v40 =	vmul.f32 v3, v19;
	v3 =	vld.idx.msk [tilespmem:v1+s21+$0x70 ss:$0x1], $0xffff  }
0x15c: {  	v11 =	vld.idx.msk [tilespmem:v1+s23+$0x140 ss:$0x1], $0xffff  }
0x15d: {  	v54 =	vld.idx.msk [tilespmem:v1+s23+$0x130 ss:$0x1], $0xffff  }
0x15e: {  	v12 =	vld.idx.msk [tilespmem:v1+s23+$0x150 ss:$0x1], $0xffff  }
0x15f: {  	v42 =	vld.idx.msk [tilespmem:v1+s23+$0x160 ss:$0x1], $0xffff  }
0x160: {  	[tilespmem:$0x1FEF0] =	vst v3;
	v3 =	vld [tilespmem:$0x1FC30];
	_ =	sdelay $0x2  }
0x161: {  	v2 =	vadd.f32 v32, v2;
	v32 =	vmul.f32 v54, v19  }
0x162: {  	v33 =	vmul.f32 v11, v19;
	v35 =	vmul.f32 v12, v19  }
0x163: {  	v36 =	vmul.f32 v42, v19;
	v20 =	vadd.f32 v19, v20;
	v19 =	vmul.f32 v3, v19;
	v3 =	vld.idx.msk [tilespmem:v1+s21+$0xC0 ss:$0x1], $0xffff;
	_ =	sdelay $0x4  }
0x164: {  	[tilespmem:$0x1FEC0] =	vst v3;
	v3 =	vld.idx.msk [tilespmem:v1+s21+$0xD0 ss:$0x1], $0xffff;
	_ =	sdelay $0x3  }
0x165: {  	v46 =	vld.idx.msk [tilespmem:v1+s23+$0x190 ss:$0x1], $0xffff  }
0x166: {  	[tilespmem:$0x1FEE0] =	vst v3;
	v3 =	vld [tilespmem:$0x1FC40];
	_ =	sdelay $0x2  }
0x167: {  	v51 =	vld.idx.msk [tilespmem:v1+s23+$0x180 ss:$0x1], $0xffff  }
0x168: {  	v59 =	vld.idx.msk [tilespmem:v1+s23+$0x1B0 ss:$0x1], $0xffff  }
0x169: {  	v2 =	vadd.f32 v40, v2;
	v40 =	vmul.f32 v46, v18;
	v46 =	vmul.f32 v3, v18;
	v3 =	vld [tilespmem:$0x1FC50];
	_ =	sdelay $0x3  }
0x16a: {  	v25 =	vadd.f32 v37, v25;
	v37 =	vmul.f32 v51, v18  }
0x16b: {  	v51 =	vmul.f32 v59, v18;
	v59 =	vmul.f32 v3, v18;
	v3 =	vld.idx.msk [tilespmem:v1+s21+$0xF0 ss:$0x1], $0xffff;
	_ =	sdelay $0x4  }
0x16c: {  	[tilespmem:$0x1FF00] =	vst v3;
	v3 =	vld.idx.msk [tilespmem:v1+s21+$0x100 ss:$0x1], $0xffff;
	_ =	sdelay $0x4  }
0x16d: {  	[tilespmem:$0x1FF10] =	vst v3;
	v3 =	vld.idx.msk [tilespmem:v1+s21+$0x110 ss:$0x1], $0xffff;
	_ =	sdelay $0x4  }
0x16e: {  	[tilespmem:$0x1FF20] =	vst v3;
	v3 =	vld [tilespmem:$0x1FC60];
	_ =	sdelay $0x4  }
0x16f: {  	v28 =	vadd.f32 v35, v28;
	v35 =	vmul.f32 v3, v17;
	v3 =	vld [tilespmem:$0x1FC70]  }
0x170: {  	v52 =	vld.idx.msk [tilespmem:v1+s23+$0x1F0 ss:$0x1], $0xffff;
	v0 =	vadd.f32 v22, v0  }
0x171: {  	v55 =	vld.idx.msk [tilespmem:v1+s23+$0x1C0 ss:$0x1], $0xffff  }
0x172: {  	v47 =	vld.idx.msk [tilespmem:v1+s23+$0x1E0 ss:$0x1], $0xffff;
	v0 =	vmul.f32 v0, v31  }
0x173: {  	v44 =	vld.idx.msk [tilespmem:v1+s23+$0x2C0 ss:$0x1], $0xffff  }
0x174: {  	[tilespmem:v34+s24+$0x70 ss:$0x1] =	vst.idx.msk $0xffff, v0;
	v0 =	vadd.f32 v46, v2;
	v46 =	vmul.f32 v3, v17;
	v3 =	vld [tilespmem:$0x1FC80]  }
0x175: {  	v43 =	vld.idx.msk [tilespmem:v1+s23+$0x2F0 ss:$0x1], $0xffff  }
0x176: {  	v53 =	vld.idx.msk [tilespmem:v1+s23+$0x320 ss:$0x1], $0xffff  }
0x177: {  	v39 =	vld.idx.msk [tilespmem:v1+s23+$0x290 ss:$0x1], $0xffff  }
0x178: {  	v45 =	vld.idx.msk [tilespmem:v1+s23+$0x2B0 ss:$0x1], $0xffff  }
0x179: {  	v26 =	vadd.f32 v33, v26;
	v33 =	vmul.f32 v47, v18;
	v47 =	vmul.f32 v3, v17;
	v3 =	vld [tilespmem:$0x1FC90]  }
0x17a: {  	v49 =	vld.idx.msk [tilespmem:v1+s23+$0x300 ss:$0x1], $0xffff  }
0x17b: {  	v41 =	vld.idx.msk [tilespmem:v1+s23+$0x2A0 ss:$0x1], $0xffff  }
0x17c: {  	v60 =	vld.idx.msk [tilespmem:v1+s23+$0x330 ss:$0x1], $0xffff;
	v23 =	vadd.f32 v32, v23  }
0x17d: {  	v56 =	vld.idx.msk [tilespmem:v1+s23+$0x310 ss:$0x1], $0xffff  }
0x17e: {  	v2 =	vadd.f32 v51, v23;
	v51 =	vmul.f32 v3, v17;
	v3 =	vld [tilespmem:$0x1FCA0]  }
0x17f: {  	v4 =	vld.idx.msk [tilespmem:v1+s23+$0x2E0 ss:$0x1], $0xffff  }
0x180: {  	v61 =	vld.idx.msk [tilespmem:v1+s23+$0x340 ss:$0x1], $0xffff  }
0x181: {  	v62 =	vld.idx.msk [tilespmem:v1+s23+$0x350 ss:$0x1], $0xffff  }
0x182: {  	v55 =	vmul.f32 v55, v18;
	v63 =	vld.idx.msk [tilespmem:v1+s23+$0x360 ss:$0x1], $0xffff  }
0x183: {  	v20 =	vadd.f32 v18, v20;
	v18 =	vmul.f32 v52, v18;
	v52 =	vmul.f32 v3, v17;
	v3 =	vld.idx.msk [tilespmem:v1+s21+$0x150 ss:$0x1], $0xffff  }
0x184: {  	v30 =	vld.idx.msk [tilespmem:v1+s21+$0x200 ss:$0x1], $0xffff  }
0x185: {  	v57 =	vld.idx.msk [tilespmem:v1+s23+$0x4B0 ss:$0x1], $0xffff  }
0x186: {  	v58 =	vld.idx.msk [tilespmem:v1+s23+$0x4C0 ss:$0x1], $0xffff  }
0x187: {  	v38 =	vld.idx.msk [tilespmem:v1+s21+$0x60 ss:$0x1], $0xffff  }
0x188: {  	[tilespmem:$0x1FF30] =	vst v3;
	v3 =	vld [tilespmem:$0x1FCB0]  }
0x189: {  	v22 =	vld.idx.msk [tilespmem:v8+s14+$0x0], $0xffff  }
0x18a: {  	v31 =	vld.idx.msk [tilespmem:v1+s21+$0x170 ss:$0x1], $0xffff  }
0x18b: {  	v54 =	vld.idx.msk [tilespmem:v1+s21+$0x90 ss:$0x1], $0xffff  }
0x18c: {  	v32 =	vld [tilespmem:$0x1FD50]  }
0x18d: {  	v23 =	vadd.f32 v55, v26;
	v55 =	vmul.f32 v3, v17;
	v3 =	vld [tilespmem:$0x1FCC0]  }
0x18e: {  	v12 =	vld.idx.msk [tilespmem:v1+s21+$0xE0 ss:$0x1], $0xffff  }
0x18f: {  	v42 =	vld.idx.msk [tilespmem:v1+s21+$0xB0 ss:$0x1], $0xffff  }
0x190: {  	v48 =	vld.idx.msk [tilespmem:v1+s21+$0x80 ss:$0x1], $0xffff  }
0x191: {  	v27 =	vadd.f32 v36, v27;
	v36 =	vld.idx.msk [tilespmem:v1+s21+$0x160 ss:$0x1], $0xffff  }
0x192: {  	v20 =	vadd.f32 v17, v20;
	v11 =	vadd.f32 v59, v28;
	v59 =	vmul.f32 v3, v17;
	v3 =	vld [tilespmem:$0x1FCD0]  }
0x193: {  	v21 =	vadd.f32 v21, v29;
	v29 =	vld.idx.msk [tilespmem:v1+s21+$0x1C0 ss:$0x1], $0xffff;
	v24 =	vadd.f32 v50, v24  }
0x194: {  	v50 =	vld.idx.msk [tilespmem:v1+s21+$0xA0 ss:$0x1], $0xffff  }
0x195: {  	v20 =	vadd.f32 v16, v20;
	v24 =	vadd.f32 v37, v24;
	v37 =	vld.idx.msk [tilespmem:v1+s21+$0x130 ss:$0x1], $0xffff  }
0x196: {  	v19 =	vadd.f32 v19, v21;
	v21 =	vadd.f32 v40, v25;
	v40 =	vld.idx.msk [tilespmem:v1+s21+$0x120 ss:$0x1], $0xffff  }
0x197: {  	v17 =	vmul.f32 v3, v17;
	v3 =	vld [tilespmem:$0x1FCE0]  }
0x198: {  	v20 =	vadd.f32 v15, v20;
	v26 =	vadd.f32 v33, v27;
	v33 =	vld.idx.msk [tilespmem:v1+s21+$0x180 ss:$0x1], $0xffff  }
0x199: {  	v27 =	vld.idx.msk [tilespmem:v1+s21+$0x190 ss:$0x1], $0xffff;
	v18 =	vadd.f32 v18, v19;
	v19 =	vadd.f32 v35, v24  }
0x19a: {  	v35 =	vld.idx.msk [tilespmem:v1+s21+$0x140 ss:$0x1], $0xffff;
	v21 =	vadd.f32 v46, v21;
	v46 =	vmul.f32 v39, v16;
	v0 =	vadd.f32 v47, v0  }
0x19b: {  	v39 =	vld.idx.msk [tilespmem:v1+s21+$0x220 ss:$0x1], $0xffff;
	v47 =	vmul.f32 v41, v16;
	v2 =	vadd.f32 v51, v2;
	v51 =	vmul.f32 v45, v16  }
0x19c: {  	v23 =	vadd.f32 v52, v23;
	v24 =	vadd.f32 v55, v11;
	v11 =	vmul.f32 v3, v16;
	v3 =	vld.idx.msk [tilespmem:v1+s21+$0x1A0 ss:$0x1], $0xffff  }
0x19d: {  	v41 =	vld.idx.msk [tilespmem:v1+s21+$0x1B0 ss:$0x1], $0xffff;
	v52 =	vmul.f32 v44, v16;
	v44 =	vmul.f32 v56, v15;
	v56 =	vadd.f32 v14, v20  }
0x19e: {  	v2 =	vadd.f32 v51, v2;
	v51 =	vld [tilespmem:$0x1FD00];
	v25 =	vadd.f32 v59, v26;
	v59 =	vmul.f32 v4, v16  }
0x19f: {  	v28 =	vadd.f32 v13, v56;
	v56 =	vld [tilespmem:$0x1FD90]  }
0x1a0: {  	v19 =	vadd.f32 v11, v19;
	v11 =	vadd.f32 v59, v25;
	v59 =	vld [tilespmem:$0x1FD20]  }
0x1a1: {  	v17 =	vadd.f32 v17, v18;
	v18 =	vadd.f32 v46, v21;
	[tilespmem:$0x1FF50] =	vst v3;
	v3 =	vld [tilespmem:$0x1FCF0]  }
0x1a2: {  	v23 =	vadd.f32 v52, v23;
	v52 =	vld [tilespmem:$0x1FD10];
	v46 =	vmul.f32 v60, v15  }
0x1a3: {  	v18 =	vadd.f32 v44, v18;
	v44 =	vld.idx.msk [tilespmem:v1+s21+$0x250 ss:$0x1], $0xffff  }
0x1a4: {  	v2 =	vadd.f32 v46, v2;
	v46 =	vld [tilespmem:$0x1FD60]  }
0x1a5: {  	v0 =	vadd.f32 v47, v0;
	v47 =	vmul.f32 v61, v15;
	v25 =	vld.idx.msk [tilespmem:v1+s21+$0x210 ss:$0x1], $0xffff;
	v61 =	vmul.f32 v59, v14  }
0x1a6: {  	v59 =	vmul.f32 v56, v13;
	v56 =	vld [tilespmem:$0x1FE80];
	v55 =	vmul.f32 v3, v16  }
0x1a7: {  	v45 =	vmul.f32 v53, v15;
	v16 =	vmul.f32 v43, v16;
	v3 =	vld.idx.msk [tilespmem:v1+s21+$0x1D0 ss:$0x1], $0xffff  }
0x1a8: {  	v21 =	vadd.f32 v55, v24;
	v55 =	vld.idx.msk [tilespmem:v1+s21+$0x230 ss:$0x1], $0xffff  }
0x1a9: {  	v43 =	vmul.f32 v49, v15;
	v16 =	vadd.f32 v16, v17;
	v17 =	vadd.f32 v45, v0;
	v45 =	vld.idx.msk [tilespmem:v1+s21+$0x240 ss:$0x1], $0xffff  }
0x1aa: {  	v49 =	vmul.f32 v63, v15;
	v0 =	vmul.f32 v62, v15;
	v62 =	vld [tilespmem:$0x1FD30]  }
0x1ab: {  	v24 =	vld [tilespmem:$0x1FD40]  }
0x1ac: {  	v60 =	vadd.f32 v49, v11;
	v49 =	vld.idx.msk [tilespmem:v1+s21+$0x270 ss:$0x1], $0xffff  }
0x1ad: {  	v15 =	vmul.f32 v51, v15;
	v51 =	vld [tilespmem:$0x1FD70]  }
0x1ae: {  	v53 =	vmul.f32 v52, v14;
	v19 =	vadd.f32 v43, v19;
	v43 =	vmul.f32 v32, v14;
	v32 =	vld.idx.msk [tilespmem:v1+s21+$0x290 ss:$0x1], $0xffff  }
0x1af: {  	v0 =	vadd.f32 v0, v21;
	v21 =	vld.idx.msk [tilespmem:v1+s21+$0x280 ss:$0x1], $0xffff  }
0x1b0: {  	v16 =	vadd.f32 v15, v16;
	v15 =	vadd.f32 v53, v19;
	v19 =	vld [tilespmem:$0x1FDA0]  }
0x1b1: {  	v53 =	vadd.f32 v10, v28;
	v28 =	vld [tilespmem:$0x1FDC0]  }
0x1b2: {  	[tilespmem:$0x1FF60] =	vst v3;
	v3 =	vld.idx.msk [tilespmem:v1+s21+$0x1E0 ss:$0x1], $0xffff  }
0x1b3: {  	v15 =	vadd.f32 v59, v15;
	v59 =	vld.idx.msk [tilespmem:v1+s21+$0x2E0 ss:$0x1], $0xffff  }
0x1b4: {  	(erf) = vrcp.f32 v53;
	v53 =	vld [tilespmem:$0x1FE70]  }
0x1b5: {  	[tilespmem:$0x1FF90] =	vst v55;
	v55 =	vld [tilespmem:$0x1FD80]  }
0x1b6: {  	v26 =	vmul.f32 v24, v14;
	v24 =	vld [tilespmem:$0x1FDB0]  }
0x1b7: {  	v63 =	vmul.f32 v62, v14;
	v62 =	vld.idx.msk [tilespmem:v1+s21+$0x2B0 ss:$0x1], $0xffff  }
0x1b8: {  	v52 =	vmul.f32 v51, v14;
	v51 =	vld.idx.msk [tilespmem:v1+s21+$0x350 ss:$0x1], $0xffff  }
0x1b9: {  	v20 =	vmul.f32 v19, v13;
	v19 =	vld [tilespmem:$0x1FDF0]  }
0x1ba: {  	v4 =	vadd.f32 v61, v18;
	[tilespmem:$0x1FF70] =	vst v3;
	v3 =	vld.idx.msk [tilespmem:v1+s21+$0x1F0 ss:$0x1], $0xffff  }
0x1bb: {  	v61 =	vadd.f32 v63, v17;
	v17 =	vadd.f32 v52, v60;
	v60 =	vld.idx.msk [tilespmem:v1+s21+$0x2A0 ss:$0x1], $0xffff  }
0x1bc: {  	v63 =	vld [tilespmem:$0x1FDE0]  }
0x1bd: {  	v2 =	vadd.f32 v26, v2;
	v26 =	vmul.f32 v24, v13;
	v24 =	vld [tilespmem:$0x1FE00]  }
0x1be: {  	v4 =	vadd.f32 v20, v4;
	v20 =	vmul.f32 v19, v13;
	v19 =	vld [tilespmem:$0x1FE50]  }
0x1bf: {  	[tilespmem:$0x1FF80] =	vst v3;
	v3 =	vadd.f32 v47, v23;
	v23 =	vld.idx.msk [tilespmem:v1+s21+$0x260 ss:$0x1], $0xffff  }
0x1c0: {  	v47 =	vmul.f32 v46, v14;
	v46 =	vld [tilespmem:$0x1FDD0]  }
0x1c1: {  	v14 =	vmul.f32 v55, v14;
	v55 =	vld [tilespmem:$0x1FE20]  }
0x1c2: {  	v17 =	vadd.f32 v20, v17;
	v20 =	vld [tilespmem:$0x1FE30]  }
0x1c3: {  	v3 =	vadd.f32 v43, v3;
	v43 =	vmul.f32 v28, v13;
	v28 =	vld.idx.msk [tilespmem:v1+s21+$0x2C0 ss:$0x1], $0xffff  }
0x1c4: {  	v16 =	vadd.f32 v14, v16;
	v14 =	vadd.f32 v26, v61;
	v61 =	vld.idx.msk [tilespmem:v1+s21+$0x2D0 ss:$0x1], $0xffff;
	v52 =	vmul.f32 v24, v13  }
0x1c5: {  	v26 =	vld [tilespmem:$0x1FE10]  }
0x1c6: {  	v52 =	vadd.f32 v52, v16;
	v16 =	vld [tilespmem:$0x1FE40]  }
0x1c7: {  	v18 =	vmul.f32 v63, v13;
	v0 =	vadd.f32 v47, v0;
	v47 =	vmul.f32 v46, v13;
	v13 =	vld.idx.msk [tilespmem:v1+s21+$0x2F0 ss:$0x1], $0xffff  }
0x1c8: {  	v63 =	vmul.f32 v55, v10;
	v55 =	vld.idx.msk [tilespmem:v1+s21+$0x300 ss:$0x1], $0xffff  }
0x1c9: {  	v46 =	vld.idx.msk [tilespmem:v1+s21+$0x380 ss:$0x1], $0xffff;
	v24 =	vmul.f32 v20, v10  }
0x1ca: {  	v56 =	vmul.f32 v56, v22;
	v20 =	vmul.f32 v19, v10;
	v19 =	vld.idx.msk [tilespmem:v1+s21+$0x360 ss:$0x1], $0xffff  }
0x1cb: {  	v2 =	vadd.f32 v43, v2;
	v43 =	vmul.f32 v26, v10;
	v14 =	vadd.f32 v24, v14;
	v24 =	vld [tilespmem:$0x1FE60]  }
0x1cc: {  	v0 =	vadd.f32 v18, v0;
	v26 =	vmul.f32 v57, v10;
	v57 =	vld.idx.msk [tilespmem:v1+s21+$0x310 ss:$0x1], $0xffff;
	v4 =	vadd.f32 v63, v4  }
0x1cd: {  	v17 =	vadd.f32 v20, v17;
	v20 =	vmul.f32 v54, v7;
	v54 =	vld [tilespmem:$0x1FEB0];
	v15 =	vadd.f32 v43, v15  }
0x1ce: {  	v3 =	vadd.f32 v47, v3;
	v43 =	vmul.f32 v58, v10;
	v58 =	vld.idx.msk [tilespmem:v1+s21+$0x320 ss:$0x1], $0xffff;
	v18 =	vmul.f32 v16, v10;
	v63 =	vpop (erf)  }
0x1cf: {  	v2 =	vadd.f32 v26, v2;
	v26 =	vld.idx.msk [tilespmem:v1+s21+$0x330 ss:$0x1], $0xffff;
	v47 =	vmul.f32 v4, v63;
	v15 =	vmul.f32 v15, v63  }
0x1d0: {  	s22 =	sand.u32 $0x3FFFFF80, s20;
	v16 =	vld [tilespmem:$0x1FE90];
	v14 =	vmul.f32 v14, v63;
	v3 =	vadd.f32 v43, v3;
	v43 =	vmul.f32 v24, v10  }
0x1d1: {  	v56 =	vadd.f32 v20, v56;
	v20 =	vld [tilespmem:$0x1FED0];
	v0 =	vadd.f32 v18, v0;
	[tilespmem:v34+s22+$0x0 ss:$0x1] =	vst.idx.msk $0xffff, v15  }
0x1d2: {  	v18 =	vmul.f32 v48, v7;
	v48 =	vld.idx.msk [tilespmem:v1+s21+$0x390 ss:$0x1], $0xffff;
	[tilespmem:v34+s22+$0x10 ss:$0x1] =	vst.idx.msk $0xffff, v47;
	v4 =	vadd.f32 v43, v52  }
0x1d3: {  	v24 =	vld.idx.msk [tilespmem:v1+s21+$0x340 ss:$0x1], $0xffff;
	v52 =	vmul.f32 v2, v63;
	[tilespmem:v34+s22+$0x20 ss:$0x1] =	vst.idx.msk $0xffff, v14;
	v14 =	vmul.f32 v53, v22  }
0x1d4: {  	v3 =	vmul.f32 v3, v63;
	v53 =	vmul.f32 v42, v7;
	v42 =	vld [tilespmem:$0x1FEE0]  }
0x1d5: {  	[tilespmem:v34+s22+$0x30 ss:$0x1] =	vst.idx.msk $0xffff, v52;
	v14 =	vadd.f32 v18, v14;
	v18 =	vld [tilespmem:$0x1FEC0]  }
0x1d6: {  	[tilespmem:v34+s22+$0x40 ss:$0x1] =	vst.idx.msk $0xffff, v3;
	v3 =	vld [tilespmem:$0x1FEA0]  }
0x1d7: {  	v10 =	vld.idx.msk [tilespmem:v1+s21+$0x410 ss:$0x1], $0xffff  }
0x1d8: {  	v15 =	vmul.f32 v16, v22;
	v16 =	vmul.f32 v50, v7;
	v50 =	vld.idx.msk [tilespmem:v1+s21+$0x3B0 ss:$0x1], $0xffff  }
0x1d9: {  	[tilespmem:$0x1FFA0] =	vst v49;
	v49 =	vmul.f32 v54, v22;
	v2 =	vld.idx.msk [tilespmem:v1+s21+$0x370 ss:$0x1], $0xffff  }
0x1da: {  	v43 =	vld.idx.msk [tilespmem:v1+s21+$0x3C0 ss:$0x1], $0xffff;
	v47 =	vmul.f32 v20, v22;
	v11 =	vmul.f32 v42, v7  }
0x1db: {  	v15 =	vadd.f32 v16, v15;
	v16 =	vld [tilespmem:$0x1FF00];
	v54 =	vmul.f32 v18, v7;
	v3 =	vmul.f32 v3, v22  }
0x1dc: {  	v12 =	vmul.f32 v12, v7;
	v42 =	vadd.f32 v11, v47;
	v47 =	vld [tilespmem:$0x1FEF0]  }
0x1dd: {  	v20 =	vld [tilespmem:$0x1FF10];
	v3 =	vadd.f32 v53, v3;
	v53 =	vadd.f32 v54, v49;
	v54 =	vmul.f32 v38, v22  }
0x1de: {  	v52 =	vld.idx.msk [tilespmem:v1+s21+$0x3A0 ss:$0x1], $0xffff  }
0x1df: {  	v17 =	vmul.f32 v17, v63;
	v54 =	vadd.f32 v12, v54;
	v12 =	vld [tilespmem:$0x1FF20]  }
0x1e0: {  	v0 =	vmul.f32 v0, v63;
	v4 =	vmul.f32 v4, v63;
	v63 =	vld [tilespmem:$0x1FFE0]  }
0x1e1: {  	v18 =	vld.idx.msk [tilespmem:v1+s21+$0x3D0 ss:$0x1], $0xffff;
	v38 =	vmul.f32 v47, v22;
	v22 =	vadd.f32 v7, v22;
	v7 =	vmul.f32 v16, v7  }
0x1e2: {  	v11 =	vmul.f32 v20, v9;
	v20 =	vmul.f32 v37, v9;
	v37 =	vld.idx.msk [tilespmem:v1+s21+$0x420 ss:$0x1], $0xffff  }
0x1e3: {  	v49 =	vld.idx.msk [tilespmem:v1+s21+$0x3E0 ss:$0x1], $0xffff;
	v7 =	vadd.f32 v7, v38;
	v38 =	vmul.f32 v40, v9  }
0x1e4: {  	v47 =	vld.idx.msk [tilespmem:v1+s21+$0x3F0 ss:$0x1], $0xffff;
	v12 =	vmul.f32 v12, v9  }
0x1e5: {  	[tilespmem:v34+s22+$0x50 ss:$0x1] =	vst.idx.msk $0xffff, v0;
	v16 =	vld.idx.msk [tilespmem:v1+s21+$0x400 ss:$0x1], $0xffff;
	v0 =	vadd.f32 v38, v15  }
0x1e6: {  	v15 =	vadd.f32 v20, v3;
	v3 =	vld [tilespmem:$0x1FF30];
	v12 =	vadd.f32 v12, v56;
	v56 =	vmul.f32 v35, v9  }
0x1e7: {  	v40 =	vld.idx.msk [tilespmem:v1+s21+$0x440 ss:$0x1], $0xffff  }
0x1e8: {  	v11 =	vadd.f32 v11, v14;
	v14 =	vadd.f32 v56, v53;
	v56 =	vld [tilespmem:$0x1FF40]  }
0x1e9: {  	v38 =	vld.idx.msk [tilespmem:v1+s21+$0x460 ss:$0x1], $0xffff  }
0x1ea: {  	v35 =	vld.idx.msk [tilespmem:v1+s21+$0x430 ss:$0x1], $0xffff  }
0x1eb: {  	v3 =	vmul.f32 v3, v9;
	v53 =	vmul.f32 v36, v9;
	v36 =	vld.idx.msk [tilespmem:v1+s21+$0x450 ss:$0x1], $0xffff  }
0x1ec: {  	s24 =	sor.u32 $0x3, s18;
	v22 =	vadd.f32 v9, v22;
	v9 =	vmul.f32 v31, v9;
	v31 =	vld.idx.msk [tilespmem:v1+s21+$0x480 ss:$0x1], $0xffff  }
0x1ed: {  	s20 =	sshll.u32 s24, $0x7;
	v42 =	vadd.f32 v3, v42;
	v53 =	vadd.f32 v53, v54;
	v20 =	vmul.f32 v27, v56;
	v27 =	vld.idx.msk [tilespmem:v1+s21+$0x470 ss:$0x1], $0xffff  }
0x1ee: {  	v3 =	vmul.f32 v33, v56;
	v33 =	vld.idx.msk [tilespmem:v1+s21+$0x490 ss:$0x1], $0xffff;
	v54 =	vmul.f32 v41, v56;
	v41 =	vadd.s32 s20, v63  }
0x1ef: {  	[tilespmem:v34+s22+$0x60 ss:$0x1] =	vst.idx.msk $0xffff, v17;
	v17 =	vor.u32 $0x9, v8;
	v8 =	vbroadcast v41, $0x0;
	v41 =	vld [tilespmem:$0x1FF60]  }
0x1f0: {  	v11 =	vadd.f32 v3, v11;
	v3 =	vld [tilespmem:$0x1FF50]  }
0x1f1: {  	v15 =	vadd.f32 v54, v15;
	v54 =	vld [tilespmem:$0x1FF70]  }
0x1f2: {  	v29 =	vmul.f32 v29, v56;
	v63 =	vld [tilespmem:$0x1FF80]  }
0x1f3: {  	v25 =	vmul.f32 v25, v5;
	v12 =	vadd.f32 v20, v12;
	v20 =	vld.idx.msk [tilespmem:v1+s21+$0x4A0 ss:$0x1], $0xffff  }
0x1f4: {  	v14 =	vadd.f32 v29, v14;
	v29 =	vld.idx.msk [tilespmem:v1+s21+$0x4D0 ss:$0x1], $0xffff  }
0x1f5: {  	v7 =	vadd.f32 v9, v7;
	v12 =	vadd.f32 v25, v12;
	v25 =	vld.idx.msk [tilespmem:v17+s14+$0x0], $0xffff;
	v9 =	vmul.f32 v41, v56  }
0x1f6: {  	v41 =	vld.idx.msk [tilespmem:v1+s21+$0x4C0 ss:$0x1], $0xffff;
	v3 =	vmul.f32 v3, v56;
	v54 =	vmul.f32 v54, v56  }
0x1f7: {  	v22 =	vadd.f32 v56, v22;
	v56 =	vmul.f32 v63, v56;
	v63 =	vmul.f32 v30, v5;
	v30 =	vld.idx.msk [tilespmem:v1+s21+$0x4E0 ss:$0x1], $0xffff  }
0x1f8: {  	s23 =	smul.u32 $0x1400, s24;
	v42 =	vadd.f32 v9, v42;
	v9 =	vld.idx.msk [tilespmem:v1+s21+$0x4F0 ss:$0x1], $0xffff  }
0x1f9: {  	v53 =	vadd.f32 v54, v53;
	v54 =	vadd.f32 v56, v7;
	v7 =	vmul.f32 v39, v5;
	v39 =	vld [tilespmem:$0x1FF90]  }
0x1fa: {  	s24 =	sshra.s32 s23, $0x2;
	v44 =	vmul.f32 v44, v5;
	v0 =	vadd.f32 v3, v0;
	v3 =	vld.idx.msk [tilespmem:v1+s21+$0x4B0 ss:$0x1], $0xffff  }
0x1fb: {  	v11 =	vadd.f32 v63, v11;
	v63 =	vmul.f32 v45, v5;
	v45 =	vmul.f32 v23, v5;
	v23 =	vld.idx.msk [tilespmem:v1+s24+$0x10 ss:$0x1], $0xffff  }
0x1fc: {  	v17 =	vadd.f32 v7, v0;
	v0 =	vld.idx.msk [tilespmem:v8+s14+$0x0], $0xffff  }
0x1fd: {  	[tilespmem:v34+s22+$0x70 ss:$0x1] =	vst.idx.msk $0xffff, v4;
	v42 =	vadd.f32 v44, v42;
	v44 =	vadd.f32 v45, v53;
	v53 =	vld [tilespmem:$0x1FFA0]  }
0x1fe: {  	v4 =	vadd.f32 v63, v14;
	v63 =	vmul.f32 v21, v6;
	v21 =	vld.idx.msk [tilespmem:v1+s24+$0x20 ss:$0x1], $0xffff;
	v56 =	vmul.f32 v39, v5  }
0x1ff: {  	v32 =	vmul.f32 v32, v6;
	v62 =	vmul.f32 v62, v6;
	v7 =	vld.idx.msk [tilespmem:v1+s24+$0x30 ss:$0x1], $0xffff  }
0x200: {  	v60 =	vmul.f32 v60, v6;
	v22 =	vadd.f32 v5, v22;
	v14 =	vld.idx.msk [tilespmem:v1+s24+$0x60 ss:$0x1], $0xffff;
	v39 =	vadd.f32 v56, v15  }
0x201: {  	v12 =	vadd.f32 v32, v12;
	v45 =	vld.idx.msk [tilespmem:v1+s24+$0x90 ss:$0x1], $0xffff;
	v11 =	vadd.f32 v63, v11  }
0x202: {  	v28 =	vmul.f32 v28, v6;
	v32 =	vadd.f32 v60, v17;
	v39 =	vadd.f32 v62, v39;
	v62 =	vld [tilespmem:$0x1FFB0]  }
0x203: {  	v17 =	vld.idx.msk [tilespmem:v1+s24+$0x50 ss:$0x1], $0xffff;
	v63 =	vmul.f32 v61, v6;
	v5 =	vmul.f32 v53, v5;
	v53 =	vor.u32 $0x1, v8  }
0x204: {  	v22 =	vadd.f32 v6, v22;
	v60 =	vmul.f32 v59, v6;
	v61 =	vmul.f32 v13, v6;
	v6 =	vld.idx.msk [tilespmem:v1+s24+$0x70 ss:$0x1], $0xffff  }
0x205: {  	v56 =	vld.idx.msk [tilespmem:v1+s24+$0x0 ss:$0x1], $0xffff  }
0x206: {  	v42 =	vadd.f32 v63, v42;
	v15 =	vld.idx.msk [tilespmem:v1+s24+$0x40 ss:$0x1], $0xffff  }
0x207: {  	v5 =	vadd.f32 v5, v54;
	v54 =	vld.idx.msk [tilespmem:v1+s24+$0x80 ss:$0x1], $0xffff;
	v63 =	vmul.f32 v55, v62;
	v57 =	vmul.f32 v57, v62  }
0x208: {  	v4 =	vadd.f32 v28, v4;
	v13 =	vld.idx.msk [tilespmem:v53+s14+$0x0], $0xffff;
	v58 =	vmul.f32 v58, v62;
	v26 =	vmul.f32 v26, v62  }
0x209: {  	v44 =	vadd.f32 v60, v44;
	v24 =	vmul.f32 v24, v62;
	v60 =	vmul.f32 v51, v62;
	v51 =	vld.idx.msk [tilespmem:v1+s24+$0xB0 ss:$0x1], $0xffff  }
0x20a: {  	v22 =	vadd.f32 v62, v22;
	v19 =	vmul.f32 v19, v62;
	v2 =	vmul.f32 v2, v62;
	v62 =	vld [tilespmem:$0x1FFC0]  }
0x20b: {  	v28 =	vadd.f32 v58, v32;
	v32 =	vld.idx.msk [tilespmem:v1+s24+$0xA0 ss:$0x1], $0xffff  }
0x20c: {  	v4 =	vadd.f32 v24, v4;
	v24 =	vld.idx.msk [tilespmem:v1+s24+$0xC0 ss:$0x1], $0xffff  }
0x20d: {  	v30 =	vmul.f32 v30, v25;
	v19 =	vadd.f32 v19, v44;
	v44 =	vld.idx.msk [tilespmem:v1+s24+$0xE0 ss:$0x1], $0xffff  }
0x20e: {  	v9 =	vmul.f32 v9, v25;
	v3 =	vmul.f32 v3, v25;
	v5 =	vadd.f32 v61, v5;
	v58 =	vld [tilespmem:$0x1FFD0]  }
0x20f: {  	v23 =	vmul.f32 v23, v0;
	v26 =	vadd.f32 v26, v39;
	v39 =	vadd.f32 v60, v42;
	v42 =	vld.idx.msk [tilespmem:v1+s24+$0x100 ss:$0x1], $0xffff  }
0x210: {  	v61 =	vor.u32 $0x2, v8;
	v11 =	vadd.f32 v63, v11;
	v63 =	vmul.f32 v46, v62;
	v46 =	vld.idx.msk [tilespmem:v1+s24+$0xD0 ss:$0x1], $0xffff  }
0x211: {  	v21 =	vmul.f32 v21, v0;
	v5 =	vadd.f32 v2, v5;
	v2 =	vmul.f32 v48, v62;
	v48 =	vld.idx.msk [tilespmem:v1+s24+$0xF0 ss:$0x1], $0xffff  }
0x212: {  	v7 =	vmul.f32 v7, v0;
	v59 =	vmul.f32 v49, v62;
	v49 =	vld.idx.msk [tilespmem:v1+s24+$0x110 ss:$0x1], $0xffff  }
0x213: {  	v12 =	vadd.f32 v57, v12;
	v57 =	vmul.f32 v52, v62;
	v60 =	vmul.f32 v47, v62;
	v47 =	vld.idx.msk [tilespmem:v1+s24+$0x180 ss:$0x1], $0xffff  }
0x214: {  	v43 =	vmul.f32 v43, v62;
	v52 =	vmul.f32 v45, v13;
	v45 =	vld.idx.msk [tilespmem:v1+s24+$0x2C0 ss:$0x1], $0xffff  }
0x215: {  	v14 =	vmul.f32 v14, v0;
	v18 =	vmul.f32 v18, v62;
	v12 =	vadd.f32 v2, v12;
	v2 =	vld.idx.msk [tilespmem:v61+s14+$0x0], $0xffff  }
0x216: {  	v17 =	vmul.f32 v17, v0;
	v22 =	vadd.f32 v62, v22;
	v4 =	vadd.f32 v43, v4;
	v43 =	vld.idx.msk [tilespmem:v1+s24+$0x130 ss:$0x1], $0xffff  }
0x217: {  	v50 =	vmul.f32 v50, v62;
	v18 =	vadd.f32 v18, v39;
	v16 =	vmul.f32 v16, v58;
	v39 =	vld.idx.msk [tilespmem:v1+s24+$0x140 ss:$0x1], $0xffff  }
0x218: {  	v11 =	vadd.f32 v63, v11;
	v10 =	vmul.f32 v10, v58;
	v63 =	vmul.f32 v40, v58;
	v40 =	vld.idx.msk [tilespmem:v1+s24+$0x150 ss:$0x1], $0xffff  }
0x219: {  	v22 =	vadd.f32 v58, v22;
	v37 =	vmul.f32 v37, v58;
	v53 =	vmul.f32 v36, v58;
	v36 =	vld.idx.msk [tilespmem:v1+s24+$0x160 ss:$0x1], $0xffff  }
0x21a: {  	v28 =	vadd.f32 v57, v28;
	v62 =	vmul.f32 v35, v58;
	v55 =	vmul.f32 v38, v58;
	v35 =	vld.idx.msk [tilespmem:v1+s24+$0x170 ss:$0x1], $0xffff  }
0x21b: {  	v19 =	vadd.f32 v59, v19;
	v27 =	vmul.f32 v27, v58;
	v58 =	vmul.f32 v33, v25;
	v33 =	vld.idx.msk [tilespmem:v1+s24+$0x1A0 ss:$0x1], $0xffff  }
0x21c: {  	v5 =	vadd.f32 v60, v5;
	v59 =	vmul.f32 v20, v25;
	v60 =	vmul.f32 v41, v25;
	v20 =	vld.idx.msk [tilespmem:v1+s24+$0x220 ss:$0x1], $0xffff  }
0x21d: {  	v26 =	vadd.f32 v50, v26;
	v41 =	vmul.f32 v56, v0;
	v56 =	vmul.f32 v24, v13;
	v24 =	vld.idx.msk [tilespmem:v1+s24+$0x260 ss:$0x1], $0xffff  }
0x21e: {  	v6 =	vmul.f32 v6, v0;
	v23 =	vadd.f32 v52, v23;
	v5 =	vadd.f32 v27, v5;
	v27 =	vld.idx.msk [tilespmem:v1+s24+$0x190 ss:$0x1], $0xffff  }
0x21f: {  	v11 =	vadd.f32 v16, v11;
	v16 =	vadd.f32 v62, v26;
	v62 =	vmul.f32 v29, v25;
	v29 =	vld.idx.msk [tilespmem:v1+s24+$0x1C0 ss:$0x1], $0xffff  }
0x220: {  	v15 =	vmul.f32 v15, v0;
	v0 =	vadd.f32 v13, v0;
	v22 =	vadd.f32 v25, v22;
	v26 =	vld.idx.msk [tilespmem:v1+s24+$0x230 ss:$0x1], $0xffff  }
0x221: {  	v61 =	vor.u32 $0x3, v8;
	v10 =	vadd.f32 v10, v12;
	v50 =	vadd.f32 v37, v28;
	v37 =	vld.idx.msk [tilespmem:v1+s24+$0x250 ss:$0x1], $0xffff  }
0x222: {  	v57 =	vmul.f32 v31, v25;
	v4 =	vadd.f32 v63, v4;
	v18 =	vadd.f32 v53, v18;
	v25 =	vld.idx.msk [tilespmem:v1+s24+$0x270 ss:$0x1], $0xffff  }
0x223: {  	v19 =	vadd.f32 v55, v19;
	v53 =	vor.u32 $0x5, v8;
	v15 =	vadd.f32 v56, v15;
	v56 =	vld.idx.msk [tilespmem:v1+s24+$0x320 ss:$0x1], $0xffff  }
0x224: {  	v55 =	vmul.f32 v51, v13;
	(erf) = vrcp.f32 v22;
	v22 =	vld.idx.msk [tilespmem:v1+s24+$0x120 ss:$0x1], $0xffff;
	v11 =	vadd.f32 v57, v11  }
0x225: {  	v12 =	vadd.f32 v59, v50;
	v3 =	vadd.f32 v3, v16;
	v16 =	vld.idx.msk [tilespmem:v1+s24+$0x1B0 ss:$0x1], $0xffff;
	v50 =	vmul.f32 v54, v13  }
0x226: {  	v10 =	vadd.f32 v58, v10;
	v54 =	vmul.f32 v32, v13;
	v32 =	vld.idx.msk [tilespmem:v1+s24+$0x240 ss:$0x1], $0xffff;
	v57 =	vmul.f32 v46, v13  }
0x227: {  	v4 =	vadd.f32 v60, v4;
	v58 =	vmul.f32 v44, v13;
	v13 =	vmul.f32 v48, v13;
	v48 =	vld.idx.msk [tilespmem:v1+s24+$0x2D0 ss:$0x1], $0xffff  }
0x228: {  	v18 =	vadd.f32 v62, v18;
	v7 =	vadd.f32 v55, v7;
	v55 =	vld.idx.msk [tilespmem:v1+s24+$0x310 ss:$0x1], $0xffff  }
0x229: {  	v19 =	vadd.f32 v30, v19;
	v5 =	vadd.f32 v9, v5;
	v62 =	vor.u32 $0x6, v8;
	v31 =	vld.idx.msk [tilespmem:v61+s14+$0x0], $0xffff  }
0x22a: {  	v61 =	vor.u32 $0x4, v8;
	v59 =	vmul.f32 v42, v2;
	v60 =	vmul.f32 v49, v2;
	v42 =	vld.idx.msk [tilespmem:v1+s24+$0x2A0 ss:$0x1], $0xffff  }
0x22b: {  	v46 =	vmul.f32 v40, v2;
	v0 =	vadd.f32 v2, v0;
	v9 =	vadd.f32 v54, v21;
	v30 =	vld.idx.msk [tilespmem:v53+s14+$0x0], $0xffff  }
0x22c: {  	v36 =	vmul.f32 v36, v2;
	v49 =	vld.idx.msk [tilespmem:v1+s24+$0x2E0 ss:$0x1], $0xffff;
	v17 =	vadd.f32 v57, v17;
	v14 =	vadd.f32 v58, v14  }
0x22d: {  	v40 =	vld.idx.msk [tilespmem:v1+s24+$0x3A0 ss:$0x1], $0xffff;
	v6 =	vadd.f32 v13, v6;
	v57 =	vor.u32 $0x7, v8;
	v22 =	vmul.f32 v22, v2  }
0x22e: {  	v54 =	vld.idx.msk [tilespmem:v1+s24+$0x300 ss:$0x1], $0xffff;
	v13 =	vadd.f32 v60, v23;
	v51 =	vmul.f32 v27, v31;
	v52 =	vmul.f32 v33, v31  }
0x22f: {  	v58 =	vld.idx.msk [tilespmem:v1+s24+$0x340 ss:$0x1], $0xffff;
	v17 =	vadd.f32 v46, v17;
	v16 =	vmul.f32 v16, v31;
	v53 =	vmul.f32 v29, v31  }
0x230: {  	v14 =	vadd.f32 v36, v14;
	v33 =	vld.idx.msk [tilespmem:v62+s14+$0x0], $0xffff;
	v44 =	vmul.f32 v45, v30;
	v48 =	vmul.f32 v48, v30;
	v28 =	vpop (erf)  }
0x231: {  	v36 =	vld.idx.msk [tilespmem:v1+s24+$0x390 ss:$0x1], $0xffff;
	v0 =	vadd.f32 v31, v0;
	v49 =	vmul.f32 v49, v30;
	v11 =	vmul.f32 v11, v28  }
0x232: {  	s19 =	sand.u32 $0x3FFFFF80, s19;
	v9 =	vadd.f32 v22, v9;
	v21 =	vld.idx.msk [tilespmem:v57+s14+$0x0], $0xffff;
	v10 =	vmul.f32 v10, v28;
	v63 =	vmul.f32 v12, v28  }
0x233: {  	v12 =	vld.idx.msk [tilespmem:v1+s24+$0x1D0 ss:$0x1], $0xffff;
	v3 =	vmul.f32 v3, v28;
	v4 =	vmul.f32 v4, v28;
	[tilespmem:v34+s19+$0x0 ss:$0x1] =	vst.idx.msk $0xffff, v11  }
0x234: {  	v45 =	vld.idx.msk [tilespmem:v1+s24+$0x3C0 ss:$0x1], $0xffff;
	v38 =	vmul.f32 v19, v28;
	v5 =	vmul.f32 v5, v28;
	[tilespmem:v34+s19+$0x10 ss:$0x1] =	vst.idx.msk $0xffff, v10  }
0x235: {  	v29 =	vmul.f32 v54, v33;
	v58 =	vmul.f32 v58, v33;
	v11 =	vld.idx.msk [tilespmem:v1+s24+$0x1F0 ss:$0x1], $0xffff;
	[tilespmem:v34+s19+$0x20 ss:$0x1] =	vst.idx.msk $0xffff, v63  }
0x236: {  	v10 =	vld.idx.msk [tilespmem:v1+s24+$0x1E0 ss:$0x1], $0xffff;
	v63 =	vmul.f32 v39, v2;
	[tilespmem:v34+s19+$0x30 ss:$0x1] =	vst.idx.msk $0xffff, v3;
	v3 =	vmul.f32 v18, v28  }
0x237: {  	v9 =	vadd.f32 v52, v9;
	v18 =	vld.idx.msk [tilespmem:v61+s14+$0x0], $0xffff;
	v61 =	vmul.f32 v43, v2;
	v2 =	vmul.f32 v35, v2  }
0x238: {  	v52 =	vld.idx.msk [tilespmem:v1+s24+$0x3F0 ss:$0x1], $0xffff;
	v12 =	vmul.f32 v12, v31;
	[tilespmem:v34+s19+$0x40 ss:$0x1] =	vst.idx.msk $0xffff, v4;
	v4 =	vadd.f32 v50, v41  }
0x239: {  	v19 =	vld.idx.msk [tilespmem:v1+s24+$0x200 ss:$0x1], $0xffff;
	v15 =	vadd.f32 v63, v15;
	v50 =	vmul.f32 v47, v31;
	v7 =	vadd.f32 v61, v7  }
0x23a: {  	v43 =	vld.idx.msk [tilespmem:v1+s24+$0x2B0 ss:$0x1], $0xffff;
	[tilespmem:v34+s19+$0x50 ss:$0x1] =	vst.idx.msk $0xffff, v3;
	v2 =	vadd.f32 v2, v6;
	v6 =	vadd.f32 v51, v13  }
0x23b: {  	v35 =	vld.idx.msk [tilespmem:v1+s24+$0x2F0 ss:$0x1], $0xffff;
	v12 =	vadd.f32 v12, v17;
	v11 =	vmul.f32 v11, v31;
	[tilespmem:v34+s19+$0x60 ss:$0x1] =	vst.idx.msk $0xffff, v38  }
0x23c: {  	v41 =	vld.idx.msk [tilespmem:v1+s24+$0x280 ss:$0x1], $0xffff;
	v4 =	vadd.f32 v59, v4;
	v15 =	vadd.f32 v53, v15;
	v10 =	vmul.f32 v10, v31  }
0x23d: {  	v63 =	vld.idx.msk [tilespmem:v1+s24+$0x370 ss:$0x1], $0xffff;
	v53 =	vmul.f32 v55, v33;
	v55 =	vmul.f32 v56, v33;
	v7 =	vadd.f32 v16, v7  }
0x23e: {  	v47 =	vld.idx.msk [tilespmem:v1+s24+$0x3D0 ss:$0x1], $0xffff;
	v2 =	vadd.f32 v11, v2;
	v19 =	vmul.f32 v19, v18;
	v59 =	vmul.f32 v20, v18  }
0x23f: {  	v3 =	vld.idx.msk [tilespmem:v1+s24+$0x210 ss:$0x1], $0xffff;
	v4 =	vadd.f32 v50, v4;
	v60 =	vmul.f32 v26, v18;
	v62 =	vmul.f32 v32, v18  }
0x240: {  	v17 =	vld.idx.msk [tilespmem:v1+s24+$0x330 ss:$0x1], $0xffff;
	v10 =	vadd.f32 v10, v14;
	v28 =	vmul.f32 v37, v18;
	v24 =	vmul.f32 v24, v18  }
0x241: {  	v38 =	vld.idx.msk [tilespmem:v1+s24+$0x290 ss:$0x1], $0xffff;
	v0 =	vadd.f32 v18, v0;
	v31 =	vmul.f32 v25, v18;
	v51 =	vmul.f32 v35, v30  }
0x242: {  	v56 =	vld.idx.msk [tilespmem:v1+s24+$0x400 ss:$0x1], $0xffff;
	v32 =	vmul.f32 v41, v30;
	v41 =	vmul.f32 v43, v30;
	v4 =	vadd.f32 v19, v4  }
0x243: {  	[tilespmem:v34+s19+$0x70 ss:$0x1] =	vst.idx.msk $0xffff, v5;
	v43 =	vor.u32 $0x8, v8;
	v61 =	vadd.f32 v59, v9;
	v7 =	vadd.f32 v60, v7  }
0x244: {  	v20 =	vld.idx.msk [tilespmem:v1+s24+$0x350 ss:$0x1], $0xffff;
	v3 =	vmul.f32 v3, v18;
	v9 =	vadd.f32 v62, v15;
	v11 =	vadd.f32 v28, v12  }
0x245: {  	v50 =	vld.idx.msk [tilespmem:v1+s24+$0x3E0 ss:$0x1], $0xffff;
	v8 =	vor.u32 $0x9, v8;
	v10 =	vadd.f32 v24, v10;
	v2 =	vadd.f32 v31, v2  }
0x246: {  	v14 =	vmul.f32 v63, v33;
	v63 =	vld.idx.msk [tilespmem:v1+s24+$0x430 ss:$0x1], $0xffff;
	v0 =	vadd.f32 v30, v0;
	v3 =	vadd.f32 v3, v6  }
0x247: {  	v19 =	vld.idx.msk [tilespmem:v1+s24+$0x360 ss:$0x1], $0xffff;
	v57 =	vmul.f32 v17, v33;
	v4 =	vadd.f32 v32, v4;
	v46 =	vadd.f32 v41, v7  }
0x248: {  	v18 =	vld.idx.msk [tilespmem:v1+s24+$0x380 ss:$0x1], $0xffff;
	v37 =	vmul.f32 v38, v30;
	v9 =	vadd.f32 v44, v9;
	v11 =	vadd.f32 v48, v11  }
0x249: {  	v59 =	vld.idx.msk [tilespmem:v1+s24+$0x410 ss:$0x1], $0xffff;
	v38 =	vmul.f32 v42, v30;
	v10 =	vadd.f32 v49, v10;
	v2 =	vadd.f32 v51, v2  }
0x24a: {  	v0 =	vadd.f32 v33, v0;
	v32 =	vmul.f32 v40, v21;
	v7 =	vmul.f32 v47, v21;
	v54 =	vld.idx.msk [tilespmem:v43+s14+$0x0], $0xffff  }
0x24b: {  	v31 =	vld.idx.msk [tilespmem:v1+s24+$0x440 ss:$0x1], $0xffff;
	v41 =	vmul.f32 v52, v21;
	v6 =	vadd.f32 v38, v61;
	v3 =	vadd.f32 v37, v3  }
0x24c: {  	v60 =	vmul.f32 v20, v33;
	v4 =	vadd.f32 v29, v4;
	v5 =	vadd.f32 v57, v46;
	v8 =	vld.idx.msk [tilespmem:v8+s14+$0x0], $0xffff  }
0x24d: {  	v42 =	vld.idx.msk [tilespmem:v1+s24+$0x3B0 ss:$0x1], $0xffff;
	v39 =	vmul.f32 v50, v21;
	v9 =	vadd.f32 v58, v9;
	v0 =	vadd.f32 v21, v0  }
0x24e: {  	v40 =	vld.idx.msk [tilespmem:v1+s24+$0x480 ss:$0x1], $0xffff;
	v2 =	vadd.f32 v14, v2;
	v37 =	vmul.f32 v45, v21;
	v6 =	vadd.f32 v55, v6  }
0x24f: {  	v61 =	vld.idx.msk [tilespmem:v1+s24+$0x420 ss:$0x1], $0xffff;
	v62 =	vmul.f32 v19, v33;
	v11 =	vadd.f32 v60, v11;
	v0 =	vadd.f32 v54, v0  }
0x250: {  	v38 =	vld.idx.msk [tilespmem:v1+s24+$0x470 ss:$0x1], $0xffff;
	v27 =	vmul.f32 v18, v21;
	v3 =	vadd.f32 v53, v3;
	v9 =	vadd.f32 v37, v9  }
0x251: {  	v29 =	vmul.f32 v36, v21;
	v36 =	vld.idx.msk [tilespmem:v1+s24+$0x460 ss:$0x1], $0xffff;
	v2 =	vadd.f32 v41, v2;
	v0 =	vadd.f32 v8, v0  }
0x252: {  	v44 =	vld.idx.msk [tilespmem:v1+s24+$0x4A0 ss:$0x1], $0xffff;
	v35 =	vmul.f32 v42, v21;
	v10 =	vadd.f32 v62, v10;
	v4 =	vadd.f32 v27, v4  }
0x253: {  	v46 =	vld.idx.msk [tilespmem:v1+s24+$0x4B0 ss:$0x1], $0xffff;
	v6 =	vadd.f32 v32, v6;
	v42 =	vmul.f32 v56, v54;
	(erf) = vrcp.f32 v0  }
0x254: {  	v33 =	vld.idx.msk [tilespmem:v1+s24+$0x450 ss:$0x1], $0xffff;
	v7 =	vadd.f32 v7, v11;
	v43 =	vmul.f32 v59, v54;
	v45 =	vmul.f32 v61, v54  }
0x255: {  	v3 =	vadd.f32 v29, v3;
	v47 =	vmul.f32 v63, v54;
	v49 =	vmul.f32 v31, v54;
	v0 =	vld.idx.msk [tilespmem:v1+s24+$0x490 ss:$0x1], $0xffff  }
0x256: {  	v51 =	vld.idx.msk [tilespmem:v1+s24+$0x4D0 ss:$0x1], $0xffff;
	v5 =	vadd.f32 v35, v5;
	v52 =	vmul.f32 v36, v54;
	v13 =	vmul.f32 v38, v54  }
0x257: {  	v57 =	vld.idx.msk [tilespmem:v1+s24+$0x4F0 ss:$0x1], $0xffff;
	v10 =	vadd.f32 v39, v10;
	v53 =	vmul.f32 v40, v8;
	v55 =	vmul.f32 v44, v8  }
0x258: {  	v48 =	vld.idx.msk [tilespmem:v1+s24+$0x4C0 ss:$0x1], $0xffff;
	v56 =	vmul.f32 v46, v8;
	v4 =	vadd.f32 v42, v4;
	v3 =	vadd.f32 v43, v3  }
0x259: {  	v50 =	vmul.f32 v33, v54;
	v54 =	vld.idx.msk [tilespmem:v1+s24+$0x4E0 ss:$0x1], $0xffff;
	v6 =	vadd.f32 v45, v6;
	v5 =	vadd.f32 v47, v5  }
0x25a: {  	v9 =	vadd.f32 v49, v9;
	v10 =	vadd.f32 v52, v10;
	v0 =	vmul.f32 v0, v8  }
0x25b: {  	v58 =	vmul.f32 v51, v8;
	v2 =	vadd.f32 v13, v2;
	v4 =	vadd.f32 v53, v4  }
0x25c: {  	v62 =	vmul.f32 v57, v8;
	v7 =	vadd.f32 v50, v7;
	v0 =	vadd.f32 v0, v3;
	v59 =	vpop (erf)  }
0x25d: {  	v6 =	vadd.f32 v55, v6;
	v3 =	vmul.f32 v48, v8;
	v4 =	vmul.f32 v4, v59  }
0x25e: {  	s23 =	sand.u32 $0x3FFFFF80, s20;
	v5 =	vadd.f32 v56, v5;
	v60 =	vmul.f32 v54, v8;
	v0 =	vmul.f32 v0, v59  }
0x25f: {  	v3 =	vadd.f32 v3, v9;
	v61 =	vmul.f32 v6, v59;
	[tilespmem:v34+s23+$0x0 ss:$0x1] =	vst.idx.msk $0xffff, v4  }
0x260: {  	v7 =	vadd.f32 v58, v7;
	[tilespmem:v34+s23+$0x10 ss:$0x1] =	vst.idx.msk $0xffff, v0;
	v0 =	vmul.f32 v5, v59  }
0x261: {  	p0 =	slt.u32 s18, $0x24;
	v63 =	vadd.f32 v60, v10;
	v3 =	vmul.f32 v3, v59;
	[tilespmem:v34+s23+$0x20 ss:$0x1] =	vst.idx.msk $0xffff, v61  }
.Ltmp0:
0x262: {  	v2 =	vadd.f32 v62, v2;
	[tilespmem:v34+s23+$0x30 ss:$0x1] =	vst.idx.msk $0xffff, v0;
	v0 =	vmul.f32 v7, v59;
	(pc) =	sbr.rel @p0 .LBB2_3-.Ltmp0, $4  }
0x263: {  	[tilespmem:v34+s23+$0x40 ss:$0x1] =	vst.idx.msk $0xffff, v3;
	v3 =	vmul.f32 v63, v59  }
0x264: {  	[tilespmem:v34+s23+$0x50 ss:$0x1] =	vst.idx.msk $0xffff, v0;
	v0 =	vmul.f32 v2, v59  }
0x265: {  	s24 =	sadd.s32 $0x4, s18;
	[tilespmem:v34+s23+$0x60 ss:$0x1] =	vst.idx.msk $0xffff, v3  }
0x266: {  	s18 =	smov.u32 s24;
	[tilespmem:v34+s23+$0x70 ss:$0x1] =	vst.idx.msk $0xffff, v0  }
0x267: {  	s18 =	sadd.s32 $0x2, s30  }
0x268: {  	p0 =	sge.u32 s18, s8  }
0x269: {  	s18 =	sshll.u32 @!p0 s18, $0x5  }
0x26a: {  	s18 =	sor.u32 @!p0 s7, s18  }
0x26b: {  	s19 =	sshll.u32 @!p0 s18, $0x6  }
0x26c: {  	s19 =	sand.u32 @!p0 $0x1FFFFFC0, s19  }
0x26d: {  	s0 =	sshll.u32 @!p0 s0, $0x9;
	s20 =	simm.s32 @!p0 $0x0;
	s19 =	sadd.s32 @!p0 s5, s19  }
0x26e: {  	[tilespmem:s0], [sflag:$0x1] =	stream.linear.gather @!p0 [hbm4b:s19+s20], $0x200, $0x38;
	[tilespmem:$0x1E400] =	vst v63  }
0x26f: {  	s0 =	smul.u32 @!p0 $0x280, s18  }
0x270: {  	s23 =	sshll.u32 s30, $0x5;
	s4 =	sshrl.u32 @!p0 s4, $0x2  }
0x271: {  	s4 =	sadd.s32 @!p0 $0x400, s4;
	s18 =	sor.u32 s7, s23;
	s0 =	sadd.s32 @!p0 s6, s0  }
0x272: {  	[tilespmem:s4], [sflag:$0x1] =	stream.linear.gather @!p0 [hbm4b:s0+s20], $0x1400, $0x38;
	[tilespmem:$0x1E400] =	vst v63  }
0x273: {  	s18 =	smul.u32 $0x1400, s18;
	p0 =	sne.s32 s31, s8  }
.Ltmp1:
0x274: {  	_ = 	snop;
	(pc) =	sbr.rel @p0 .LBB2_2-.Ltmp1, $4  }
0x275: {  	_ = 	snop  }
0x276: {  	s24 =	sshrl.u32 s18, $0x3  }
0x277: {  	s30 =	smov.u32 s31;
	s0 =	sadd.s32 s2, s24  }
0x278: {  	[hbm4b:s0+s3] =	stream.linear.scatter [tilespmem:s17], [sflag:$0x3], $0x1400, $0x38;
	[tilespmem:$0x1E400] =	vst v63  }
0x279: {  	s29 =	sadd.s32 $0x1, s29  }
0x27a: {  	_ =	swait.ge [sflag:s28], $0x1400;
	p0 =	sne.s32 s29, s13  }
.Ltmp2:
0x27b: {  	[sflag:s28] =	ssyncset.done $0x0;
	(pc) =	sbr.rel @p0 .LBB2_1-.Ltmp2, $4  }
0x27c: {  	[sflag:s28] =	ssyncadd.s32 $0xFFFFEC00  }
0x27d: {  	_ =	swait.ge [sflag:s28], $0x1400  }
0x27e: {  	[sflag:s28] =	ssyncset.done $0x0  }
0x27f: {  	[sflag:s28] =	ssyncadd.s32 $0xFFFFEC00  }
0x280: {  	_ =	sfence.sel $0x180000  }
0x281: {  	[bflag:$0x0] =	sbarrier.arrive $0xFFFF  }
0x282: {  	_ =	strace $0x90000047  }
0x283: {  	s0 =	stileid.u32;
	[bflag:$0x2] =	sbarrier.arrive $0xFFFF  }
0x284: {  	p0 =	sne.s32 s0, $0x0;
	s0 =	rddreg [dreg:$0x3]  }
0x285: {  	s0 =	sadd.s32 @!p0 $0x100000, s0  }
0x286: {  	[sflag:s0] =	ssyncadd.tile.s32 @!p0 $0x1;
	_ =	shalt  }
.Lfunc_end2:
_tile_overlayer_lowered:
.L_overlay_start_2:
0x287: {  	(tag) =	ssettag $0x2  }
0x288: {  	s0 =	rddreg [dreg:$0x0];
	s2 =	stileid.u32  }
0x289: {  	s1 =	rddreg [dreg:$0x1];
	p0 =	sne.s32 s2, $0x0  }
0x28a: {  	s3 =	rddreg [dreg:$0x2];
	[bflag:$0x3] =	sbarrier.arrive $0xFFFF;
	s2 =	simm.s32 @!p0 $0x1C04  }
0x28b: {  	[timem:s3], [sflag:s2] =	dma.local @!p0 [hbm:s0], s1  }
0x28c: {  	s0 =	simm.s32 @!p0 $0x4  }
0x28d: {  	_ =	swait.ge @!p0 [sflag:s0], s1  }
0x28e: {  	s1 =	ssub.s32 @!p0 $0x0, s1;
	[sflag:s0] =	ssyncset.done @!p0 $0x0  }
0x28f: {  	[sflag:s0] =	ssyncadd.s32 @!p0 s1  }
0x290: {  	[bflag:$0x3] =	sbarrier.arrive $0xFFFF  }
0x291: {  	_ =	shalt  }

</sc_bundles>
